<compile_context>
chip_gen: v7x
topology: tpu7x:2x2x1
jax: 0.10.2.dev20260603
libtpu: 0.0.44.dev20260713+nightly
codegen_flags: <defaults>
</compile_context>

<pallas_src>
import functools

import jax
import jax.numpy as jnp
from jax import lax
from jax.experimental import pallas as pl
from jax.experimental.pallas import tpu as pltpu
from jax.experimental.pallas import tpu_sc as plsc

_EPS = 1e-6
_SENTINEL = -2.0e30
_THRESH = -1.0e30

_NC = 2
_NS = 16
_NW = _NC * _NS
_LANES = 16
_CHUNK = 4000
_UNROLL = 5
_NACC = 4


def _newton_rsqrt(x):
    i = plsc.bitcast(x, jnp.int32)
    i = jnp.int32(0x5F3759DF) - (i >> 1)
    y = plsc.bitcast(i, jnp.float32)
    for _ in range(3):
        y = y * (1.5 - 0.5 * x * y * y)
    return y


def _edge_body(beta_hbm, sidx_hbm, si_hbm, sj_hbm, z_hbm, out_hbm,
               table_v, sidx_v, bvals, ibuf0, jbuf0, ibuf1, jbuf1,
               zi_rows, zj_rows, acc_ref, gflags, sem0, sem1, semz):
    n = beta_hbm.shape[0]
    s = sidx_hbm.shape[0]
    n_edges = si_hbm.shape[0]
    e_per = n_edges // _NW
    wid = lax.axis_index("s") * _NC + lax.axis_index("c")
    base = wid * e_per
    n_chunks = e_per // _CHUNK
    n_pairs = (n_chunks - 1) // 2

    pltpu.sync_copy(sidx_hbm, sidx_v)
    cpb = pltpu.async_copy(beta_hbm.at[sidx_v], bvals, semz)
    pltpu.async_copy(si_hbm.at[pl.ds(base, _CHUNK)], ibuf0, sem0)
    pltpu.async_copy(sj_hbm.at[pl.ds(base, _CHUNK)], jbuf0, sem0)
    sent16 = jnp.full((_LANES,), jnp.float32(_SENTINEL))

    def fill(v, carry):
        for u in range(10):
            table_v[pl.ds(v * (10 * _LANES) + u * _LANES, _LANES)] = sent16
        return carry

    lax.fori_loop(0, n // (10 * _LANES), fill, 0)
    cpb.wait()

    def put(v, carry):
        sv = sidx_v[pl.ds(v * _LANES, _LANES)]
        plsc.store_scatter(table_v, [sv], bvals[pl.ds(v * _LANES, _LANES)])
        return carry

    lax.fori_loop(0, s // _LANES, put, 0)

    acc_ref[...] = jnp.zeros((_LANES,), jnp.float32)
    iota = lax.iota(jnp.int32, _LANES)
    d_true = z_hbm.shape[1]

    zero16 = jnp.zeros((_LANES,), jnp.float32)
    n_groups = _CHUNK // (_UNROLL * _LANES)

    def process(buf_i, buf_j):
        @plsc.parallel_loop(0, n_groups, carry=(zero16,) * _NACC, unroll=2)
        def accs(g, accs):
            gbase = g * (_UNROLL * _LANES)
            lo = jnp.float32(2.0 * _SENTINEL)
            gmaxs = [jnp.full((_LANES,), lo) for _ in range(_NACC)]
            accs = list(accs)
            for u in range(_UNROLL):
                ii = buf_i[pl.ds(gbase + u * _LANES, _LANES)]
                jj = buf_j[pl.ds(gbase + u * _LANES, _LANES)]
                bsum = (plsc.load_gather(table_v, [ii])
                        + plsc.load_gather(table_v, [jj]))
                r = u % _NACC
                accs[r] = accs[r] + jnp.where(bsum > _THRESH, bsum, 0.0)
                gmaxs[r] = jnp.maximum(gmaxs[r], bsum)
            gmax = jnp.maximum(jnp.maximum(gmaxs[0], gmaxs[1]),
                               jnp.maximum(gmaxs[2], gmaxs[3]))
            gflags[g] = jnp.max(gmax)
            return tuple(accs)

        def slow_group(g, carry):
            @pl.when(gflags[g] > _THRESH)
            def _():
                gbase = g * (_UNROLL * _LANES)

                def redo(u, _):
                    ii = buf_i[pl.ds(gbase + u * _LANES, _LANES)]
                    jj = buf_j[pl.ds(gbase + u * _LANES, _LANES)]
                    bsum = (plsc.load_gather(table_v, [ii])
                            + plsc.load_gather(table_v, [jj]))
                    hit = bsum > _THRESH

                    @pl.when(jnp.any(hit))
                    def _():
                        cpi = pltpu.async_copy(z_hbm.at[ii], zi_rows, semz)
                        cpj = pltpu.async_copy(z_hbm.at[jj], zj_rows, semz)
                        cpi.wait()
                        cpj.wait()
                        ss = zero16
                        for k in range(d_true):
                            ksp = jnp.full((_LANES,), k, jnp.int32)
                            a = plsc.load_gather(zi_rows, [iota, ksp])
                            b = plsc.load_gather(zj_rows, [iota, ksp])
                            dv = a - b + _EPS
                            ss = ss + dv * dv
                        x = jnp.maximum(ss, 1e-35)
                        dist = x * _newton_rsqrt(x)
                        acc_ref[...] = acc_ref[...] - jnp.where(hit, dist, 0.0)

                    return 0

                lax.fori_loop(0, _UNROLL, redo, 0)

            return carry

        lax.fori_loop(0, n_groups, slow_group, 0)
        return (accs[0] + accs[1]) + (accs[2] + accs[3])

    def issue(ci, bi, bj, sem):
        off = base + ci * _CHUNK
        pltpu.async_copy(si_hbm.at[pl.ds(off, _CHUNK)], bi, sem)
        pltpu.async_copy(sj_hbm.at[pl.ds(off, _CHUNK)], bj, sem)

    def drain(bi, bj, sem):
        pltpu.make_async_copy(si_hbm.at[pl.ds(0, _CHUNK)], bi, sem).wait()
        pltpu.make_async_copy(sj_hbm.at[pl.ds(0, _CHUNK)], bj, sem).wait()

    def pair_body(k, acc):
        drain(ibuf0, jbuf0, sem0)
        issue(2 * k + 1, ibuf1, jbuf1, sem1)
        acc = acc + process(ibuf0, jbuf0)
        drain(ibuf1, jbuf1, sem1)
        issue(2 * k + 2, ibuf0, jbuf0, sem0)
        acc = acc + process(ibuf1, jbuf1)
        return acc

    acc = lax.fori_loop(0, n_pairs, pair_body, zero16)
    drain(ibuf0, jbuf0, sem0)
    acc = acc + process(ibuf0, jbuf0)
    acc_ref[...] = acc_ref[...] + acc
    pltpu.sync_copy(acc_ref, out_hbm.at[wid])


def _edge_sums(beta, sample_idx, sparse_i, sparse_j, z_pad):
    n = beta.shape[0]
    s = sample_idx.shape[0]
    d = z_pad.shape[1]
    mesh = plsc.VectorSubcoreMesh(core_axis_name="c", subcore_axis_name="s")
    kfn = pl.kernel(
        _edge_body,
        mesh=mesh,
        compiler_params=pltpu.CompilerParams(
            needs_layout_passes=False, use_tc_tiling_on_sc=False),
        out_type=jax.ShapeDtypeStruct((_NW, _LANES), jnp.float32),
        scratch_types=[
            pltpu.VMEM((n,), jnp.float32),
            pltpu.VMEM((s,), jnp.int32),
            pltpu.VMEM((s,), jnp.float32),
            pltpu.VMEM((_CHUNK,), jnp.int32),
            pltpu.VMEM((_CHUNK,), jnp.int32),
            pltpu.VMEM((_CHUNK,), jnp.int32),
            pltpu.VMEM((_CHUNK,), jnp.int32),
            pltpu.VMEM((_LANES, d), jnp.float32),
            pltpu.VMEM((_LANES, d), jnp.float32),
            pltpu.VMEM((_LANES,), jnp.float32),
            pltpu.SMEM((_CHUNK // (_UNROLL * _LANES),), jnp.float32),
            pltpu.SemaphoreType.DMA,
            pltpu.SemaphoreType.DMA,
            pltpu.SemaphoreType.DMA,
        ],
    )
    return kfn(beta, sample_idx, sparse_i, sparse_j, z_pad)


_RB = 256


def _dense_body(zi_ref, zt_ref, bc_ref, br_ref, out_ref, *, d_true):
    i = pl.program_id(0)
    zi = zi_ref[...]
    zt = zt_ref[...]
    g = jnp.dot(zi, zt, preferred_element_type=jnp.float32)
    pi = (jnp.sum(zi * zi, axis=1, keepdims=True)
          + (2.0 * _EPS) * jnp.sum(zi, axis=1, keepdims=True))
    qj = (jnp.sum(zt * zt, axis=0, keepdims=True)
          - (2.0 * _EPS) * jnp.sum(zt, axis=0, keepdims=True))
    d2 = jnp.maximum(pi + qj - 2.0 * g + d_true * _EPS * _EPS, 0.0)
    expo = bc_ref[...] + br_ref[...] - jnp.sqrt(d2)
    mat = jnp.exp(expo)
    rows = lax.broadcasted_iota(jnp.int32, mat.shape, 0) + i * _RB
    cols = lax.broadcasted_iota(jnp.int32, mat.shape, 1)
    mat = jnp.where(rows == cols, 0.0, mat)

    @pl.when(i == 0)
    def _():
        out_ref[...] = jnp.zeros((1, 1), jnp.float32)

    out_ref[...] = out_ref[...] + jnp.sum(mat)


def _dense_sum(zs_pad, zs_t, b_col, b_row, d_true):
    sp = zs_pad.shape[0]
    dp = zs_pad.shape[1]
    grid = (sp // _RB,)
    return pl.pallas_call(
        functools.partial(_dense_body, d_true=d_true),
        grid=grid,
        in_specs=[
            pl.BlockSpec((_RB, dp), lambda i: (i, 0)),
            pl.BlockSpec((dp, sp), lambda i: (0, 0)),
            pl.BlockSpec((_RB, 1), lambda i: (i, 0)),
            pl.BlockSpec((1, sp), lambda i: (0, 0)),
        ],
        out_specs=pl.BlockSpec((1, 1), lambda i: (0, 0)),
        out_shape=jax.ShapeDtypeStruct((1, 1), jnp.float32),
    )(zs_pad, zs_t, b_col, b_row)


def kernel(beta, latent_Z, sparse_i, sparse_j, sample_idx):
    n = beta.shape[0]
    d_true = latent_Z.shape[1]
    s = sample_idx.shape[0]

    edge_parts = _edge_sums(beta, sample_idx, sparse_i, sparse_j, latent_Z)
    z_pdist2 = jnp.sum(edge_parts)

    sp = ((s + _RB - 1) // _RB) * _RB
    zs = latent_Z[sample_idx]
    bs = beta[sample_idx]
    zs_pad = jnp.zeros((sp, 128), jnp.float32).at[:s, :d_true].set(zs)
    b_col = jnp.full((sp, 1), -1.0e30, jnp.float32).at[:s, 0].set(bs)
    zs_t = zs_pad.T
    b_row = b_col.T
    z_pdist1 = 0.5 * _dense_sum(zs_pad, zs_t, b_col, b_row, d_true)[0, 0]

    return z_pdist2 - z_pdist1

# --- scband reference (transcript-rebuilt; emitter-appended) ---
"""Pipeline reference for scband-lsm-49048526520353 (READ-ONLY COPY).

The authoritative reference and input builder live on the scoring server;
editing this copy changes nothing except your own understanding.
"""

import jax, jax.numpy as jnp
import numpy as np

N = 100000   # number of nodes
D = 8        # latent dim d
E = 3200000  # number of (directed) edges in sparse_i/sparse_j
S = 2000     # sample_size = round(0.02 * N)


def setup_inputs(seed: int = 0) -> dict:
    key = jax.random.key(seed)
    k1, k2, k3, k4, k5 = jax.random.split(key, 5)
    sparse_i = jax.random.randint(k1, (E,), 0, N, dtype=jnp.int32)
    sparse_j = jax.random.randint(k2, (E,), 0, N, dtype=jnp.int32)
    # torch.multinomial(ones(N), S, replacement=False) == uniform subset without replacement
    sample_idx = jax.random.permutation(k3, N)[:S].astype(jnp.int32)
    # learned parameters of LSM
    beta = jax.random.normal(k4, (N,), dtype=jnp.float32)
    latent_Z = jax.random.normal(k5, (N, D), dtype=jnp.float32)
    return {
        "beta": beta,
        "latent_Z": latent_Z,
        "sparse_i": sparse_i,
        "sparse_j": sparse_j,
        "sample_idx": sample_idx,
    }


def reference(beta, latent_Z, sparse_i, sparse_j, sample_idx):
    # --- sample_network(): spspmm with a diagonal 'translator' selects edges whose
    # both endpoints are inside the sampled node set (indices kept in original ids).
    n = beta.shape[0]
    in_sample = jnp.zeros((n,), dtype=jnp.float32).at[sample_idx].set(1.0)

    # --- log_likelihood():
    # dense non-link term over the sampled S x S block
    beta_s = beta[sample_idx]                       # gather [S]
    Z_s = latent_Z[sample_idx]                      # gather [S, D]
    bmat = beta_s[:, None] + beta_s[None, :]        # [S, S]
    diff = Z_s[:, None, :] - Z_s[None, :, :] + 1e-06
    dist = jnp.sqrt((diff ** 2).sum(-1))            # [S, S]
    mat = jnp.exp(bmat - dist)
    z_pdist1 = 0.5 * (mat - jnp.diag(jnp.diagonal(mat))).sum()

    # sparse link term over edges restricted to the sampled set (masked sum ==
    # summing only over the spspmm-selected edges)
    ediff = latent_Z[sparse_i] - latent_Z[sparse_j] + 1e-06   # gathers [E, D]
    edist = jnp.sqrt((ediff ** 2).sum(-1))                    # [E]
    e_term = beta[sparse_i] + beta[sparse_j] - edist          # gathers [E]
    emask = in_sample[sparse_i] * in_sample[sparse_j]         # gathers [E]
    z_pdist2 = (e_term * emask).sum()

    log_likelihood_sparse = z_pdist2 - z_pdist1
    return log_likelihood_sparse

if __name__ == "__main__":
    import jax
    _d = setup_inputs()
    print(jax.jit(kernel)(*tuple(_d.values())))

</pallas_src>

<mosaic_0001>
#map = affine_map<(d0, d1) -> (0)>
#map1 = affine_map<(d0, d1) -> (0, 0)>
module attributes {stable_mosaic.version = 14 : i64} {
  func.func @_edge_body(%arg0: i32, %arg1: i32, %arg2: memref<100000xf32, #tpu.memory_space<hbm>>, %arg3: memref<2000xi32, #tpu.memory_space<hbm>>, %arg4: memref<3200000xi32, #tpu.memory_space<hbm>>, %arg5: memref<3200000xi32, #tpu.memory_space<hbm>>, %arg6: memref<100000x8xf32, #tpu.memory_space<hbm>>, %arg7: memref<32x16xf32, #tpu.memory_space<hbm>>, %arg8: memref<100000xf32, #tpu.memory_space<vmem>>, %arg9: memref<2000xi32, #tpu.memory_space<vmem>>, %arg10: memref<2000xf32, #tpu.memory_space<vmem>>, %arg11: memref<4000xi32, #tpu.memory_space<vmem>>, %arg12: memref<4000xi32, #tpu.memory_space<vmem>>, %arg13: memref<4000xi32, #tpu.memory_space<vmem>>, %arg14: memref<4000xi32, #tpu.memory_space<vmem>>, %arg15: memref<16x8xf32, #tpu.memory_space<vmem>>, %arg16: memref<16x8xf32, #tpu.memory_space<vmem>>, %arg17: memref<16xf32, #tpu.memory_space<vmem>>, %arg18: memref<50xf32, #tpu.memory_space<smem>>, %arg19: memref<!tpu.dma_semaphore, #tpu.memory_space<semaphore_mem>>, %arg20: memref<!tpu.dma_semaphore, #tpu.memory_space<semaphore_mem>>, %arg21: memref<!tpu.dma_semaphore, #tpu.memory_space<semaphore_mem>>) attributes {dimension_semantics = [#tpu.dimension_semantics<core_parallel>, #tpu.dimension_semantics<subcore_parallel>], iteration_bounds = array<i64: 2, 16>, scalar_prefetch = 0 : i64, scratch_operands = 14 : i64, tpu.core_type = #tpu.core_type<sc_vector_subcore>, window_params = [{transform_indices = #map}, {transform_indices = #map}, {transform_indices = #map}, {transform_indices = #map}, {transform_indices = #map1}, {transform_indices = #map1}]} {
    %mul3A = arith.constant 2 : i32
    %mul3A_0 = arith.muli %arg1, %mul3A : i32
    %add3A = arith.addi %mul3A_0, %arg0 : i32
    %mul3A_1 = arith.constant 100000 : i32
    %mul3A_2 = arith.muli %add3A, %mul3A_1 : i32
    "tpu.region"() ({
      %run_scoped3A = tpu.sem_alloc : memref<!tpu.dma_semaphore, #tpu.memory_space<semaphore_mem>>
      tpu.enqueue_dma source(%arg3 : memref<2000xi32, #tpu.memory_space<hbm>>) target(%arg9 : memref<2000xi32, #tpu.memory_space<vmem>>) target_semaphore(%run_scoped3A : memref<!tpu.dma_semaphore, #tpu.memory_space<semaphore_mem>>)
      tpu.wait_dma2 semaphore(%run_scoped3A : memref<!tpu.dma_semaphore, #tpu.memory_space<semaphore_mem>>) src(%arg3 : memref<2000xi32, #tpu.memory_space<hbm>>) dst(%arg9 : memref<2000xi32, #tpu.memory_space<vmem>>)
      tpu.yield
    }) : () -> ()
    %dma_start3A = arith.constant 0 : i32
    %dma_start3A_3 = tpu.memref_slice %arg2[%dma_start3A] : memref<100000xf32, #tpu.memory_space<hbm>> -> memref<100000xf32, #tpu.memory_space<hbm>>
    tpu.enqueue_indirect_dma source(%dma_start3A_3 : memref<100000xf32, #tpu.memory_space<hbm>>) target(%arg10 : memref<2000xf32, #tpu.memory_space<vmem>>) offsets(%arg9 : memref<2000xi32, #tpu.memory_space<vmem>>) semaphore(%arg21 : memref<!tpu.dma_semaphore, #tpu.memory_space<semaphore_mem>>)
    %dma_start3A_4 = tpu.memref_slice %arg4[%mul3A_2] : memref<3200000xi32, #tpu.memory_space<hbm>> -> memref<4000xi32, #tpu.memory_space<hbm>>
    %dma_start3A_5 = tpu.memref_slice %arg4[%mul3A_2] : memref<3200000xi32, #tpu.memory_space<hbm>> -> memref<4000xi32, #tpu.memory_space<hbm>>
    tpu.enqueue_dma source(%dma_start3A_5 : memref<4000xi32, #tpu.memory_space<hbm>>) target(%arg11 : memref<4000xi32, #tpu.memory_space<vmem>>) target_semaphore(%arg19 : memref<!tpu.dma_semaphore, #tpu.memory_space<semaphore_mem>>)
    %dma_start3A_6 = tpu.memref_slice %arg5[%mul3A_2] : memref<3200000xi32, #tpu.memory_space<hbm>> -> memref<4000xi32, #tpu.memory_space<hbm>>
    %dma_start3A_7 = tpu.memref_slice %arg5[%mul3A_2] : memref<3200000xi32, #tpu.memory_space<hbm>> -> memref<4000xi32, #tpu.memory_space<hbm>>
    tpu.enqueue_dma source(%dma_start3A_7 : memref<4000xi32, #tpu.memory_space<hbm>>) target(%arg12 : memref<4000xi32, #tpu.memory_space<vmem>>) target_semaphore(%arg19 : memref<!tpu.dma_semaphore, #tpu.memory_space<semaphore_mem>>)
    %broadcast_in_dim3A = arith.constant -2.000000e+30 : f32
    %broadcast_in_dim3A_8 = vector.broadcast %broadcast_in_dim3A : f32 to vector<16xf32>
    %scan3A = arith.constant 0 : i32
    %scan3A_9 = arith.constant 0 : i32
    %scan3A_10 = arith.constant 625 : i32
    %scan3A_11 = arith.addi %scan3A_9, %scan3A_10 : i32
    %scan3A_12 = arith.constant 1 : i32
    scf.for %scan3A_57 = %scan3A_9 to %scan3A_11 step %scan3A_12  : i32 {
      %mul3A_58 = arith.constant 160 : i32
      %mul3A_59 = arith.muli %scan3A_57, %mul3A_58 : i32
      %add3A_60 = arith.constant 0 : i32
      %add3A_61 = arith.addi %mul3A_59, %add3A_60 : i32
      %swap3A_62 = arith.index_cast %add3A_61 : i32 to index
      %swap3A_63 = tpu.vector_load %arg8[%swap3A_62] {strides = array<i32>} : memref<100000xf32, #tpu.memory_space<vmem>>, vector<16xf32>,
      tpu.vector_store %arg8[%swap3A_62], %broadcast_in_dim3A_8 {strides = array<i32>} : memref<100000xf32, #tpu.memory_space<vmem>>, vector<16xf32>,
      %mul3A_64 = arith.constant 160 : i32
      %mul3A_65 = arith.muli %scan3A_57, %mul3A_64 : i32
      %add3A_66 = arith.constant 16 : i32
      %add3A_67 = arith.addi %mul3A_65, %add3A_66 : i32
      %swap3A_68 = arith.index_cast %add3A_67 : i32 to index
      %swap3A_69 = tpu.vector_load %arg8[%swap3A_68] {strides = array<i32>} : memref<100000xf32, #tpu.memory_space<vmem>>, vector<16xf32>,
      tpu.vector_store %arg8[%swap3A_68], %broadcast_in_dim3A_8 {strides = array<i32>} : memref<100000xf32, #tpu.memory_space<vmem>>, vector<16xf32>,
      %mul3A_70 = arith.constant 160 : i32
      %mul3A_71 = arith.muli %scan3A_57, %mul3A_70 : i32
      %add3A_72 = arith.constant 32 : i32
      %add3A_73 = arith.addi %mul3A_71, %add3A_72 : i32
      %swap3A_74 = arith.index_cast %add3A_73 : i32 to index
      %swap3A_75 = tpu.vector_load %arg8[%swap3A_74] {strides = array<i32>} : memref<100000xf32, #tpu.memory_space<vmem>>, vector<16xf32>,
      tpu.vector_store %arg8[%swap3A_74], %broadcast_in_dim3A_8 {strides = array<i32>} : memref<100000xf32, #tpu.memory_space<vmem>>, vector<16xf32>,
      %mul3A_76 = arith.constant 160 : i32
      %mul3A_77 = arith.muli %scan3A_57, %mul3A_76 : i32
      %add3A_78 = arith.constant 48 : i32
      %add3A_79 = arith.addi %mul3A_77, %add3A_78 : i32
      %swap3A_80 = arith.index_cast %add3A_79 : i32 to index
      %swap3A_81 = tpu.vector_load %arg8[%swap3A_80] {strides = array<i32>} : memref<100000xf32, #tpu.memory_space<vmem>>, vector<16xf32>,
      tpu.vector_store %arg8[%swap3A_80], %broadcast_in_dim3A_8 {strides = array<i32>} : memref<100000xf32, #tpu.memory_space<vmem>>, vector<16xf32>,
      %mul3A_82 = arith.constant 160 : i32
      %mul3A_83 = arith.muli %scan3A_57, %mul3A_82 : i32
      %add3A_84 = arith.constant 64 : i32
      %add3A_85 = arith.addi %mul3A_83, %add3A_84 : i32
      %swap3A_86 = arith.index_cast %add3A_85 : i32 to index
      %swap3A_87 = tpu.vector_load %arg8[%swap3A_86] {strides = array<i32>} : memref<100000xf32, #tpu.memory_space<vmem>>, vector<16xf32>,
      tpu.vector_store %arg8[%swap3A_86], %broadcast_in_dim3A_8 {strides = array<i32>} : memref<100000xf32, #tpu.memory_space<vmem>>, vector<16xf32>,
      %mul3A_88 = arith.constant 160 : i32
      %mul3A_89 = arith.muli %scan3A_57, %mul3A_88 : i32
      %add3A_90 = arith.constant 80 : i32
      %add3A_91 = arith.addi %mul3A_89, %add3A_90 : i32
      %swap3A_92 = arith.index_cast %add3A_91 : i32 to index
      %swap3A_93 = tpu.vector_load %arg8[%swap3A_92] {strides = array<i32>} : memref<100000xf32, #tpu.memory_space<vmem>>, vector<16xf32>,
      tpu.vector_store %arg8[%swap3A_92], %broadcast_in_dim3A_8 {strides = array<i32>} : memref<100000xf32, #tpu.memory_space<vmem>>, vector<16xf32>,
      %mul3A_94 = arith.constant 160 : i32
      %mul3A_95 = arith.muli %scan3A_57, %mul3A_94 : i32
      %add3A_96 = arith.constant 96 : i32
      %add3A_97 = arith.addi %mul3A_95, %add3A_96 : i32
      %swap3A_98 = arith.index_cast %add3A_97 : i32 to index
      %swap3A_99 = tpu.vector_load %arg8[%swap3A_98] {strides = array<i32>} : memref<100000xf32, #tpu.memory_space<vmem>>, vector<16xf32>,
      tpu.vector_store %arg8[%swap3A_98], %broadcast_in_dim3A_8 {strides = array<i32>} : memref<100000xf32, #tpu.memory_space<vmem>>, vector<16xf32>,
      %mul3A_100 = arith.constant 160 : i32
      %mul3A_101 = arith.muli %scan3A_57, %mul3A_100 : i32
      %add3A_102 = arith.constant 112 : i32
      %add3A_103 = arith.addi %mul3A_101, %add3A_102 : i32
      %swap3A_104 = arith.index_cast %add3A_103 : i32 to index
      %swap3A_105 = tpu.vector_load %arg8[%swap3A_104] {strides = array<i32>} : memref<100000xf32, #tpu.memory_space<vmem>>, vector<16xf32>,
      tpu.vector_store %arg8[%swap3A_104], %broadcast_in_dim3A_8 {strides = array<i32>} : memref<100000xf32, #tpu.memory_space<vmem>>, vector<16xf32>,
      %mul3A_106 = arith.constant 160 : i32
      %mul3A_107 = arith.muli %scan3A_57, %mul3A_106 : i32
      %add3A_108 = arith.constant 128 : i32
      %add3A_109 = arith.addi %mul3A_107, %add3A_108 : i32
      %swap3A_110 = arith.index_cast %add3A_109 : i32 to index
      %swap3A_111 = tpu.vector_load %arg8[%swap3A_110] {strides = array<i32>} : memref<100000xf32, #tpu.memory_space<vmem>>, vector<16xf32>,
      tpu.vector_store %arg8[%swap3A_110], %broadcast_in_dim3A_8 {strides = array<i32>} : memref<100000xf32, #tpu.memory_space<vmem>>, vector<16xf32>,
      %mul3A_112 = arith.constant 160 : i32
      %mul3A_113 = arith.muli %scan3A_57, %mul3A_112 : i32
      %add3A_114 = arith.constant 144 : i32
      %add3A_115 = arith.addi %mul3A_113, %add3A_114 : i32
      %swap3A_116 = arith.index_cast %add3A_115 : i32 to index
      %swap3A_117 = tpu.vector_load %arg8[%swap3A_116] {strides = array<i32>} : memref<100000xf32, #tpu.memory_space<vmem>>, vector<16xf32>,
      tpu.vector_store %arg8[%swap3A_116], %broadcast_in_dim3A_8 {strides = array<i32>} : memref<100000xf32, #tpu.memory_space<vmem>>, vector<16xf32>,
    }
    %scan3A_13 = arith.constant 625 : i32
    %dma_wait3A = arith.constant 0 : i32
    %dma_wait3A_14 = tpu.memref_slice %arg2[%dma_wait3A] : memref<100000xf32, #tpu.memory_space<hbm>> -> memref<100000xf32, #tpu.memory_space<hbm>>
    tpu.wait_indirect_dma semaphore(%arg21 : memref<!tpu.dma_semaphore, #tpu.memory_space<semaphore_mem>>) src(%dma_wait3A_14 : memref<100000xf32, #tpu.memory_space<hbm>>) dst(%arg10 : memref<2000xf32, #tpu.memory_space<vmem>>)
    %scan3A_15 = arith.constant 0 : i32
    %scan3A_16 = arith.constant 0 : i32
    %scan3A_17 = arith.constant 125 : i32
    %scan3A_18 = arith.addi %scan3A_16, %scan3A_17 : i32
    %scan3A_19 = arith.constant 1 : i32
    scf.for %scan3A_57 = %scan3A_16 to %scan3A_18 step %scan3A_19  : i32 {
      %mul3A_58 = arith.constant 16 : i32
      %mul3A_59 = arith.muli %scan3A_57, %mul3A_58 : i32
      %get3A_60 = arith.index_cast %mul3A_59 : i32 to index
      %get3A_61 = tpu.vector_load %arg9[%get3A_60] {strides = array<i32>} : memref<2000xi32, #tpu.memory_space<vmem>>, vector<16xi32>,
      %mul3A_62 = arith.constant 16 : i32
      %mul3A_63 = arith.muli %scan3A_57, %mul3A_62 : i32
      %get3A_64 = arith.index_cast %mul3A_63 : i32 to index
      %get3A_65 = tpu.vector_load %arg10[%get3A_64] {strides = array<i32>} : memref<2000xf32, #tpu.memory_space<vmem>>, vector<16xf32>,
      tpu.vector_store_idx %arg8[%get3A_61], %get3A_65 : memref<100000xf32, #tpu.memory_space<vmem>>[vector<16xi32>], vector<16xf32>,
    }
    %scan3A_20 = arith.constant 125 : i32
    %broadcast_in_dim3A_21 = arith.constant 0.000000e+00 : f32
    %broadcast_in_dim3A_22 = vector.broadcast %broadcast_in_dim3A_21 : f32 to vector<16xf32>
    %swap3A = arith.constant 0 : index
    %swap3A_23 = tpu.vector_load %arg17[%swap3A] {strides = array<i32>} : memref<16xf32, #tpu.memory_space<vmem>>, vector<16xf32>,
    tpu.vector_store %arg17[%swap3A], %broadcast_in_dim3A_22 {strides = array<i32>} : memref<16xf32, #tpu.memory_space<vmem>>, vector<16xf32>,
    %iota3A = tpu.iota {dimensions = array<i32: 0>} : vector<16xi32>
    %broadcast_in_dim3A_24 = arith.constant 0.000000e+00 : f32
    %broadcast_in_dim3A_25 = vector.broadcast %broadcast_in_dim3A_24 : f32 to vector<16xf32>
    %scan3A_26 = arith.constant 0 : i32
    %scan3A_27 = arith.constant 12 : i32
    %scan3A_28 = arith.addi %scan3A_26, %scan3A_27 : i32
    %scan3A_29 = arith.constant 1 : i32
    %scan3A_30 = scf.for %scan3A_57 = %scan3A_26 to %scan3A_28 step %scan3A_29 iter_args(%scan3A_58 = %broadcast_in_dim3A_25) -> (vector<16xf32>)  : i32 {
      %dma_wait3A_59 = arith.constant 0 : i32
      %dma_wait3A_60 = tpu.memref_slice %arg4[%dma_wait3A_59] : memref<3200000xi32, #tpu.memory_space<hbm>> -> memref<4000xi32, #tpu.memory_space<hbm>>
      %dma_wait3A_61 = arith.constant 0 : i32
      %dma_wait3A_62 = tpu.memref_slice %arg4[%dma_wait3A_61] : memref<3200000xi32, #tpu.memory_space<hbm>> -> memref<4000xi32, #tpu.memory_space<hbm>>
      tpu.wait_dma2 semaphore(%arg19 : memref<!tpu.dma_semaphore, #tpu.memory_space<semaphore_mem>>) src(%dma_wait3A_62 : memref<4000xi32, #tpu.memory_space<hbm>>) dst(%arg11 : memref<4000xi32, #tpu.memory_space<vmem>>)
      %dma_wait3A_63 = arith.constant 0 : i32
      %dma_wait3A_64 = tpu.memref_slice %arg5[%dma_wait3A_63] : memref<3200000xi32, #tpu.memory_space<hbm>> -> memref<4000xi32, #tpu.memory_space<hbm>>
      %dma_wait3A_65 = arith.constant 0 : i32
      %dma_wait3A_66 = tpu.memref_slice %arg5[%dma_wait3A_65] : memref<3200000xi32, #tpu.memory_space<hbm>> -> memref<4000xi32, #tpu.memory_space<hbm>>
      tpu.wait_dma2 semaphore(%arg19 : memref<!tpu.dma_semaphore, #tpu.memory_space<semaphore_mem>>) src(%dma_wait3A_66 : memref<4000xi32, #tpu.memory_space<hbm>>) dst(%arg12 : memref<4000xi32, #tpu.memory_space<vmem>>)
      %mul3A_67 = arith.constant 2 : i32
      %mul3A_68 = arith.muli %mul3A_67, %scan3A_57 : i32
      %add3A_69 = arith.constant 1 : i32
      %add3A_70 = arith.addi %mul3A_68, %add3A_69 : i32
      %mul3A_71 = arith.constant 4000 : i32
      %mul3A_72 = arith.muli %add3A_70, %mul3A_71 : i32
      %add3A_73 = arith.addi %mul3A_2, %mul3A_72 : i32
      %dma_start3A_74 = tpu.memref_slice %arg4[%add3A_73] : memref<3200000xi32, #tpu.memory_space<hbm>> -> memref<4000xi32, #tpu.memory_space<hbm>>
      %dma_start3A_75 = tpu.memref_slice %arg4[%add3A_73] : memref<3200000xi32, #tpu.memory_space<hbm>> -> memref<4000xi32, #tpu.memory_space<hbm>>
      tpu.enqueue_dma source(%dma_start3A_75 : memref<4000xi32, #tpu.memory_space<hbm>>) target(%arg13 : memref<4000xi32, #tpu.memory_space<vmem>>) target_semaphore(%arg20 : memref<!tpu.dma_semaphore, #tpu.memory_space<semaphore_mem>>)
      %dma_start3A_76 = tpu.memref_slice %arg5[%add3A_73] : memref<3200000xi32, #tpu.memory_space<hbm>> -> memref<4000xi32, #tpu.memory_space<hbm>>
      %dma_start3A_77 = tpu.memref_slice %arg5[%add3A_73] : memref<3200000xi32, #tpu.memory_space<hbm>> -> memref<4000xi32, #tpu.memory_space<hbm>>
      tpu.enqueue_dma source(%dma_start3A_77 : memref<4000xi32, #tpu.memory_space<hbm>>) target(%arg14 : memref<4000xi32, #tpu.memory_space<vmem>>) target_semaphore(%arg20 : memref<!tpu.dma_semaphore, #tpu.memory_space<semaphore_mem>>)
      %parallel_loop3A_78 = arith.constant 0 : i32
      %parallel_loop3A_79 = arith.constant 50 : i32
      %parallel_loop3A_80 = arith.constant 1 : i32
      %parallel_loop3A_81:4 = scf.for %parallel_loop3A_125 = %parallel_loop3A_78 to %parallel_loop3A_79 step %parallel_loop3A_80 iter_args(%parallel_loop3A_126 = %broadcast_in_dim3A_25, %parallel_loop3A_127 = %broadcast_in_dim3A_25, %parallel_loop3A_128 = %broadcast_in_dim3A_25, %parallel_loop3A_129 = %broadcast_in_dim3A_25) -> (vector<16xf32>, vector<16xf32>, vector<16xf32>, vector<16xf32>)  : i32 {
        %parallel_loop3A_130 = arith.constant 80 : i32
        %parallel_loop3A_131 = arith.muli %parallel_loop3A_125, %parallel_loop3A_130 : i32
        %parallel_loop3A_132 = arith.constant -4.000000e+30 : f32
        %parallel_loop3A_133 = vector.broadcast %parallel_loop3A_132 : f32 to vector<16xf32>
        %parallel_loop3A_134 = arith.constant -4.000000e+30 : f32
        %parallel_loop3A_135 = vector.broadcast %parallel_loop3A_134 : f32 to vector<16xf32>
        %parallel_loop3A_136 = arith.constant -4.000000e+30 : f32
        %parallel_loop3A_137 = vector.broadcast %parallel_loop3A_136 : f32 to vector<16xf32>
        %parallel_loop3A_138 = arith.constant -4.000000e+30 : f32
        %parallel_loop3A_139 = vector.broadcast %parallel_loop3A_138 : f32 to vector<16xf32>
        %parallel_loop3A_140 = arith.constant 0 : i32
        %parallel_loop3A_141 = arith.addi %parallel_loop3A_131, %parallel_loop3A_140 : i32
        %parallel_loop3A_142 = arith.index_cast %parallel_loop3A_141 : i32 to index
        %parallel_loop3A_143 = tpu.vector_load %arg11[%parallel_loop3A_142] {strides = array<i32>} : memref<4000xi32, #tpu.memory_space<vmem>>, vector<16xi32>,
        %parallel_loop3A_144 = arith.constant 0 : i32
        %parallel_loop3A_145 = arith.addi %parallel_loop3A_131, %parallel_loop3A_144 : i32
        %parallel_loop3A_146 = arith.index_cast %parallel_loop3A_145 : i32 to index
        %parallel_loop3A_147 = tpu.vector_load %arg12[%parallel_loop3A_146] {strides = array<i32>} : memref<4000xi32, #tpu.memory_space<vmem>>, vector<16xi32>,
        %parallel_loop3A_148 = tpu.vector_load_idx %arg8[%parallel_loop3A_143] : memref<100000xf32, #tpu.memory_space<vmem>>[vector<16xi32>], vector<16xf32>,
        %parallel_loop3A_149 = tpu.vector_load_idx %arg8[%parallel_loop3A_147] : memref<100000xf32, #tpu.memory_space<vmem>>[vector<16xi32>], vector<16xf32>,
        %parallel_loop3A_150 = arith.addf %parallel_loop3A_148, %parallel_loop3A_149 : vector<16xf32>
        %parallel_loop3A_151 = arith.constant -1.000000e+30 : f32
        %parallel_loop3A_152 = vector.broadcast %parallel_loop3A_151 : f32 to vector<16xf32>
        %parallel_loop3A_153 = arith.cmpf ogt, %parallel_loop3A_150, %parallel_loop3A_152 : vector<16xf32>
        %parallel_loop3A_154 = arith.constant 0.000000e+00 : f32
        %parallel_loop3A_155 = vector.broadcast %parallel_loop3A_154 : f32 to vector<16xf32>
        %parallel_loop3A_156 = arith.select %parallel_loop3A_153, %parallel_loop3A_150, %parallel_loop3A_155 : vector<16xi1>, vector<16xf32>
        %parallel_loop3A_157 = arith.addf %parallel_loop3A_126, %parallel_loop3A_156 : vector<16xf32>
        %parallel_loop3A_158 = arith.maximumf %parallel_loop3A_133, %parallel_loop3A_150 : vector<16xf32>
        %parallel_loop3A_159 = arith.constant 16 : i32
        %parallel_loop3A_160 = arith.addi %parallel_loop3A_131, %parallel_loop3A_159 : i32
        %parallel_loop3A_161 = arith.index_cast %parallel_loop3A_160 : i32 to index
        %parallel_loop3A_162 = tpu.vector_load %arg11[%parallel_loop3A_161] {strides = array<i32>} : memref<4000xi32, #tpu.memory_space<vmem>>, vector<16xi32>,
        %parallel_loop3A_163 = arith.constant 16 : i32
        %parallel_loop3A_164 = arith.addi %parallel_loop3A_131, %parallel_loop3A_163 : i32
        %parallel_loop3A_165 = arith.index_cast %parallel_loop3A_164 : i32 to index
        %parallel_loop3A_166 = tpu.vector_load %arg12[%parallel_loop3A_165] {strides = array<i32>} : memref<4000xi32, #tpu.memory_space<vmem>>, vector<16xi32>,
        %parallel_loop3A_167 = tpu.vector_load_idx %arg8[%parallel_loop3A_162] : memref<100000xf32, #tpu.memory_space<vmem>>[vector<16xi32>], vector<16xf32>,
        %parallel_loop3A_168 = tpu.vector_load_idx %arg8[%parallel_loop3A_166] : memref<100000xf32, #tpu.memory_space<vmem>>[vector<16xi32>], vector<16xf32>,
        %parallel_loop3A_169 = arith.addf %parallel_loop3A_167, %parallel_loop3A_168 : vector<16xf32>
        %parallel_loop3A_170 = arith.constant -1.000000e+30 : f32
        %parallel_loop3A_171 = vector.broadcast %parallel_loop3A_170 : f32 to vector<16xf32>
        %parallel_loop3A_172 = arith.cmpf ogt, %parallel_loop3A_169, %parallel_loop3A_171 : vector<16xf32>
        %parallel_loop3A_173 = arith.constant 0.000000e+00 : f32
        %parallel_loop3A_174 = vector.broadcast %parallel_loop3A_173 : f32 to vector<16xf32>
        %parallel_loop3A_175 = arith.select %parallel_loop3A_172, %parallel_loop3A_169, %parallel_loop3A_174 : vector<16xi1>, vector<16xf32>
        %parallel_loop3A_176 = arith.addf %parallel_loop3A_127, %parallel_loop3A_175 : vector<16xf32>
        %parallel_loop3A_177 = arith.maximumf %parallel_loop3A_135, %parallel_loop3A_169 : vector<16xf32>
        %parallel_loop3A_178 = arith.constant 32 : i32
        %parallel_loop3A_179 = arith.addi %parallel_loop3A_131, %parallel_loop3A_178 : i32
        %parallel_loop3A_180 = arith.index_cast %parallel_loop3A_179 : i32 to index
        %parallel_loop3A_181 = tpu.vector_load %arg11[%parallel_loop3A_180] {strides = array<i32>} : memref<4000xi32, #tpu.memory_space<vmem>>, vector<16xi32>,
        %parallel_loop3A_182 = arith.constant 32 : i32
        %parallel_loop3A_183 = arith.addi %parallel_loop3A_131, %parallel_loop3A_182 : i32
        %parallel_loop3A_184 = arith.index_cast %parallel_loop3A_183 : i32 to index
        %parallel_loop3A_185 = tpu.vector_load %arg12[%parallel_loop3A_184] {strides = array<i32>} : memref<4000xi32, #tpu.memory_space<vmem>>, vector<16xi32>,
        %parallel_loop3A_186 = tpu.vector_load_idx %arg8[%parallel_loop3A_181] : memref<100000xf32, #tpu.memory_space<vmem>>[vector<16xi32>], vector<16xf32>,
        %parallel_loop3A_187 = tpu.vector_load_idx %arg8[%parallel_loop3A_185] : memref<100000xf32, #tpu.memory_space<vmem>>[vector<16xi32>], vector<16xf32>,
        %parallel_loop3A_188 = arith.addf %parallel_loop3A_186, %parallel_loop3A_187 : vector<16xf32>
        %parallel_loop3A_189 = arith.constant -1.000000e+30 : f32
        %parallel_loop3A_190 = vector.broadcast %parallel_loop3A_189 : f32 to vector<16xf32>
        %parallel_loop3A_191 = arith.cmpf ogt, %parallel_loop3A_188, %parallel_loop3A_190 : vector<16xf32>
        %parallel_loop3A_192 = arith.constant 0.000000e+00 : f32
        %parallel_loop3A_193 = vector.broadcast %parallel_loop3A_192 : f32 to vector<16xf32>
        %parallel_loop3A_194 = arith.select %parallel_loop3A_191, %parallel_loop3A_188, %parallel_loop3A_193 : vector<16xi1>, vector<16xf32>
        %parallel_loop3A_195 = arith.addf %parallel_loop3A_128, %parallel_loop3A_194 : vector<16xf32>
        %parallel_loop3A_196 = arith.maximumf %parallel_loop3A_137, %parallel_loop3A_188 : vector<16xf32>
        %parallel_loop3A_197 = arith.constant 48 : i32
        %parallel_loop3A_198 = arith.addi %parallel_loop3A_131, %parallel_loop3A_197 : i32
        %parallel_loop3A_199 = arith.index_cast %parallel_loop3A_198 : i32 to index
        %parallel_loop3A_200 = tpu.vector_load %arg11[%parallel_loop3A_199] {strides = array<i32>} : memref<4000xi32, #tpu.memory_space<vmem>>, vector<16xi32>,
        %parallel_loop3A_201 = arith.constant 48 : i32
        %parallel_loop3A_202 = arith.addi %parallel_loop3A_131, %parallel_loop3A_201 : i32
        %parallel_loop3A_203 = arith.index_cast %parallel_loop3A_202 : i32 to index
        %parallel_loop3A_204 = tpu.vector_load %arg12[%parallel_loop3A_203] {strides = array<i32>} : memref<4000xi32, #tpu.memory_space<vmem>>, vector<16xi32>,
        %parallel_loop3A_205 = tpu.vector_load_idx %arg8[%parallel_loop3A_200] : memref<100000xf32, #tpu.memory_space<vmem>>[vector<16xi32>], vector<16xf32>,
        %parallel_loop3A_206 = tpu.vector_load_idx %arg8[%parallel_loop3A_204] : memref<100000xf32, #tpu.memory_space<vmem>>[vector<16xi32>], vector<16xf32>,
        %parallel_loop3A_207 = arith.addf %parallel_loop3A_205, %parallel_loop3A_206 : vector<16xf32>
        %parallel_loop3A_208 = arith.constant -1.000000e+30 : f32
        %parallel_loop3A_209 = vector.broadcast %parallel_loop3A_208 : f32 to vector<16xf32>
        %parallel_loop3A_210 = arith.cmpf ogt, %parallel_loop3A_207, %parallel_loop3A_209 : vector<16xf32>
        %parallel_loop3A_211 = arith.constant 0.000000e+00 : f32
        %parallel_loop3A_212 = vector.broadcast %parallel_loop3A_211 : f32 to vector<16xf32>
        %parallel_loop3A_213 = arith.select %parallel_loop3A_210, %parallel_loop3A_207, %parallel_loop3A_212 : vector<16xi1>, vector<16xf32>
        %parallel_loop3A_214 = arith.addf %parallel_loop3A_129, %parallel_loop3A_213 : vector<16xf32>
        %parallel_loop3A_215 = arith.maximumf %parallel_loop3A_139, %parallel_loop3A_207 : vector<16xf32>
        %parallel_loop3A_216 = arith.constant 64 : i32
        %parallel_loop3A_217 = arith.addi %parallel_loop3A_131, %parallel_loop3A_216 : i32
        %parallel_loop3A_218 = arith.index_cast %parallel_loop3A_217 : i32 to index
        %parallel_loop3A_219 = tpu.vector_load %arg11[%parallel_loop3A_218] {strides = array<i32>} : memref<4000xi32, #tpu.memory_space<vmem>>, vector<16xi32>,
        %parallel_loop3A_220 = arith.constant 64 : i32
        %parallel_loop3A_221 = arith.addi %parallel_loop3A_131, %parallel_loop3A_220 : i32
        %parallel_loop3A_222 = arith.index_cast %parallel_loop3A_221 : i32 to index
        %parallel_loop3A_223 = tpu.vector_load %arg12[%parallel_loop3A_222] {strides = array<i32>} : memref<4000xi32, #tpu.memory_space<vmem>>, vector<16xi32>,
        %parallel_loop3A_224 = tpu.vector_load_idx %arg8[%parallel_loop3A_219] : memref<100000xf32, #tpu.memory_space<vmem>>[vector<16xi32>], vector<16xf32>,
        %parallel_loop3A_225 = tpu.vector_load_idx %arg8[%parallel_loop3A_223] : memref<100000xf32, #tpu.memory_space<vmem>>[vector<16xi32>], vector<16xf32>,
        %parallel_loop3A_226 = arith.addf %parallel_loop3A_224, %parallel_loop3A_225 : vector<16xf32>
        %parallel_loop3A_227 = arith.constant -1.000000e+30 : f32
        %parallel_loop3A_228 = vector.broadcast %parallel_loop3A_227 : f32 to vector<16xf32>
        %parallel_loop3A_229 = arith.cmpf ogt, %parallel_loop3A_226, %parallel_loop3A_228 : vector<16xf32>
        %parallel_loop3A_230 = arith.constant 0.000000e+00 : f32
        %parallel_loop3A_231 = vector.broadcast %parallel_loop3A_230 : f32 to vector<16xf32>
        %parallel_loop3A_232 = arith.select %parallel_loop3A_229, %parallel_loop3A_226, %parallel_loop3A_231 : vector<16xi1>, vector<16xf32>
        %parallel_loop3A_233 = arith.addf %parallel_loop3A_157, %parallel_loop3A_232 : vector<16xf32>
        %parallel_loop3A_234 = arith.maximumf %parallel_loop3A_158, %parallel_loop3A_226 : vector<16xf32>
        %parallel_loop3A_235 = arith.maximumf %parallel_loop3A_234, %parallel_loop3A_177 : vector<16xf32>
        %parallel_loop3A_236 = arith.maximumf %parallel_loop3A_196, %parallel_loop3A_215 : vector<16xf32>
        %parallel_loop3A_237 = arith.maximumf %parallel_loop3A_235, %parallel_loop3A_236 : vector<16xf32>
        %parallel_loop3A_238 = arith.constant true
        %parallel_loop3A_239 = vector.broadcast %parallel_loop3A_238 : i1 to vector<16xi1>
        %parallel_loop3A_240 = tpu.scan <max>, %parallel_loop3A_237 masked %parallel_loop3A_239 : vector<16xf32>, vector<16xi1> -> vector<16xf32>
        %parallel_loop3A_241 = vector.extract %parallel_loop3A_240[15] : f32 from vector<16xf32>
        %parallel_loop3A_242 = arith.index_cast %parallel_loop3A_125 : i32 to index
        %parallel_loop3A_243 = memref.load %arg18[%parallel_loop3A_242] : memref<50xf32, #tpu.memory_space<smem>>
        memref.store %parallel_loop3A_241, %arg18[%parallel_loop3A_242] : memref<50xf32, #tpu.memory_space<smem>>
        scf.yield %parallel_loop3A_233, %parallel_loop3A_176, %parallel_loop3A_195, %parallel_loop3A_214 : vector<16xf32>, vector<16xf32>, vector<16xf32>, vector<16xf32>
      } {sc.loop_unroll_factor = 2 : i64, sc.parallel_access}
      %scan3A_82 = arith.constant 0 : i32
      %scan3A_83 = arith.constant 0 : i32
      %scan3A_84 = arith.constant 50 : i32
      %scan3A_85 = arith.addi %scan3A_83, %scan3A_84 : i32
      %scan3A_86 = arith.constant 1 : i32
      scf.for %scan3A_125 = %scan3A_83 to %scan3A_85 step %scan3A_86  : i32 {
        %get3A_126 = arith.index_cast %scan3A_125 : i32 to index
        %get3A_127 = memref.load %arg18[%get3A_126] : memref<50xf32, #tpu.memory_space<smem>>
        %gt3A = arith.constant -1.000000e+30 : f32
        %gt3A_128 = arith.cmpf ogt, %get3A_127, %gt3A : f32
        %convert_element_type3A = arith.extui %gt3A_128 : i1 to i32
        %cond3A = arith.constant 0 : i32
        %cond3A_129 = arith.cmpi ne, %convert_element_type3A, %cond3A : i32
        scf.if %cond3A_129 {
          %mul3A_130 = arith.constant 80 : i32
          %mul3A_131 = arith.muli %scan3A_125, %mul3A_130 : i32
          %scan3A_132 = arith.constant 0 : i32
          %scan3A_133 = arith.constant 0 : i32
          %scan3A_134 = arith.constant 5 : i32
          %scan3A_135 = arith.addi %scan3A_133, %scan3A_134 : i32
          %scan3A_136 = arith.constant 1 : i32
          %scan3A_137 = scf.for %scan3A_139 = %scan3A_133 to %scan3A_135 step %scan3A_136 iter_args(%scan3A_140 = %scan3A_132) -> (i32)  : i32 {
            %mul3A_141 = arith.constant 16 : i32
            %mul3A_142 = arith.muli %scan3A_139, %mul3A_141 : i32
            %add3A_143 = arith.addi %mul3A_131, %mul3A_142 : i32
            %get3A_144 = arith.index_cast %add3A_143 : i32 to index
            %get3A_145 = tpu.vector_load %arg11[%get3A_144] {strides = array<i32>} : memref<4000xi32, #tpu.memory_space<vmem>>, vector<16xi32>,
            %mul3A_146 = arith.constant 16 : i32
            %mul3A_147 = arith.muli %scan3A_139, %mul3A_146 : i32
            %add3A_148 = arith.addi %mul3A_131, %mul3A_147 : i32
            %get3A_149 = arith.index_cast %add3A_148 : i32 to index
            %get3A_150 = tpu.vector_load %arg12[%get3A_149] {strides = array<i32>} : memref<4000xi32, #tpu.memory_space<vmem>>, vector<16xi32>,
            %gather3A = tpu.vector_load_idx %arg8[%get3A_145] : memref<100000xf32, #tpu.memory_space<vmem>>[vector<16xi32>], vector<16xf32>,
            %gather3A_151 = tpu.vector_load_idx %arg8[%get3A_150] : memref<100000xf32, #tpu.memory_space<vmem>>[vector<16xi32>], vector<16xf32>,
            %add3A_152 = arith.addf %gather3A, %gather3A_151 : vector<16xf32>
            %gt3A_153 = arith.constant -1.000000e+30 : f32
            %gt3A_154 = vector.broadcast %gt3A_153 : f32 to vector<16xf32>
            %gt3A_155 = arith.cmpf ogt, %add3A_152, %gt3A_154 : vector<16xf32>
            %reduce_or3A = arith.constant 1.000000e+00 : f32
            %reduce_or3A_156 = arith.constant 0.000000e+00 : f32
            %reduce_or3A_157 = vector.broadcast %reduce_or3A : f32 to vector<16xf32>
            %reduce_or3A_158 = vector.broadcast %reduce_or3A_156 : f32 to vector<16xf32>
            %reduce_or3A_159 = arith.select %gt3A_155, %reduce_or3A_157, %reduce_or3A_158 : vector<16xi1>, vector<16xf32>
            %reduce_or3A_160 = arith.constant true
            %reduce_or3A_161 = vector.broadcast %reduce_or3A_160 : i1 to vector<16xi1>
            %reduce_or3A_162 = tpu.scan <max>, %reduce_or3A_159 masked %reduce_or3A_161 : vector<16xf32>, vector<16xi1> -> vector<16xf32>
            %reduce_or3A_163 = vector.extract %reduce_or3A_162[15] : f32 from vector<16xf32>
            %reduce_or3A_164 = arith.constant 0.000000e+00 : f32
            %reduce_or3A_165 = arith.cmpf ogt, %reduce_or3A_163, %reduce_or3A_164 : f32
            %convert_element_type3A_166 = arith.extui %reduce_or3A_165 : i1 to i32
            %cond3A_167 = arith.constant 0 : i32
            %cond3A_168 = arith.cmpi ne, %convert_element_type3A_166, %cond3A_167 : i32
            scf.if %cond3A_168 {
              %dma_start3A_170 = arith.constant 0 : i32
              %dma_start3A_171 = arith.constant 0 : i32
              %dma_start3A_172 = tpu.memref_slice %arg6[%dma_start3A_170, %dma_start3A_171] : memref<100000x8xf32, #tpu.memory_space<hbm>> -> memref<100000x8xf32, #tpu.memory_space<hbm>>
              tpu.enqueue_indirect_dma source(%dma_start3A_172 : memref<100000x8xf32, #tpu.memory_space<hbm>>) target(%arg15 : memref<16x8xf32, #tpu.memory_space<vmem>>) offsets(%get3A_145 : vector<16xi32>) semaphore(%arg21 : memref<!tpu.dma_semaphore, #tpu.memory_space<semaphore_mem>>)
              %dma_start3A_173 = arith.constant 0 : i32
              %dma_start3A_174 = arith.constant 0 : i32
              %dma_start3A_175 = tpu.memref_slice %arg6[%dma_start3A_173, %dma_start3A_174] : memref<100000x8xf32, #tpu.memory_space<hbm>> -> memref<100000x8xf32, #tpu.memory_space<hbm>>
              tpu.enqueue_indirect_dma source(%dma_start3A_175 : memref<100000x8xf32, #tpu.memory_space<hbm>>) target(%arg16 : memref<16x8xf32, #tpu.memory_space<vmem>>) offsets(%get3A_150 : vector<16xi32>) semaphore(%arg21 : memref<!tpu.dma_semaphore, #tpu.memory_space<semaphore_mem>>)
              %dma_wait3A_176 = arith.constant 0 : i32
              %dma_wait3A_177 = arith.constant 0 : i32
              %dma_wait3A_178 = tpu.memref_slice %arg6[%dma_wait3A_176, %dma_wait3A_177] : memref<100000x8xf32, #tpu.memory_space<hbm>> -> memref<100000x8xf32, #tpu.memory_space<hbm>>
              tpu.wait_indirect_dma semaphore(%arg21 : memref<!tpu.dma_semaphore, #tpu.memory_space<semaphore_mem>>) src(%dma_wait3A_178 : memref<100000x8xf32, #tpu.memory_space<hbm>>) dst(%arg15 : memref<16x8xf32, #tpu.memory_space<vmem>>)
              %dma_wait3A_179 = arith.constant 0 : i32
              %dma_wait3A_180 = arith.constant 0 : i32
              %dma_wait3A_181 = tpu.memref_slice %arg6[%dma_wait3A_179, %dma_wait3A_180] : memref<100000x8xf32, #tpu.memory_space<hbm>> -> memref<100000x8xf32, #tpu.memory_space<hbm>>
              tpu.wait_indirect_dma semaphore(%arg21 : memref<!tpu.dma_semaphore, #tpu.memory_space<semaphore_mem>>) src(%dma_wait3A_181 : memref<100000x8xf32, #tpu.memory_space<hbm>>) dst(%arg16 : memref<16x8xf32, #tpu.memory_space<vmem>>)
              %broadcast_in_dim3A_182 = arith.constant 0 : i32
              %broadcast_in_dim3A_183 = vector.broadcast %broadcast_in_dim3A_182 : i32 to vector<16xi32>
              %gather3A_184 = tpu.vector_load_idx %arg15[%iota3A, %broadcast_in_dim3A_183] : memref<16x8xf32, #tpu.memory_space<vmem>>[vector<16xi32>, vector<16xi32>], vector<16xf32>,
              %gather3A_185 = tpu.vector_load_idx %arg16[%iota3A, %broadcast_in_dim3A_183] : memref<16x8xf32, #tpu.memory_space<vmem>>[vector<16xi32>, vector<16xi32>], vector<16xf32>,
              %sub3A = arith.subf %gather3A_184, %gather3A_185 : vector<16xf32>
              %add3A_186 = arith.constant 9.99999997E-7 : f32
              %add3A_187 = vector.broadcast %add3A_186 : f32 to vector<16xf32>
              %add3A_188 = arith.addf %sub3A, %add3A_187 : vector<16xf32>
              %mul3A_189 = arith.mulf %add3A_188, %add3A_188 : vector<16xf32>
              %add3A_190 = arith.addf %broadcast_in_dim3A_25, %mul3A_189 : vector<16xf32>
              %broadcast_in_dim3A_191 = arith.constant 1 : i32
              %broadcast_in_dim3A_192 = vector.broadcast %broadcast_in_dim3A_191 : i32 to vector<16xi32>
              %gather3A_193 = tpu.vector_load_idx %arg15[%iota3A, %broadcast_in_dim3A_192] : memref<16x8xf32, #tpu.memory_space<vmem>>[vector<16xi32>, vector<16xi32>], vector<16xf32>,
              %gather3A_194 = tpu.vector_load_idx %arg16[%iota3A, %broadcast_in_dim3A_192] : memref<16x8xf32, #tpu.memory_space<vmem>>[vector<16xi32>, vector<16xi32>], vector<16xf32>,
              %sub3A_195 = arith.subf %gather3A_193, %gather3A_194 : vector<16xf32>
              %add3A_196 = arith.constant 9.99999997E-7 : f32
              %add3A_197 = vector.broadcast %add3A_196 : f32 to vector<16xf32>
              %add3A_198 = arith.addf %sub3A_195, %add3A_197 : vector<16xf32>
              %mul3A_199 = arith.mulf %add3A_198, %add3A_198 : vector<16xf32>
              %add3A_200 = arith.addf %add3A_190, %mul3A_199 : vector<16xf32>
              %broadcast_in_dim3A_201 = arith.constant 2 : i32
              %broadcast_in_dim3A_202 = vector.broadcast %broadcast_in_dim3A_201 : i32 to vector<16xi32>
              %gather3A_203 = tpu.vector_load_idx %arg15[%iota3A, %broadcast_in_dim3A_202] : memref<16x8xf32, #tpu.memory_space<vmem>>[vector<16xi32>, vector<16xi32>], vector<16xf32>,
              %gather3A_204 = tpu.vector_load_idx %arg16[%iota3A, %broadcast_in_dim3A_202] : memref<16x8xf32, #tpu.memory_space<vmem>>[vector<16xi32>, vector<16xi32>], vector<16xf32>,
              %sub3A_205 = arith.subf %gather3A_203, %gather3A_204 : vector<16xf32>
              %add3A_206 = arith.constant 9.99999997E-7 : f32
              %add3A_207 = vector.broadcast %add3A_206 : f32 to vector<16xf32>
              %add3A_208 = arith.addf %sub3A_205, %add3A_207 : vector<16xf32>
              %mul3A_209 = arith.mulf %add3A_208, %add3A_208 : vector<16xf32>
              %add3A_210 = arith.addf %add3A_200, %mul3A_209 : vector<16xf32>
              %broadcast_in_dim3A_211 = arith.constant 3 : i32
              %broadcast_in_dim3A_212 = vector.broadcast %broadcast_in_dim3A_211 : i32 to vector<16xi32>
              %gather3A_213 = tpu.vector_load_idx %arg15[%iota3A, %broadcast_in_dim3A_212] : memref<16x8xf32, #tpu.memory_space<vmem>>[vector<16xi32>, vector<16xi32>], vector<16xf32>,
              %gather3A_214 = tpu.vector_load_idx %arg16[%iota3A, %broadcast_in_dim3A_212] : memref<16x8xf32, #tpu.memory_space<vmem>>[vector<16xi32>, vector<16xi32>], vector<16xf32>,
              %sub3A_215 = arith.subf %gather3A_213, %gather3A_214 : vector<16xf32>
              %add3A_216 = arith.constant 9.99999997E-7 : f32
              %add3A_217 = vector.broadcast %add3A_216 : f32 to vector<16xf32>
              %add3A_218 = arith.addf %sub3A_215, %add3A_217 : vector<16xf32>
              %mul3A_219 = arith.mulf %add3A_218, %add3A_218 : vector<16xf32>
              %add3A_220 = arith.addf %add3A_210, %mul3A_219 : vector<16xf32>
              %broadcast_in_dim3A_221 = arith.constant 4 : i32
              %broadcast_in_dim3A_222 = vector.broadcast %broadcast_in_dim3A_221 : i32 to vector<16xi32>
              %gather3A_223 = tpu.vector_load_idx %arg15[%iota3A, %broadcast_in_dim3A_222] : memref<16x8xf32, #tpu.memory_space<vmem>>[vector<16xi32>, vector<16xi32>], vector<16xf32>,
              %gather3A_224 = tpu.vector_load_idx %arg16[%iota3A, %broadcast_in_dim3A_222] : memref<16x8xf32, #tpu.memory_space<vmem>>[vector<16xi32>, vector<16xi32>], vector<16xf32>,
              %sub3A_225 = arith.subf %gather3A_223, %gather3A_224 : vector<16xf32>
              %add3A_226 = arith.constant 9.99999997E-7 : f32
              %add3A_227 = vector.broadcast %add3A_226 : f32 to vector<16xf32>
              %add3A_228 = arith.addf %sub3A_225, %add3A_227 : vector<16xf32>
              %mul3A_229 = arith.mulf %add3A_228, %add3A_228 : vector<16xf32>
              %add3A_230 = arith.addf %add3A_220, %mul3A_229 : vector<16xf32>
              %broadcast_in_dim3A_231 = arith.constant 5 : i32
              %broadcast_in_dim3A_232 = vector.broadcast %broadcast_in_dim3A_231 : i32 to vector<16xi32>
              %gather3A_233 = tpu.vector_load_idx %arg15[%iota3A, %broadcast_in_dim3A_232] : memref<16x8xf32, #tpu.memory_space<vmem>>[vector<16xi32>, vector<16xi32>], vector<16xf32>,
              %gather3A_234 = tpu.vector_load_idx %arg16[%iota3A, %broadcast_in_dim3A_232] : memref<16x8xf32, #tpu.memory_space<vmem>>[vector<16xi32>, vector<16xi32>], vector<16xf32>,
              %sub3A_235 = arith.subf %gather3A_233, %gather3A_234 : vector<16xf32>
              %add3A_236 = arith.constant 9.99999997E-7 : f32
              %add3A_237 = vector.broadcast %add3A_236 : f32 to vector<16xf32>
              %add3A_238 = arith.addf %sub3A_235, %add3A_237 : vector<16xf32>
              %mul3A_239 = arith.mulf %add3A_238, %add3A_238 : vector<16xf32>
              %add3A_240 = arith.addf %add3A_230, %mul3A_239 : vector<16xf32>
              %broadcast_in_dim3A_241 = arith.constant 6 : i32
              %broadcast_in_dim3A_242 = vector.broadcast %broadcast_in_dim3A_241 : i32 to vector<16xi32>
              %gather3A_243 = tpu.vector_load_idx %arg15[%iota3A, %broadcast_in_dim3A_242] : memref<16x8xf32, #tpu.memory_space<vmem>>[vector<16xi32>, vector<16xi32>], vector<16xf32>,
              %gather3A_244 = tpu.vector_load_idx %arg16[%iota3A, %broadcast_in_dim3A_242] : memref<16x8xf32, #tpu.memory_space<vmem>>[vector<16xi32>, vector<16xi32>], vector<16xf32>,
              %sub3A_245 = arith.subf %gather3A_243, %gather3A_244 : vector<16xf32>
              %add3A_246 = arith.constant 9.99999997E-7 : f32
              %add3A_247 = vector.broadcast %add3A_246 : f32 to vector<16xf32>
              %add3A_248 = arith.addf %sub3A_245, %add3A_247 : vector<16xf32>
              %mul3A_249 = arith.mulf %add3A_248, %add3A_248 : vector<16xf32>
              %add3A_250 = arith.addf %add3A_240, %mul3A_249 : vector<16xf32>
              %broadcast_in_dim3A_251 = arith.constant 7 : i32
              %broadcast_in_dim3A_252 = vector.broadcast %broadcast_in_dim3A_251 : i32 to vector<16xi32>
              %gather3A_253 = tpu.vector_load_idx %arg15[%iota3A, %broadcast_in_dim3A_252] : memref<16x8xf32, #tpu.memory_space<vmem>>[vector<16xi32>, vector<16xi32>], vector<16xf32>,
              %gather3A_254 = tpu.vector_load_idx %arg16[%iota3A, %broadcast_in_dim3A_252] : memref<16x8xf32, #tpu.memory_space<vmem>>[vector<16xi32>, vector<16xi32>], vector<16xf32>,
              %sub3A_255 = arith.subf %gather3A_253, %gather3A_254 : vector<16xf32>
              %add3A_256 = arith.constant 9.99999997E-7 : f32
              %add3A_257 = vector.broadcast %add3A_256 : f32 to vector<16xf32>
              %add3A_258 = arith.addf %sub3A_255, %add3A_257 : vector<16xf32>
              %mul3A_259 = arith.mulf %add3A_258, %add3A_258 : vector<16xf32>
              %add3A_260 = arith.addf %add3A_250, %mul3A_259 : vector<16xf32>
              %max3A = arith.constant 1.000000e-35 : f32
              %max3A_261 = vector.broadcast %max3A : f32 to vector<16xf32>
              %max3A_262 = arith.maximumf %add3A_260, %max3A_261 : vector<16xf32>
              %bitcast3A = vector.bitcast %max3A_262 : vector<16xf32> to vector<16xi32>
              %shift_right_arithmetic3A = arith.constant 1 : i32
              %shift_right_arithmetic3A_263 = vector.broadcast %shift_right_arithmetic3A : i32 to vector<16xi32>
              %shift_right_arithmetic3A_264 = arith.shrsi %bitcast3A, %shift_right_arithmetic3A_263 : vector<16xi32>
              %sub3A_265 = arith.constant 1597463007 : i32
              %sub3A_266 = vector.broadcast %sub3A_265 : i32 to vector<16xi32>
              %sub3A_267 = arith.subi %sub3A_266, %shift_right_arithmetic3A_264 : vector<16xi32>
              %bitcast3A_268 = vector.bitcast %sub3A_267 : vector<16xi32> to vector<16xf32>
              %mul3A_269 = arith.constant 5.000000e-01 : f32
              %mul3A_270 = vector.broadcast %mul3A_269 : f32 to vector<16xf32>
              %mul3A_271 = arith.mulf %mul3A_270, %max3A_262 : vector<16xf32>
              %mul3A_272 = arith.mulf %mul3A_271, %bitcast3A_268 : vector<16xf32>
              %mul3A_273 = arith.mulf %mul3A_272, %bitcast3A_268 : vector<16xf32>
              %sub3A_274 = arith.constant 1.500000e+00 : f32
              %sub3A_275 = vector.broadcast %sub3A_274 : f32 to vector<16xf32>
              %sub3A_276 = arith.subf %sub3A_275, %mul3A_273 : vector<16xf32>
              %mul3A_277 = arith.mulf %bitcast3A_268, %sub3A_276 : vector<16xf32>
              %mul3A_278 = arith.constant 5.000000e-01 : f32
              %mul3A_279 = vector.broadcast %mul3A_278 : f32 to vector<16xf32>
              %mul3A_280 = arith.mulf %mul3A_279, %max3A_262 : vector<16xf32>
              %mul3A_281 = arith.mulf %mul3A_280, %mul3A_277 : vector<16xf32>
              %mul3A_282 = arith.mulf %mul3A_281, %mul3A_277 : vector<16xf32>
              %sub3A_283 = arith.constant 1.500000e+00 : f32
              %sub3A_284 = vector.broadcast %sub3A_283 : f32 to vector<16xf32>
              %sub3A_285 = arith.subf %sub3A_284, %mul3A_282 : vector<16xf32>
              %mul3A_286 = arith.mulf %mul3A_277, %sub3A_285 : vector<16xf32>
              %mul3A_287 = arith.constant 5.000000e-01 : f32
              %mul3A_288 = vector.broadcast %mul3A_287 : f32 to vector<16xf32>
              %mul3A_289 = arith.mulf %mul3A_288, %max3A_262 : vector<16xf32>
              %mul3A_290 = arith.mulf %mul3A_289, %mul3A_286 : vector<16xf32>
              %mul3A_291 = arith.mulf %mul3A_290, %mul3A_286 : vector<16xf32>
              %sub3A_292 = arith.constant 1.500000e+00 : f32
              %sub3A_293 = vector.broadcast %sub3A_292 : f32 to vector<16xf32>
              %sub3A_294 = arith.subf %sub3A_293, %mul3A_291 : vector<16xf32>
              %mul3A_295 = arith.mulf %mul3A_286, %sub3A_294 : vector<16xf32>
              %mul3A_296 = arith.mulf %max3A_262, %mul3A_295 : vector<16xf32>
              %get3A_297 = arith.constant 0 : index
              %get3A_298 = tpu.vector_load %arg17[%get3A_297] {strides = array<i32>} : memref<16xf32, #tpu.memory_space<vmem>>, vector<16xf32>,
              %jit3A = arith.constant 0.000000e+00 : f32
              %broadcast_in_dim3A_299 = vector.broadcast %jit3A : f32 to vector<16xf32>
              %select_n3A = arith.select %gt3A_155, %mul3A_296, %broadcast_in_dim3A_299 : vector<16xi1>, vector<16xf32>
              %sub3A_300 = arith.subf %get3A_298, %select_n3A : vector<16xf32>
              %swap3A_301 = arith.constant 0 : index
              %swap3A_302 = tpu.vector_load %arg17[%swap3A_301] {strides = array<i32>} : memref<16xf32, #tpu.memory_space<vmem>>, vector<16xf32>,
              tpu.vector_store %arg17[%swap3A_301], %sub3A_300 {strides = array<i32>} : memref<16xf32, #tpu.memory_space<vmem>>, vector<16xf32>,
            } else {
            }
            %scan3A_169 = arith.constant 0 : i32
            scf.yield %scan3A_169 : i32
          }
          %scan3A_138 = arith.constant 5 : i32
        } else {
        }
      }
      %scan3A_87 = arith.constant 50 : i32
      %add3A_88 = arith.addf %parallel_loop3A_81#0, %parallel_loop3A_81#1 : vector<16xf32>
      %add3A_89 = arith.addf %parallel_loop3A_81#2, %parallel_loop3A_81#3 : vector<16xf32>
      %add3A_90 = arith.addf %add3A_88, %add3A_89 : vector<16xf32>
      %add3A_91 = arith.addf %scan3A_58, %add3A_90 : vector<16xf32>
      %dma_wait3A_92 = arith.constant 0 : i32
      %dma_wait3A_93 = tpu.memref_slice %arg4[%dma_wait3A_92] : memref<3200000xi32, #tpu.memory_space<hbm>> -> memref<4000xi32, #tpu.memory_space<hbm>>
      %dma_wait3A_94 = arith.constant 0 : i32
      %dma_wait3A_95 = tpu.memref_slice %arg4[%dma_wait3A_94] : memref<3200000xi32, #tpu.memory_space<hbm>> -> memref<4000xi32, #tpu.memory_space<hbm>>
      tpu.wait_dma2 semaphore(%arg20 : memref<!tpu.dma_semaphore, #tpu.memory_space<semaphore_mem>>) src(%dma_wait3A_95 : memref<4000xi32, #tpu.memory_space<hbm>>) dst(%arg13 : memref<4000xi32, #tpu.memory_space<vmem>>)
      %dma_wait3A_96 = arith.constant 0 : i32
      %dma_wait3A_97 = tpu.memref_slice %arg5[%dma_wait3A_96] : memref<3200000xi32, #tpu.memory_space<hbm>> -> memref<4000xi32, #tpu.memory_space<hbm>>
      %dma_wait3A_98 = arith.constant 0 : i32
      %dma_wait3A_99 = tpu.memref_slice %arg5[%dma_wait3A_98] : memref<3200000xi32, #tpu.memory_space<hbm>> -> memref<4000xi32, #tpu.memory_space<hbm>>
      tpu.wait_dma2 semaphore(%arg20 : memref<!tpu.dma_semaphore, #tpu.memory_space<semaphore_mem>>) src(%dma_wait3A_99 : memref<4000xi32, #tpu.memory_space<hbm>>) dst(%arg14 : memref<4000xi32, #tpu.memory_space<vmem>>)
      %mul3A_100 = arith.constant 2 : i32
      %mul3A_101 = arith.muli %mul3A_100, %scan3A_57 : i32
      %add3A_102 = arith.constant 2 : i32
      %add3A_103 = arith.addi %mul3A_101, %add3A_102 : i32
      %mul3A_104 = arith.constant 4000 : i32
      %mul3A_105 = arith.muli %add3A_103, %mul3A_104 : i32
      %add3A_106 = arith.addi %mul3A_2, %mul3A_105 : i32
      %dma_start3A_107 = tpu.memref_slice %arg4[%add3A_106] : memref<3200000xi32, #tpu.memory_space<hbm>> -> memref<4000xi32, #tpu.memory_space<hbm>>
      %dma_start3A_108 = tpu.memref_slice %arg4[%add3A_106] : memref<3200000xi32, #tpu.memory_space<hbm>> -> memref<4000xi32, #tpu.memory_space<hbm>>
      tpu.enqueue_dma source(%dma_start3A_108 : memref<4000xi32, #tpu.memory_space<hbm>>) target(%arg11 : memref<4000xi32, #tpu.memory_space<vmem>>) target_semaphore(%arg19 : memref<!tpu.dma_semaphore, #tpu.memory_space<semaphore_mem>>)
      %dma_start3A_109 = tpu.memref_slice %arg5[%add3A_106] : memref<3200000xi32, #tpu.memory_space<hbm>> -> memref<4000xi32, #tpu.memory_space<hbm>>
      %dma_start3A_110 = tpu.memref_slice %arg5[%add3A_106] : memref<3200000xi32, #tpu.memory_space<hbm>> -> memref<4000xi32, #tpu.memory_space<hbm>>
      tpu.enqueue_dma source(%dma_start3A_110 : memref<4000xi32, #tpu.memory_space<hbm>>) target(%arg12 : memref<4000xi32, #tpu.memory_space<vmem>>) target_semaphore(%arg19 : memref<!tpu.dma_semaphore, #tpu.memory_space<semaphore_mem>>)
      %parallel_loop3A_111 = arith.constant 0 : i32
      %parallel_loop3A_112 = arith.constant 50 : i32
      %parallel_loop3A_113 = arith.constant 1 : i32
      %parallel_loop3A_114:4 = scf.for %parallel_loop3A_125 = %parallel_loop3A_111 to %parallel_loop3A_112 step %parallel_loop3A_113 iter_args(%parallel_loop3A_126 = %broadcast_in_dim3A_25, %parallel_loop3A_127 = %broadcast_in_dim3A_25, %parallel_loop3A_128 = %broadcast_in_dim3A_25, %parallel_loop3A_129 = %broadcast_in_dim3A_25) -> (vector<16xf32>, vector<16xf32>, vector<16xf32>, vector<16xf32>)  : i32 {
        %parallel_loop3A_130 = arith.constant 80 : i32
        %parallel_loop3A_131 = arith.muli %parallel_loop3A_125, %parallel_loop3A_130 : i32
        %parallel_loop3A_132 = arith.constant -4.000000e+30 : f32
        %parallel_loop3A_133 = vector.broadcast %parallel_loop3A_132 : f32 to vector<16xf32>
        %parallel_loop3A_134 = arith.constant -4.000000e+30 : f32
        %parallel_loop3A_135 = vector.broadcast %parallel_loop3A_134 : f32 to vector<16xf32>
        %parallel_loop3A_136 = arith.constant -4.000000e+30 : f32
        %parallel_loop3A_137 = vector.broadcast %parallel_loop3A_136 : f32 to vector<16xf32>
        %parallel_loop3A_138 = arith.constant -4.000000e+30 : f32
        %parallel_loop3A_139 = vector.broadcast %parallel_loop3A_138 : f32 to vector<16xf32>
        %parallel_loop3A_140 = arith.constant 0 : i32
        %parallel_loop3A_141 = arith.addi %parallel_loop3A_131, %parallel_loop3A_140 : i32
        %parallel_loop3A_142 = arith.index_cast %parallel_loop3A_141 : i32 to index
        %parallel_loop3A_143 = tpu.vector_load %arg13[%parallel_loop3A_142] {strides = array<i32>} : memref<4000xi32, #tpu.memory_space<vmem>>, vector<16xi32>,
        %parallel_loop3A_144 = arith.constant 0 : i32
        %parallel_loop3A_145 = arith.addi %parallel_loop3A_131, %parallel_loop3A_144 : i32
        %parallel_loop3A_146 = arith.index_cast %parallel_loop3A_145 : i32 to index
        %parallel_loop3A_147 = tpu.vector_load %arg14[%parallel_loop3A_146] {strides = array<i32>} : memref<4000xi32, #tpu.memory_space<vmem>>, vector<16xi32>,
        %parallel_loop3A_148 = tpu.vector_load_idx %arg8[%parallel_loop3A_143] : memref<100000xf32, #tpu.memory_space<vmem>>[vector<16xi32>], vector<16xf32>,
        %parallel_loop3A_149 = tpu.vector_load_idx %arg8[%parallel_loop3A_147] : memref<100000xf32, #tpu.memory_space<vmem>>[vector<16xi32>], vector<16xf32>,
        %parallel_loop3A_150 = arith.addf %parallel_loop3A_148, %parallel_loop3A_149 : vector<16xf32>
        %parallel_loop3A_151 = arith.constant -1.000000e+30 : f32
        %parallel_loop3A_152 = vector.broadcast %parallel_loop3A_151 : f32 to vector<16xf32>
        %parallel_loop3A_153 = arith.cmpf ogt, %parallel_loop3A_150, %parallel_loop3A_152 : vector<16xf32>
        %parallel_loop3A_154 = arith.constant 0.000000e+00 : f32
        %parallel_loop3A_155 = vector.broadcast %parallel_loop3A_154 : f32 to vector<16xf32>
        %parallel_loop3A_156 = arith.select %parallel_loop3A_153, %parallel_loop3A_150, %parallel_loop3A_155 : vector<16xi1>, vector<16xf32>
        %parallel_loop3A_157 = arith.addf %parallel_loop3A_126, %parallel_loop3A_156 : vector<16xf32>
        %parallel_loop3A_158 = arith.maximumf %parallel_loop3A_133, %parallel_loop3A_150 : vector<16xf32>
        %parallel_loop3A_159 = arith.constant 16 : i32
        %parallel_loop3A_160 = arith.addi %parallel_loop3A_131, %parallel_loop3A_159 : i32
        %parallel_loop3A_161 = arith.index_cast %parallel_loop3A_160 : i32 to index
        %parallel_loop3A_162 = tpu.vector_load %arg13[%parallel_loop3A_161] {strides = array<i32>} : memref<4000xi32, #tpu.memory_space<vmem>>, vector<16xi32>,
        %parallel_loop3A_163 = arith.constant 16 : i32
        %parallel_loop3A_164 = arith.addi %parallel_loop3A_131, %parallel_loop3A_163 : i32
        %parallel_loop3A_165 = arith.index_cast %parallel_loop3A_164 : i32 to index
        %parallel_loop3A_166 = tpu.vector_load %arg14[%parallel_loop3A_165] {strides = array<i32>} : memref<4000xi32, #tpu.memory_space<vmem>>, vector<16xi32>,
        %parallel_loop3A_167 = tpu.vector_load_idx %arg8[%parallel_loop3A_162] : memref<100000xf32, #tpu.memory_space<vmem>>[vector<16xi32>], vector<16xf32>,
        %parallel_loop3A_168 = tpu.vector_load_idx %arg8[%parallel_loop3A_166] : memref<100000xf32, #tpu.memory_space<vmem>>[vector<16xi32>], vector<16xf32>,
        %parallel_loop3A_169 = arith.addf %parallel_loop3A_167, %parallel_loop3A_168 : vector<16xf32>
        %parallel_loop3A_170 = arith.constant -1.000000e+30 : f32
        %parallel_loop3A_171 = vector.broadcast %parallel_loop3A_170 : f32 to vector<16xf32>
        %parallel_loop3A_172 = arith.cmpf ogt, %parallel_loop3A_169, %parallel_loop3A_171 : vector<16xf32>
        %parallel_loop3A_173 = arith.constant 0.000000e+00 : f32
        %parallel_loop3A_174 = vector.broadcast %parallel_loop3A_173 : f32 to vector<16xf32>
        %parallel_loop3A_175 = arith.select %parallel_loop3A_172, %parallel_loop3A_169, %parallel_loop3A_174 : vector<16xi1>, vector<16xf32>
        %parallel_loop3A_176 = arith.addf %parallel_loop3A_127, %parallel_loop3A_175 : vector<16xf32>
        %parallel_loop3A_177 = arith.maximumf %parallel_loop3A_135, %parallel_loop3A_169 : vector<16xf32>
        %parallel_loop3A_178 = arith.constant 32 : i32
        %parallel_loop3A_179 = arith.addi %parallel_loop3A_131, %parallel_loop3A_178 : i32
        %parallel_loop3A_180 = arith.index_cast %parallel_loop3A_179 : i32 to index
        %parallel_loop3A_181 = tpu.vector_load %arg13[%parallel_loop3A_180] {strides = array<i32>} : memref<4000xi32, #tpu.memory_space<vmem>>, vector<16xi32>,
        %parallel_loop3A_182 = arith.constant 32 : i32
        %parallel_loop3A_183 = arith.addi %parallel_loop3A_131, %parallel_loop3A_182 : i32
        %parallel_loop3A_184 = arith.index_cast %parallel_loop3A_183 : i32 to index
        %parallel_loop3A_185 = tpu.vector_load %arg14[%parallel_loop3A_184] {strides = array<i32>} : memref<4000xi32, #tpu.memory_space<vmem>>, vector<16xi32>,
        %parallel_loop3A_186 = tpu.vector_load_idx %arg8[%parallel_loop3A_181] : memref<100000xf32, #tpu.memory_space<vmem>>[vector<16xi32>], vector<16xf32>,
        %parallel_loop3A_187 = tpu.vector_load_idx %arg8[%parallel_loop3A_185] : memref<100000xf32, #tpu.memory_space<vmem>>[vector<16xi32>], vector<16xf32>,
        %parallel_loop3A_188 = arith.addf %parallel_loop3A_186, %parallel_loop3A_187 : vector<16xf32>
        %parallel_loop3A_189 = arith.constant -1.000000e+30 : f32
        %parallel_loop3A_190 = vector.broadcast %parallel_loop3A_189 : f32 to vector<16xf32>
        %parallel_loop3A_191 = arith.cmpf ogt, %parallel_loop3A_188, %parallel_loop3A_190 : vector<16xf32>
        %parallel_loop3A_192 = arith.constant 0.000000e+00 : f32
        %parallel_loop3A_193 = vector.broadcast %parallel_loop3A_192 : f32 to vector<16xf32>
        %parallel_loop3A_194 = arith.select %parallel_loop3A_191, %parallel_loop3A_188, %parallel_loop3A_193 : vector<16xi1>, vector<16xf32>
        %parallel_loop3A_195 = arith.addf %parallel_loop3A_128, %parallel_loop3A_194 : vector<16xf32>
        %parallel_loop3A_196 = arith.maximumf %parallel_loop3A_137, %parallel_loop3A_188 : vector<16xf32>
        %parallel_loop3A_197 = arith.constant 48 : i32
        %parallel_loop3A_198 = arith.addi %parallel_loop3A_131, %parallel_loop3A_197 : i32
        %parallel_loop3A_199 = arith.index_cast %parallel_loop3A_198 : i32 to index
        %parallel_loop3A_200 = tpu.vector_load %arg13[%parallel_loop3A_199] {strides = array<i32>} : memref<4000xi32, #tpu.memory_space<vmem>>, vector<16xi32>,
        %parallel_loop3A_201 = arith.constant 48 : i32
        %parallel_loop3A_202 = arith.addi %parallel_loop3A_131, %parallel_loop3A_201 : i32
        %parallel_loop3A_203 = arith.index_cast %parallel_loop3A_202 : i32 to index
        %parallel_loop3A_204 = tpu.vector_load %arg14[%parallel_loop3A_203] {strides = array<i32>} : memref<4000xi32, #tpu.memory_space<vmem>>, vector<16xi32>,
        %parallel_loop3A_205 = tpu.vector_load_idx %arg8[%parallel_loop3A_200] : memref<100000xf32, #tpu.memory_space<vmem>>[vector<16xi32>], vector<16xf32>,
        %parallel_loop3A_206 = tpu.vector_load_idx %arg8[%parallel_loop3A_204] : memref<100000xf32, #tpu.memory_space<vmem>>[vector<16xi32>], vector<16xf32>,
        %parallel_loop3A_207 = arith.addf %parallel_loop3A_205, %parallel_loop3A_206 : vector<16xf32>
        %parallel_loop3A_208 = arith.constant -1.000000e+30 : f32
        %parallel_loop3A_209 = vector.broadcast %parallel_loop3A_208 : f32 to vector<16xf32>
        %parallel_loop3A_210 = arith.cmpf ogt, %parallel_loop3A_207, %parallel_loop3A_209 : vector<16xf32>
        %parallel_loop3A_211 = arith.constant 0.000000e+00 : f32
        %parallel_loop3A_212 = vector.broadcast %parallel_loop3A_211 : f32 to vector<16xf32>
        %parallel_loop3A_213 = arith.select %parallel_loop3A_210, %parallel_loop3A_207, %parallel_loop3A_212 : vector<16xi1>, vector<16xf32>
        %parallel_loop3A_214 = arith.addf %parallel_loop3A_129, %parallel_loop3A_213 : vector<16xf32>
        %parallel_loop3A_215 = arith.maximumf %parallel_loop3A_139, %parallel_loop3A_207 : vector<16xf32>
        %parallel_loop3A_216 = arith.constant 64 : i32
        %parallel_loop3A_217 = arith.addi %parallel_loop3A_131, %parallel_loop3A_216 : i32
        %parallel_loop3A_218 = arith.index_cast %parallel_loop3A_217 : i32 to index
        %parallel_loop3A_219 = tpu.vector_load %arg13[%parallel_loop3A_218] {strides = array<i32>} : memref<4000xi32, #tpu.memory_space<vmem>>, vector<16xi32>,
        %parallel_loop3A_220 = arith.constant 64 : i32
        %parallel_loop3A_221 = arith.addi %parallel_loop3A_131, %parallel_loop3A_220 : i32
        %parallel_loop3A_222 = arith.index_cast %parallel_loop3A_221 : i32 to index
        %parallel_loop3A_223 = tpu.vector_load %arg14[%parallel_loop3A_222] {strides = array<i32>} : memref<4000xi32, #tpu.memory_space<vmem>>, vector<16xi32>,
        %parallel_loop3A_224 = tpu.vector_load_idx %arg8[%parallel_loop3A_219] : memref<100000xf32, #tpu.memory_space<vmem>>[vector<16xi32>], vector<16xf32>,
        %parallel_loop3A_225 = tpu.vector_load_idx %arg8[%parallel_loop3A_223] : memref<100000xf32, #tpu.memory_space<vmem>>[vector<16xi32>], vector<16xf32>,
        %parallel_loop3A_226 = arith.addf %parallel_loop3A_224, %parallel_loop3A_225 : vector<16xf32>
        %parallel_loop3A_227 = arith.constant -1.000000e+30 : f32
        %parallel_loop3A_228 = vector.broadcast %parallel_loop3A_227 : f32 to vector<16xf32>
        %parallel_loop3A_229 = arith.cmpf ogt, %parallel_loop3A_226, %parallel_loop3A_228 : vector<16xf32>
        %parallel_loop3A_230 = arith.constant 0.000000e+00 : f32
        %parallel_loop3A_231 = vector.broadcast %parallel_loop3A_230 : f32 to vector<16xf32>
        %parallel_loop3A_232 = arith.select %parallel_loop3A_229, %parallel_loop3A_226, %parallel_loop3A_231 : vector<16xi1>, vector<16xf32>
        %parallel_loop3A_233 = arith.addf %parallel_loop3A_157, %parallel_loop3A_232 : vector<16xf32>
        %parallel_loop3A_234 = arith.maximumf %parallel_loop3A_158, %parallel_loop3A_226 : vector<16xf32>
        %parallel_loop3A_235 = arith.maximumf %parallel_loop3A_234, %parallel_loop3A_177 : vector<16xf32>
        %parallel_loop3A_236 = arith.maximumf %parallel_loop3A_196, %parallel_loop3A_215 : vector<16xf32>
        %parallel_loop3A_237 = arith.maximumf %parallel_loop3A_235, %parallel_loop3A_236 : vector<16xf32>
        %parallel_loop3A_238 = arith.constant true
        %parallel_loop3A_239 = vector.broadcast %parallel_loop3A_238 : i1 to vector<16xi1>
        %parallel_loop3A_240 = tpu.scan <max>, %parallel_loop3A_237 masked %parallel_loop3A_239 : vector<16xf32>, vector<16xi1> -> vector<16xf32>
        %parallel_loop3A_241 = vector.extract %parallel_loop3A_240[15] : f32 from vector<16xf32>
        %parallel_loop3A_242 = arith.index_cast %parallel_loop3A_125 : i32 to index
        %parallel_loop3A_243 = memref.load %arg18[%parallel_loop3A_242] : memref<50xf32, #tpu.memory_space<smem>>
        memref.store %parallel_loop3A_241, %arg18[%parallel_loop3A_242] : memref<50xf32, #tpu.memory_space<smem>>
        scf.yield %parallel_loop3A_233, %parallel_loop3A_176, %parallel_loop3A_195, %parallel_loop3A_214 : vector<16xf32>, vector<16xf32>, vector<16xf32>, vector<16xf32>
      } {sc.loop_unroll_factor = 2 : i64, sc.parallel_access}
      %scan3A_115 = arith.constant 0 : i32
      %scan3A_116 = arith.constant 0 : i32
      %scan3A_117 = arith.constant 50 : i32
      %scan3A_118 = arith.addi %scan3A_116, %scan3A_117 : i32
      %scan3A_119 = arith.constant 1 : i32
      scf.for %scan3A_125 = %scan3A_116 to %scan3A_118 step %scan3A_119  : i32 {
        %get3A_126 = arith.index_cast %scan3A_125 : i32 to index
        %get3A_127 = memref.load %arg18[%get3A_126] : memref<50xf32, #tpu.memory_space<smem>>
        %gt3A = arith.constant -1.000000e+30 : f32
        %gt3A_128 = arith.cmpf ogt, %get3A_127, %gt3A : f32
        %convert_element_type3A = arith.extui %gt3A_128 : i1 to i32
        %cond3A = arith.constant 0 : i32
        %cond3A_129 = arith.cmpi ne, %convert_element_type3A, %cond3A : i32
        scf.if %cond3A_129 {
          %mul3A_130 = arith.constant 80 : i32
          %mul3A_131 = arith.muli %scan3A_125, %mul3A_130 : i32
          %scan3A_132 = arith.constant 0 : i32
          %scan3A_133 = arith.constant 0 : i32
          %scan3A_134 = arith.constant 5 : i32
          %scan3A_135 = arith.addi %scan3A_133, %scan3A_134 : i32
          %scan3A_136 = arith.constant 1 : i32
          %scan3A_137 = scf.for %scan3A_139 = %scan3A_133 to %scan3A_135 step %scan3A_136 iter_args(%scan3A_140 = %scan3A_132) -> (i32)  : i32 {
            %mul3A_141 = arith.constant 16 : i32
            %mul3A_142 = arith.muli %scan3A_139, %mul3A_141 : i32
            %add3A_143 = arith.addi %mul3A_131, %mul3A_142 : i32
            %get3A_144 = arith.index_cast %add3A_143 : i32 to index
            %get3A_145 = tpu.vector_load %arg13[%get3A_144] {strides = array<i32>} : memref<4000xi32, #tpu.memory_space<vmem>>, vector<16xi32>,
            %mul3A_146 = arith.constant 16 : i32
            %mul3A_147 = arith.muli %scan3A_139, %mul3A_146 : i32
            %add3A_148 = arith.addi %mul3A_131, %mul3A_147 : i32
            %get3A_149 = arith.index_cast %add3A_148 : i32 to index
            %get3A_150 = tpu.vector_load %arg14[%get3A_149] {strides = array<i32>} : memref<4000xi32, #tpu.memory_space<vmem>>, vector<16xi32>,
            %gather3A = tpu.vector_load_idx %arg8[%get3A_145] : memref<100000xf32, #tpu.memory_space<vmem>>[vector<16xi32>], vector<16xf32>,
            %gather3A_151 = tpu.vector_load_idx %arg8[%get3A_150] : memref<100000xf32, #tpu.memory_space<vmem>>[vector<16xi32>], vector<16xf32>,
            %add3A_152 = arith.addf %gather3A, %gather3A_151 : vector<16xf32>
            %gt3A_153 = arith.constant -1.000000e+30 : f32
            %gt3A_154 = vector.broadcast %gt3A_153 : f32 to vector<16xf32>
            %gt3A_155 = arith.cmpf ogt, %add3A_152, %gt3A_154 : vector<16xf32>
            %reduce_or3A = arith.constant 1.000000e+00 : f32
            %reduce_or3A_156 = arith.constant 0.000000e+00 : f32
            %reduce_or3A_157 = vector.broadcast %reduce_or3A : f32 to vector<16xf32>
            %reduce_or3A_158 = vector.broadcast %reduce_or3A_156 : f32 to vector<16xf32>
            %reduce_or3A_159 = arith.select %gt3A_155, %reduce_or3A_157, %reduce_or3A_158 : vector<16xi1>, vector<16xf32>
            %reduce_or3A_160 = arith.constant true
            %reduce_or3A_161 = vector.broadcast %reduce_or3A_160 : i1 to vector<16xi1>
            %reduce_or3A_162 = tpu.scan <max>, %reduce_or3A_159 masked %reduce_or3A_161 : vector<16xf32>, vector<16xi1> -> vector<16xf32>
            %reduce_or3A_163 = vector.extract %reduce_or3A_162[15] : f32 from vector<16xf32>
            %reduce_or3A_164 = arith.constant 0.000000e+00 : f32
            %reduce_or3A_165 = arith.cmpf ogt, %reduce_or3A_163, %reduce_or3A_164 : f32
            %convert_element_type3A_166 = arith.extui %reduce_or3A_165 : i1 to i32
            %cond3A_167 = arith.constant 0 : i32
            %cond3A_168 = arith.cmpi ne, %convert_element_type3A_166, %cond3A_167 : i32
            scf.if %cond3A_168 {
              %dma_start3A_170 = arith.constant 0 : i32
              %dma_start3A_171 = arith.constant 0 : i32
              %dma_start3A_172 = tpu.memref_slice %arg6[%dma_start3A_170, %dma_start3A_171] : memref<100000x8xf32, #tpu.memory_space<hbm>> -> memref<100000x8xf32, #tpu.memory_space<hbm>>
              tpu.enqueue_indirect_dma source(%dma_start3A_172 : memref<100000x8xf32, #tpu.memory_space<hbm>>) target(%arg15 : memref<16x8xf32, #tpu.memory_space<vmem>>) offsets(%get3A_145 : vector<16xi32>) semaphore(%arg21 : memref<!tpu.dma_semaphore, #tpu.memory_space<semaphore_mem>>)
              %dma_start3A_173 = arith.constant 0 : i32
              %dma_start3A_174 = arith.constant 0 : i32
              %dma_start3A_175 = tpu.memref_slice %arg6[%dma_start3A_173, %dma_start3A_174] : memref<100000x8xf32, #tpu.memory_space<hbm>> -> memref<100000x8xf32, #tpu.memory_space<hbm>>
              tpu.enqueue_indirect_dma source(%dma_start3A_175 : memref<100000x8xf32, #tpu.memory_space<hbm>>) target(%arg16 : memref<16x8xf32, #tpu.memory_space<vmem>>) offsets(%get3A_150 : vector<16xi32>) semaphore(%arg21 : memref<!tpu.dma_semaphore, #tpu.memory_space<semaphore_mem>>)
              %dma_wait3A_176 = arith.constant 0 : i32
              %dma_wait3A_177 = arith.constant 0 : i32
              %dma_wait3A_178 = tpu.memref_slice %arg6[%dma_wait3A_176, %dma_wait3A_177] : memref<100000x8xf32, #tpu.memory_space<hbm>> -> memref<100000x8xf32, #tpu.memory_space<hbm>>
              tpu.wait_indirect_dma semaphore(%arg21 : memref<!tpu.dma_semaphore, #tpu.memory_space<semaphore_mem>>) src(%dma_wait3A_178 : memref<100000x8xf32, #tpu.memory_space<hbm>>) dst(%arg15 : memref<16x8xf32, #tpu.memory_space<vmem>>)
              %dma_wait3A_179 = arith.constant 0 : i32
              %dma_wait3A_180 = arith.constant 0 : i32
              %dma_wait3A_181 = tpu.memref_slice %arg6[%dma_wait3A_179, %dma_wait3A_180] : memref<100000x8xf32, #tpu.memory_space<hbm>> -> memref<100000x8xf32, #tpu.memory_space<hbm>>
              tpu.wait_indirect_dma semaphore(%arg21 : memref<!tpu.dma_semaphore, #tpu.memory_space<semaphore_mem>>) src(%dma_wait3A_181 : memref<100000x8xf32, #tpu.memory_space<hbm>>) dst(%arg16 : memref<16x8xf32, #tpu.memory_space<vmem>>)
              %broadcast_in_dim3A_182 = arith.constant 0 : i32
              %broadcast_in_dim3A_183 = vector.broadcast %broadcast_in_dim3A_182 : i32 to vector<16xi32>
              %gather3A_184 = tpu.vector_load_idx %arg15[%iota3A, %broadcast_in_dim3A_183] : memref<16x8xf32, #tpu.memory_space<vmem>>[vector<16xi32>, vector<16xi32>], vector<16xf32>,
              %gather3A_185 = tpu.vector_load_idx %arg16[%iota3A, %broadcast_in_dim3A_183] : memref<16x8xf32, #tpu.memory_space<vmem>>[vector<16xi32>, vector<16xi32>], vector<16xf32>,
              %sub3A = arith.subf %gather3A_184, %gather3A_185 : vector<16xf32>
              %add3A_186 = arith.constant 9.99999997E-7 : f32
              %add3A_187 = vector.broadcast %add3A_186 : f32 to vector<16xf32>
              %add3A_188 = arith.addf %sub3A, %add3A_187 : vector<16xf32>
              %mul3A_189 = arith.mulf %add3A_188, %add3A_188 : vector<16xf32>
              %add3A_190 = arith.addf %broadcast_in_dim3A_25, %mul3A_189 : vector<16xf32>
              %broadcast_in_dim3A_191 = arith.constant 1 : i32
              %broadcast_in_dim3A_192 = vector.broadcast %broadcast_in_dim3A_191 : i32 to vector<16xi32>
              %gather3A_193 = tpu.vector_load_idx %arg15[%iota3A, %broadcast_in_dim3A_192] : memref<16x8xf32, #tpu.memory_space<vmem>>[vector<16xi32>, vector<16xi32>], vector<16xf32>,
              %gather3A_194 = tpu.vector_load_idx %arg16[%iota3A, %broadcast_in_dim3A_192] : memref<16x8xf32, #tpu.memory_space<vmem>>[vector<16xi32>, vector<16xi32>], vector<16xf32>,
              %sub3A_195 = arith.subf %gather3A_193, %gather3A_194 : vector<16xf32>
              %add3A_196 = arith.constant 9.99999997E-7 : f32
              %add3A_197 = vector.broadcast %add3A_196 : f32 to vector<16xf32>
              %add3A_198 = arith.addf %sub3A_195, %add3A_197 : vector<16xf32>
              %mul3A_199 = arith.mulf %add3A_198, %add3A_198 : vector<16xf32>
              %add3A_200 = arith.addf %add3A_190, %mul3A_199 : vector<16xf32>
              %broadcast_in_dim3A_201 = arith.constant 2 : i32
              %broadcast_in_dim3A_202 = vector.broadcast %broadcast_in_dim3A_201 : i32 to vector<16xi32>
              %gather3A_203 = tpu.vector_load_idx %arg15[%iota3A, %broadcast_in_dim3A_202] : memref<16x8xf32, #tpu.memory_space<vmem>>[vector<16xi32>, vector<16xi32>], vector<16xf32>,
              %gather3A_204 = tpu.vector_load_idx %arg16[%iota3A, %broadcast_in_dim3A_202] : memref<16x8xf32, #tpu.memory_space<vmem>>[vector<16xi32>, vector<16xi32>], vector<16xf32>,
              %sub3A_205 = arith.subf %gather3A_203, %gather3A_204 : vector<16xf32>
              %add3A_206 = arith.constant 9.99999997E-7 : f32
              %add3A_207 = vector.broadcast %add3A_206 : f32 to vector<16xf32>
              %add3A_208 = arith.addf %sub3A_205, %add3A_207 : vector<16xf32>
              %mul3A_209 = arith.mulf %add3A_208, %add3A_208 : vector<16xf32>
              %add3A_210 = arith.addf %add3A_200, %mul3A_209 : vector<16xf32>
              %broadcast_in_dim3A_211 = arith.constant 3 : i32
              %broadcast_in_dim3A_212 = vector.broadcast %broadcast_in_dim3A_211 : i32 to vector<16xi32>
              %gather3A_213 = tpu.vector_load_idx %arg15[%iota3A, %broadcast_in_dim3A_212] : memref<16x8xf32, #tpu.memory_space<vmem>>[vector<16xi32>, vector<16xi32>], vector<16xf32>,
              %gather3A_214 = tpu.vector_load_idx %arg16[%iota3A, %broadcast_in_dim3A_212] : memref<16x8xf32, #tpu.memory_space<vmem>>[vector<16xi32>, vector<16xi32>], vector<16xf32>,
              %sub3A_215 = arith.subf %gather3A_213, %gather3A_214 : vector<16xf32>
              %add3A_216 = arith.constant 9.99999997E-7 : f32
              %add3A_217 = vector.broadcast %add3A_216 : f32 to vector<16xf32>
              %add3A_218 = arith.addf %sub3A_215, %add3A_217 : vector<16xf32>
              %mul3A_219 = arith.mulf %add3A_218, %add3A_218 : vector<16xf32>
              %add3A_220 = arith.addf %add3A_210, %mul3A_219 : vector<16xf32>
              %broadcast_in_dim3A_221 = arith.constant 4 : i32
              %broadcast_in_dim3A_222 = vector.broadcast %broadcast_in_dim3A_221 : i32 to vector<16xi32>
              %gather3A_223 = tpu.vector_load_idx %arg15[%iota3A, %broadcast_in_dim3A_222] : memref<16x8xf32, #tpu.memory_space<vmem>>[vector<16xi32>, vector<16xi32>], vector<16xf32>,
              %gather3A_224 = tpu.vector_load_idx %arg16[%iota3A, %broadcast_in_dim3A_222] : memref<16x8xf32, #tpu.memory_space<vmem>>[vector<16xi32>, vector<16xi32>], vector<16xf32>,
              %sub3A_225 = arith.subf %gather3A_223, %gather3A_224 : vector<16xf32>
              %add3A_226 = arith.constant 9.99999997E-7 : f32
              %add3A_227 = vector.broadcast %add3A_226 : f32 to vector<16xf32>
              %add3A_228 = arith.addf %sub3A_225, %add3A_227 : vector<16xf32>
              %mul3A_229 = arith.mulf %add3A_228, %add3A_228 : vector<16xf32>
              %add3A_230 = arith.addf %add3A_220, %mul3A_229 : vector<16xf32>
              %broadcast_in_dim3A_231 = arith.constant 5 : i32
              %broadcast_in_dim3A_232 = vector.broadcast %broadcast_in_dim3A_231 : i32 to vector<16xi32>
              %gather3A_233 = tpu.vector_load_idx %arg15[%iota3A, %broadcast_in_dim3A_232] : memref<16x8xf32, #tpu.memory_space<vmem>>[vector<16xi32>, vector<16xi32>], vector<16xf32>,
              %gather3A_234 = tpu.vector_load_idx %arg16[%iota3A, %broadcast_in_dim3A_232] : memref<16x8xf32, #tpu.memory_space<vmem>>[vector<16xi32>, vector<16xi32>], vector<16xf32>,
              %sub3A_235 = arith.subf %gather3A_233, %gather3A_234 : vector<16xf32>
              %add3A_236 = arith.constant 9.99999997E-7 : f32
              %add3A_237 = vector.broadcast %add3A_236 : f32 to vector<16xf32>
              %add3A_238 = arith.addf %sub3A_235, %add3A_237 : vector<16xf32>
              %mul3A_239 = arith.mulf %add3A_238, %add3A_238 : vector<16xf32>
              %add3A_240 = arith.addf %add3A_230, %mul3A_239 : vector<16xf32>
              %broadcast_in_dim3A_241 = arith.constant 6 : i32
              %broadcast_in_dim3A_242 = vector.broadcast %broadcast_in_dim3A_241 : i32 to vector<16xi32>
              %gather3A_243 = tpu.vector_load_idx %arg15[%iota3A, %broadcast_in_dim3A_242] : memref<16x8xf32, #tpu.memory_space<vmem>>[vector<16xi32>, vector<16xi32>], vector<16xf32>,
              %gather3A_244 = tpu.vector_load_idx %arg16[%iota3A, %broadcast_in_dim3A_242] : memref<16x8xf32, #tpu.memory_space<vmem>>[vector<16xi32>, vector<16xi32>], vector<16xf32>,
              %sub3A_245 = arith.subf %gather3A_243, %gather3A_244 : vector<16xf32>
              %add3A_246 = arith.constant 9.99999997E-7 : f32
              %add3A_247 = vector.broadcast %add3A_246 : f32 to vector<16xf32>
              %add3A_248 = arith.addf %sub3A_245, %add3A_247 : vector<16xf32>
              %mul3A_249 = arith.mulf %add3A_248, %add3A_248 : vector<16xf32>
              %add3A_250 = arith.addf %add3A_240, %mul3A_249 : vector<16xf32>
              %broadcast_in_dim3A_251 = arith.constant 7 : i32
              %broadcast_in_dim3A_252 = vector.broadcast %broadcast_in_dim3A_251 : i32 to vector<16xi32>
              %gather3A_253 = tpu.vector_load_idx %arg15[%iota3A, %broadcast_in_dim3A_252] : memref<16x8xf32, #tpu.memory_space<vmem>>[vector<16xi32>, vector<16xi32>], vector<16xf32>,
              %gather3A_254 = tpu.vector_load_idx %arg16[%iota3A, %broadcast_in_dim3A_252] : memref<16x8xf32, #tpu.memory_space<vmem>>[vector<16xi32>, vector<16xi32>], vector<16xf32>,
              %sub3A_255 = arith.subf %gather3A_253, %gather3A_254 : vector<16xf32>
              %add3A_256 = arith.constant 9.99999997E-7 : f32
              %add3A_257 = vector.broadcast %add3A_256 : f32 to vector<16xf32>
              %add3A_258 = arith.addf %sub3A_255, %add3A_257 : vector<16xf32>
              %mul3A_259 = arith.mulf %add3A_258, %add3A_258 : vector<16xf32>
              %add3A_260 = arith.addf %add3A_250, %mul3A_259 : vector<16xf32>
              %max3A = arith.constant 1.000000e-35 : f32
              %max3A_261 = vector.broadcast %max3A : f32 to vector<16xf32>
              %max3A_262 = arith.maximumf %add3A_260, %max3A_261 : vector<16xf32>
              %bitcast3A = vector.bitcast %max3A_262 : vector<16xf32> to vector<16xi32>
              %shift_right_arithmetic3A = arith.constant 1 : i32
              %shift_right_arithmetic3A_263 = vector.broadcast %shift_right_arithmetic3A : i32 to vector<16xi32>
              %shift_right_arithmetic3A_264 = arith.shrsi %bitcast3A, %shift_right_arithmetic3A_263 : vector<16xi32>
              %sub3A_265 = arith.constant 1597463007 : i32
              %sub3A_266 = vector.broadcast %sub3A_265 : i32 to vector<16xi32>
              %sub3A_267 = arith.subi %sub3A_266, %shift_right_arithmetic3A_264 : vector<16xi32>
              %bitcast3A_268 = vector.bitcast %sub3A_267 : vector<16xi32> to vector<16xf32>
              %mul3A_269 = arith.constant 5.000000e-01 : f32
              %mul3A_270 = vector.broadcast %mul3A_269 : f32 to vector<16xf32>
              %mul3A_271 = arith.mulf %mul3A_270, %max3A_262 : vector<16xf32>
              %mul3A_272 = arith.mulf %mul3A_271, %bitcast3A_268 : vector<16xf32>
              %mul3A_273 = arith.mulf %mul3A_272, %bitcast3A_268 : vector<16xf32>
              %sub3A_274 = arith.constant 1.500000e+00 : f32
              %sub3A_275 = vector.broadcast %sub3A_274 : f32 to vector<16xf32>
              %sub3A_276 = arith.subf %sub3A_275, %mul3A_273 : vector<16xf32>
              %mul3A_277 = arith.mulf %bitcast3A_268, %sub3A_276 : vector<16xf32>
              %mul3A_278 = arith.constant 5.000000e-01 : f32
              %mul3A_279 = vector.broadcast %mul3A_278 : f32 to vector<16xf32>
              %mul3A_280 = arith.mulf %mul3A_279, %max3A_262 : vector<16xf32>
              %mul3A_281 = arith.mulf %mul3A_280, %mul3A_277 : vector<16xf32>
              %mul3A_282 = arith.mulf %mul3A_281, %mul3A_277 : vector<16xf32>
              %sub3A_283 = arith.constant 1.500000e+00 : f32
              %sub3A_284 = vector.broadcast %sub3A_283 : f32 to vector<16xf32>
              %sub3A_285 = arith.subf %sub3A_284, %mul3A_282 : vector<16xf32>
              %mul3A_286 = arith.mulf %mul3A_277, %sub3A_285 : vector<16xf32>
              %mul3A_287 = arith.constant 5.000000e-01 : f32
              %mul3A_288 = vector.broadcast %mul3A_287 : f32 to vector<16xf32>
              %mul3A_289 = arith.mulf %mul3A_288, %max3A_262 : vector<16xf32>
              %mul3A_290 = arith.mulf %mul3A_289, %mul3A_286 : vector<16xf32>
              %mul3A_291 = arith.mulf %mul3A_290, %mul3A_286 : vector<16xf32>
              %sub3A_292 = arith.constant 1.500000e+00 : f32
              %sub3A_293 = vector.broadcast %sub3A_292 : f32 to vector<16xf32>
              %sub3A_294 = arith.subf %sub3A_293, %mul3A_291 : vector<16xf32>
              %mul3A_295 = arith.mulf %mul3A_286, %sub3A_294 : vector<16xf32>
              %mul3A_296 = arith.mulf %max3A_262, %mul3A_295 : vector<16xf32>
              %get3A_297 = arith.constant 0 : index
              %get3A_298 = tpu.vector_load %arg17[%get3A_297] {strides = array<i32>} : memref<16xf32, #tpu.memory_space<vmem>>, vector<16xf32>,
              %jit3A = arith.constant 0.000000e+00 : f32
              %broadcast_in_dim3A_299 = vector.broadcast %jit3A : f32 to vector<16xf32>
              %select_n3A = arith.select %gt3A_155, %mul3A_296, %broadcast_in_dim3A_299 : vector<16xi1>, vector<16xf32>
              %sub3A_300 = arith.subf %get3A_298, %select_n3A : vector<16xf32>
              %swap3A_301 = arith.constant 0 : index
              %swap3A_302 = tpu.vector_load %arg17[%swap3A_301] {strides = array<i32>} : memref<16xf32, #tpu.memory_space<vmem>>, vector<16xf32>,
              tpu.vector_store %arg17[%swap3A_301], %sub3A_300 {strides = array<i32>} : memref<16xf32, #tpu.memory_space<vmem>>, vector<16xf32>,
            } else {
            }
            %scan3A_169 = arith.constant 0 : i32
            scf.yield %scan3A_169 : i32
          }
          %scan3A_138 = arith.constant 5 : i32
        } else {
        }
      }
      %scan3A_120 = arith.constant 50 : i32
      %add3A_121 = arith.addf %parallel_loop3A_114#0, %parallel_loop3A_114#1 : vector<16xf32>
      %add3A_122 = arith.addf %parallel_loop3A_114#2, %parallel_loop3A_114#3 : vector<16xf32>
      %add3A_123 = arith.addf %add3A_121, %add3A_122 : vector<16xf32>
      %add3A_124 = arith.addf %add3A_91, %add3A_123 : vector<16xf32>
      scf.yield %add3A_124 : vector<16xf32>
    }
    %scan3A_31 = arith.constant 12 : i32
    %dma_wait3A_32 = arith.constant 0 : i32
    %dma_wait3A_33 = tpu.memref_slice %arg4[%dma_wait3A_32] : memref<3200000xi32, #tpu.memory_space<hbm>> -> memref<4000xi32, #tpu.memory_space<hbm>>
    %dma_wait3A_34 = arith.constant 0 : i32
    %dma_wait3A_35 = tpu.memref_slice %arg4[%dma_wait3A_34] : memref<3200000xi32, #tpu.memory_space<hbm>> -> memref<4000xi32, #tpu.memory_space<hbm>>
    tpu.wait_dma2 semaphore(%arg19 : memref<!tpu.dma_semaphore, #tpu.memory_space<semaphore_mem>>) src(%dma_wait3A_35 : memref<4000xi32, #tpu.memory_space<hbm>>) dst(%arg11 : memref<4000xi32, #tpu.memory_space<vmem>>)
    %dma_wait3A_36 = arith.constant 0 : i32
    %dma_wait3A_37 = tpu.memref_slice %arg5[%dma_wait3A_36] : memref<3200000xi32, #tpu.memory_space<hbm>> -> memref<4000xi32, #tpu.memory_space<hbm>>
    %dma_wait3A_38 = arith.constant 0 : i32
    %dma_wait3A_39 = tpu.memref_slice %arg5[%dma_wait3A_38] : memref<3200000xi32, #tpu.memory_space<hbm>> -> memref<4000xi32, #tpu.memory_space<hbm>>
    tpu.wait_dma2 semaphore(%arg19 : memref<!tpu.dma_semaphore, #tpu.memory_space<semaphore_mem>>) src(%dma_wait3A_39 : memref<4000xi32, #tpu.memory_space<hbm>>) dst(%arg12 : memref<4000xi32, #tpu.memory_space<vmem>>)
    %parallel_loop3A = arith.constant 0 : i32
    %parallel_loop3A_40 = arith.constant 50 : i32
    %parallel_loop3A_41 = arith.constant 1 : i32
    %parallel_loop3A_42:4 = scf.for %parallel_loop3A_57 = %parallel_loop3A to %parallel_loop3A_40 step %parallel_loop3A_41 iter_args(%parallel_loop3A_58 = %broadcast_in_dim3A_25, %parallel_loop3A_59 = %broadcast_in_dim3A_25, %parallel_loop3A_60 = %broadcast_in_dim3A_25, %parallel_loop3A_61 = %broadcast_in_dim3A_25) -> (vector<16xf32>, vector<16xf32>, vector<16xf32>, vector<16xf32>)  : i32 {
      %parallel_loop3A_62 = arith.constant 80 : i32
      %parallel_loop3A_63 = arith.muli %parallel_loop3A_57, %parallel_loop3A_62 : i32
      %parallel_loop3A_64 = arith.constant -4.000000e+30 : f32
      %parallel_loop3A_65 = vector.broadcast %parallel_loop3A_64 : f32 to vector<16xf32>
      %parallel_loop3A_66 = arith.constant -4.000000e+30 : f32
      %parallel_loop3A_67 = vector.broadcast %parallel_loop3A_66 : f32 to vector<16xf32>
      %parallel_loop3A_68 = arith.constant -4.000000e+30 : f32
      %parallel_loop3A_69 = vector.broadcast %parallel_loop3A_68 : f32 to vector<16xf32>
      %parallel_loop3A_70 = arith.constant -4.000000e+30 : f32
      %parallel_loop3A_71 = vector.broadcast %parallel_loop3A_70 : f32 to vector<16xf32>
      %parallel_loop3A_72 = arith.constant 0 : i32
      %parallel_loop3A_73 = arith.addi %parallel_loop3A_63, %parallel_loop3A_72 : i32
      %parallel_loop3A_74 = arith.index_cast %parallel_loop3A_73 : i32 to index
      %parallel_loop3A_75 = tpu.vector_load %arg11[%parallel_loop3A_74] {strides = array<i32>} : memref<4000xi32, #tpu.memory_space<vmem>>, vector<16xi32>,
      %parallel_loop3A_76 = arith.constant 0 : i32
      %parallel_loop3A_77 = arith.addi %parallel_loop3A_63, %parallel_loop3A_76 : i32
      %parallel_loop3A_78 = arith.index_cast %parallel_loop3A_77 : i32 to index
      %parallel_loop3A_79 = tpu.vector_load %arg12[%parallel_loop3A_78] {strides = array<i32>} : memref<4000xi32, #tpu.memory_space<vmem>>, vector<16xi32>,
      %parallel_loop3A_80 = tpu.vector_load_idx %arg8[%parallel_loop3A_75] : memref<100000xf32, #tpu.memory_space<vmem>>[vector<16xi32>], vector<16xf32>,
      %parallel_loop3A_81 = tpu.vector_load_idx %arg8[%parallel_loop3A_79] : memref<100000xf32, #tpu.memory_space<vmem>>[vector<16xi32>], vector<16xf32>,
      %parallel_loop3A_82 = arith.addf %parallel_loop3A_80, %parallel_loop3A_81 : vector<16xf32>
      %parallel_loop3A_83 = arith.constant -1.000000e+30 : f32
      %parallel_loop3A_84 = vector.broadcast %parallel_loop3A_83 : f32 to vector<16xf32>
      %parallel_loop3A_85 = arith.cmpf ogt, %parallel_loop3A_82, %parallel_loop3A_84 : vector<16xf32>
      %parallel_loop3A_86 = arith.constant 0.000000e+00 : f32
      %parallel_loop3A_87 = vector.broadcast %parallel_loop3A_86 : f32 to vector<16xf32>
      %parallel_loop3A_88 = arith.select %parallel_loop3A_85, %parallel_loop3A_82, %parallel_loop3A_87 : vector<16xi1>, vector<16xf32>
      %parallel_loop3A_89 = arith.addf %parallel_loop3A_58, %parallel_loop3A_88 : vector<16xf32>
      %parallel_loop3A_90 = arith.maximumf %parallel_loop3A_65, %parallel_loop3A_82 : vector<16xf32>
      %parallel_loop3A_91 = arith.constant 16 : i32
      %parallel_loop3A_92 = arith.addi %parallel_loop3A_63, %parallel_loop3A_91 : i32
      %parallel_loop3A_93 = arith.index_cast %parallel_loop3A_92 : i32 to index
      %parallel_loop3A_94 = tpu.vector_load %arg11[%parallel_loop3A_93] {strides = array<i32>} : memref<4000xi32, #tpu.memory_space<vmem>>, vector<16xi32>,
      %parallel_loop3A_95 = arith.constant 16 : i32
      %parallel_loop3A_96 = arith.addi %parallel_loop3A_63, %parallel_loop3A_95 : i32
      %parallel_loop3A_97 = arith.index_cast %parallel_loop3A_96 : i32 to index
      %parallel_loop3A_98 = tpu.vector_load %arg12[%parallel_loop3A_97] {strides = array<i32>} : memref<4000xi32, #tpu.memory_space<vmem>>, vector<16xi32>,
      %parallel_loop3A_99 = tpu.vector_load_idx %arg8[%parallel_loop3A_94] : memref<100000xf32, #tpu.memory_space<vmem>>[vector<16xi32>], vector<16xf32>,
      %parallel_loop3A_100 = tpu.vector_load_idx %arg8[%parallel_loop3A_98] : memref<100000xf32, #tpu.memory_space<vmem>>[vector<16xi32>], vector<16xf32>,
      %parallel_loop3A_101 = arith.addf %parallel_loop3A_99, %parallel_loop3A_100 : vector<16xf32>
      %parallel_loop3A_102 = arith.constant -1.000000e+30 : f32
      %parallel_loop3A_103 = vector.broadcast %parallel_loop3A_102 : f32 to vector<16xf32>
      %parallel_loop3A_104 = arith.cmpf ogt, %parallel_loop3A_101, %parallel_loop3A_103 : vector<16xf32>
      %parallel_loop3A_105 = arith.constant 0.000000e+00 : f32
      %parallel_loop3A_106 = vector.broadcast %parallel_loop3A_105 : f32 to vector<16xf32>
      %parallel_loop3A_107 = arith.select %parallel_loop3A_104, %parallel_loop3A_101, %parallel_loop3A_106 : vector<16xi1>, vector<16xf32>
      %parallel_loop3A_108 = arith.addf %parallel_loop3A_59, %parallel_loop3A_107 : vector<16xf32>
      %parallel_loop3A_109 = arith.maximumf %parallel_loop3A_67, %parallel_loop3A_101 : vector<16xf32>
      %parallel_loop3A_110 = arith.constant 32 : i32
      %parallel_loop3A_111 = arith.addi %parallel_loop3A_63, %parallel_loop3A_110 : i32
      %parallel_loop3A_112 = arith.index_cast %parallel_loop3A_111 : i32 to index
      %parallel_loop3A_113 = tpu.vector_load %arg11[%parallel_loop3A_112] {strides = array<i32>} : memref<4000xi32, #tpu.memory_space<vmem>>, vector<16xi32>,
      %parallel_loop3A_114 = arith.constant 32 : i32
      %parallel_loop3A_115 = arith.addi %parallel_loop3A_63, %parallel_loop3A_114 : i32
      %parallel_loop3A_116 = arith.index_cast %parallel_loop3A_115 : i32 to index
      %parallel_loop3A_117 = tpu.vector_load %arg12[%parallel_loop3A_116] {strides = array<i32>} : memref<4000xi32, #tpu.memory_space<vmem>>, vector<16xi32>,
      %parallel_loop3A_118 = tpu.vector_load_idx %arg8[%parallel_loop3A_113] : memref<100000xf32, #tpu.memory_space<vmem>>[vector<16xi32>], vector<16xf32>,
      %parallel_loop3A_119 = tpu.vector_load_idx %arg8[%parallel_loop3A_117] : memref<100000xf32, #tpu.memory_space<vmem>>[vector<16xi32>], vector<16xf32>,
      %parallel_loop3A_120 = arith.addf %parallel_loop3A_118, %parallel_loop3A_119 : vector<16xf32>
      %parallel_loop3A_121 = arith.constant -1.000000e+30 : f32
      %parallel_loop3A_122 = vector.broadcast %parallel_loop3A_121 : f32 to vector<16xf32>
      %parallel_loop3A_123 = arith.cmpf ogt, %parallel_loop3A_120, %parallel_loop3A_122 : vector<16xf32>
      %parallel_loop3A_124 = arith.constant 0.000000e+00 : f32
      %parallel_loop3A_125 = vector.broadcast %parallel_loop3A_124 : f32 to vector<16xf32>
      %parallel_loop3A_126 = arith.select %parallel_loop3A_123, %parallel_loop3A_120, %parallel_loop3A_125 : vector<16xi1>, vector<16xf32>
      %parallel_loop3A_127 = arith.addf %parallel_loop3A_60, %parallel_loop3A_126 : vector<16xf32>
      %parallel_loop3A_128 = arith.maximumf %parallel_loop3A_69, %parallel_loop3A_120 : vector<16xf32>
      %parallel_loop3A_129 = arith.constant 48 : i32
      %parallel_loop3A_130 = arith.addi %parallel_loop3A_63, %parallel_loop3A_129 : i32
      %parallel_loop3A_131 = arith.index_cast %parallel_loop3A_130 : i32 to index
      %parallel_loop3A_132 = tpu.vector_load %arg11[%parallel_loop3A_131] {strides = array<i32>} : memref<4000xi32, #tpu.memory_space<vmem>>, vector<16xi32>,
      %parallel_loop3A_133 = arith.constant 48 : i32
      %parallel_loop3A_134 = arith.addi %parallel_loop3A_63, %parallel_loop3A_133 : i32
      %parallel_loop3A_135 = arith.index_cast %parallel_loop3A_134 : i32 to index
      %parallel_loop3A_136 = tpu.vector_load %arg12[%parallel_loop3A_135] {strides = array<i32>} : memref<4000xi32, #tpu.memory_space<vmem>>, vector<16xi32>,
      %parallel_loop3A_137 = tpu.vector_load_idx %arg8[%parallel_loop3A_132] : memref<100000xf32, #tpu.memory_space<vmem>>[vector<16xi32>], vector<16xf32>,
      %parallel_loop3A_138 = tpu.vector_load_idx %arg8[%parallel_loop3A_136] : memref<100000xf32, #tpu.memory_space<vmem>>[vector<16xi32>], vector<16xf32>,
      %parallel_loop3A_139 = arith.addf %parallel_loop3A_137, %parallel_loop3A_138 : vector<16xf32>
      %parallel_loop3A_140 = arith.constant -1.000000e+30 : f32
      %parallel_loop3A_141 = vector.broadcast %parallel_loop3A_140 : f32 to vector<16xf32>
      %parallel_loop3A_142 = arith.cmpf ogt, %parallel_loop3A_139, %parallel_loop3A_141 : vector<16xf32>
      %parallel_loop3A_143 = arith.constant 0.000000e+00 : f32
      %parallel_loop3A_144 = vector.broadcast %parallel_loop3A_143 : f32 to vector<16xf32>
      %parallel_loop3A_145 = arith.select %parallel_loop3A_142, %parallel_loop3A_139, %parallel_loop3A_144 : vector<16xi1>, vector<16xf32>
      %parallel_loop3A_146 = arith.addf %parallel_loop3A_61, %parallel_loop3A_145 : vector<16xf32>
      %parallel_loop3A_147 = arith.maximumf %parallel_loop3A_71, %parallel_loop3A_139 : vector<16xf32>
      %parallel_loop3A_148 = arith.constant 64 : i32
      %parallel_loop3A_149 = arith.addi %parallel_loop3A_63, %parallel_loop3A_148 : i32
      %parallel_loop3A_150 = arith.index_cast %parallel_loop3A_149 : i32 to index
      %parallel_loop3A_151 = tpu.vector_load %arg11[%parallel_loop3A_150] {strides = array<i32>} : memref<4000xi32, #tpu.memory_space<vmem>>, vector<16xi32>,
      %parallel_loop3A_152 = arith.constant 64 : i32
      %parallel_loop3A_153 = arith.addi %parallel_loop3A_63, %parallel_loop3A_152 : i32
      %parallel_loop3A_154 = arith.index_cast %parallel_loop3A_153 : i32 to index
      %parallel_loop3A_155 = tpu.vector_load %arg12[%parallel_loop3A_154] {strides = array<i32>} : memref<4000xi32, #tpu.memory_space<vmem>>, vector<16xi32>,
      %parallel_loop3A_156 = tpu.vector_load_idx %arg8[%parallel_loop3A_151] : memref<100000xf32, #tpu.memory_space<vmem>>[vector<16xi32>], vector<16xf32>,
      %parallel_loop3A_157 = tpu.vector_load_idx %arg8[%parallel_loop3A_155] : memref<100000xf32, #tpu.memory_space<vmem>>[vector<16xi32>], vector<16xf32>,
      %parallel_loop3A_158 = arith.addf %parallel_loop3A_156, %parallel_loop3A_157 : vector<16xf32>
      %parallel_loop3A_159 = arith.constant -1.000000e+30 : f32
      %parallel_loop3A_160 = vector.broadcast %parallel_loop3A_159 : f32 to vector<16xf32>
      %parallel_loop3A_161 = arith.cmpf ogt, %parallel_loop3A_158, %parallel_loop3A_160 : vector<16xf32>
      %parallel_loop3A_162 = arith.constant 0.000000e+00 : f32
      %parallel_loop3A_163 = vector.broadcast %parallel_loop3A_162 : f32 to vector<16xf32>
      %parallel_loop3A_164 = arith.select %parallel_loop3A_161, %parallel_loop3A_158, %parallel_loop3A_163 : vector<16xi1>, vector<16xf32>
      %parallel_loop3A_165 = arith.addf %parallel_loop3A_89, %parallel_loop3A_164 : vector<16xf32>
      %parallel_loop3A_166 = arith.maximumf %parallel_loop3A_90, %parallel_loop3A_158 : vector<16xf32>
      %parallel_loop3A_167 = arith.maximumf %parallel_loop3A_166, %parallel_loop3A_109 : vector<16xf32>
      %parallel_loop3A_168 = arith.maximumf %parallel_loop3A_128, %parallel_loop3A_147 : vector<16xf32>
      %parallel_loop3A_169 = arith.maximumf %parallel_loop3A_167, %parallel_loop3A_168 : vector<16xf32>
      %parallel_loop3A_170 = arith.constant true
      %parallel_loop3A_171 = vector.broadcast %parallel_loop3A_170 : i1 to vector<16xi1>
      %parallel_loop3A_172 = tpu.scan <max>, %parallel_loop3A_169 masked %parallel_loop3A_171 : vector<16xf32>, vector<16xi1> -> vector<16xf32>
      %parallel_loop3A_173 = vector.extract %parallel_loop3A_172[15] : f32 from vector<16xf32>
      %parallel_loop3A_174 = arith.index_cast %parallel_loop3A_57 : i32 to index
      %parallel_loop3A_175 = memref.load %arg18[%parallel_loop3A_174] : memref<50xf32, #tpu.memory_space<smem>>
      memref.store %parallel_loop3A_173, %arg18[%parallel_loop3A_174] : memref<50xf32, #tpu.memory_space<smem>>
      scf.yield %parallel_loop3A_165, %parallel_loop3A_108, %parallel_loop3A_127, %parallel_loop3A_146 : vector<16xf32>, vector<16xf32>, vector<16xf32>, vector<16xf32>
    } {sc.loop_unroll_factor = 2 : i64, sc.parallel_access}
    %scan3A_43 = arith.constant 0 : i32
    %scan3A_44 = arith.constant 0 : i32
    %scan3A_45 = arith.constant 50 : i32
    %scan3A_46 = arith.addi %scan3A_44, %scan3A_45 : i32
    %scan3A_47 = arith.constant 1 : i32
    scf.for %scan3A_57 = %scan3A_44 to %scan3A_46 step %scan3A_47  : i32 {
      %get3A_58 = arith.index_cast %scan3A_57 : i32 to index
      %get3A_59 = memref.load %arg18[%get3A_58] : memref<50xf32, #tpu.memory_space<smem>>
      %gt3A = arith.constant -1.000000e+30 : f32
      %gt3A_60 = arith.cmpf ogt, %get3A_59, %gt3A : f32
      %convert_element_type3A = arith.extui %gt3A_60 : i1 to i32
      %cond3A = arith.constant 0 : i32
      %cond3A_61 = arith.cmpi ne, %convert_element_type3A, %cond3A : i32
      scf.if %cond3A_61 {
        %mul3A_62 = arith.constant 80 : i32
        %mul3A_63 = arith.muli %scan3A_57, %mul3A_62 : i32
        %scan3A_64 = arith.constant 0 : i32
        %scan3A_65 = arith.constant 0 : i32
        %scan3A_66 = arith.constant 5 : i32
        %scan3A_67 = arith.addi %scan3A_65, %scan3A_66 : i32
        %scan3A_68 = arith.constant 1 : i32
        %scan3A_69 = scf.for %scan3A_71 = %scan3A_65 to %scan3A_67 step %scan3A_68 iter_args(%scan3A_72 = %scan3A_64) -> (i32)  : i32 {
          %mul3A_73 = arith.constant 16 : i32
          %mul3A_74 = arith.muli %scan3A_71, %mul3A_73 : i32
          %add3A_75 = arith.addi %mul3A_63, %mul3A_74 : i32
          %get3A_76 = arith.index_cast %add3A_75 : i32 to index
          %get3A_77 = tpu.vector_load %arg11[%get3A_76] {strides = array<i32>} : memref<4000xi32, #tpu.memory_space<vmem>>, vector<16xi32>,
          %mul3A_78 = arith.constant 16 : i32
          %mul3A_79 = arith.muli %scan3A_71, %mul3A_78 : i32
          %add3A_80 = arith.addi %mul3A_63, %mul3A_79 : i32
          %get3A_81 = arith.index_cast %add3A_80 : i32 to index
          %get3A_82 = tpu.vector_load %arg12[%get3A_81] {strides = array<i32>} : memref<4000xi32, #tpu.memory_space<vmem>>, vector<16xi32>,
          %gather3A = tpu.vector_load_idx %arg8[%get3A_77] : memref<100000xf32, #tpu.memory_space<vmem>>[vector<16xi32>], vector<16xf32>,
          %gather3A_83 = tpu.vector_load_idx %arg8[%get3A_82] : memref<100000xf32, #tpu.memory_space<vmem>>[vector<16xi32>], vector<16xf32>,
          %add3A_84 = arith.addf %gather3A, %gather3A_83 : vector<16xf32>
          %gt3A_85 = arith.constant -1.000000e+30 : f32
          %gt3A_86 = vector.broadcast %gt3A_85 : f32 to vector<16xf32>
          %gt3A_87 = arith.cmpf ogt, %add3A_84, %gt3A_86 : vector<16xf32>
          %reduce_or3A = arith.constant 1.000000e+00 : f32
          %reduce_or3A_88 = arith.constant 0.000000e+00 : f32
          %reduce_or3A_89 = vector.broadcast %reduce_or3A : f32 to vector<16xf32>
          %reduce_or3A_90 = vector.broadcast %reduce_or3A_88 : f32 to vector<16xf32>
          %reduce_or3A_91 = arith.select %gt3A_87, %reduce_or3A_89, %reduce_or3A_90 : vector<16xi1>, vector<16xf32>
          %reduce_or3A_92 = arith.constant true
          %reduce_or3A_93 = vector.broadcast %reduce_or3A_92 : i1 to vector<16xi1>
          %reduce_or3A_94 = tpu.scan <max>, %reduce_or3A_91 masked %reduce_or3A_93 : vector<16xf32>, vector<16xi1> -> vector<16xf32>
          %reduce_or3A_95 = vector.extract %reduce_or3A_94[15] : f32 from vector<16xf32>
          %reduce_or3A_96 = arith.constant 0.000000e+00 : f32
          %reduce_or3A_97 = arith.cmpf ogt, %reduce_or3A_95, %reduce_or3A_96 : f32
          %convert_element_type3A_98 = arith.extui %reduce_or3A_97 : i1 to i32
          %cond3A_99 = arith.constant 0 : i32
          %cond3A_100 = arith.cmpi ne, %convert_element_type3A_98, %cond3A_99 : i32
          scf.if %cond3A_100 {
            %dma_start3A_102 = arith.constant 0 : i32
            %dma_start3A_103 = arith.constant 0 : i32
            %dma_start3A_104 = tpu.memref_slice %arg6[%dma_start3A_102, %dma_start3A_103] : memref<100000x8xf32, #tpu.memory_space<hbm>> -> memref<100000x8xf32, #tpu.memory_space<hbm>>
            tpu.enqueue_indirect_dma source(%dma_start3A_104 : memref<100000x8xf32, #tpu.memory_space<hbm>>) target(%arg15 : memref<16x8xf32, #tpu.memory_space<vmem>>) offsets(%get3A_77 : vector<16xi32>) semaphore(%arg21 : memref<!tpu.dma_semaphore, #tpu.memory_space<semaphore_mem>>)
            %dma_start3A_105 = arith.constant 0 : i32
            %dma_start3A_106 = arith.constant 0 : i32
            %dma_start3A_107 = tpu.memref_slice %arg6[%dma_start3A_105, %dma_start3A_106] : memref<100000x8xf32, #tpu.memory_space<hbm>> -> memref<100000x8xf32, #tpu.memory_space<hbm>>
            tpu.enqueue_indirect_dma source(%dma_start3A_107 : memref<100000x8xf32, #tpu.memory_space<hbm>>) target(%arg16 : memref<16x8xf32, #tpu.memory_space<vmem>>) offsets(%get3A_82 : vector<16xi32>) semaphore(%arg21 : memref<!tpu.dma_semaphore, #tpu.memory_space<semaphore_mem>>)
            %dma_wait3A_108 = arith.constant 0 : i32
            %dma_wait3A_109 = arith.constant 0 : i32
            %dma_wait3A_110 = tpu.memref_slice %arg6[%dma_wait3A_108, %dma_wait3A_109] : memref<100000x8xf32, #tpu.memory_space<hbm>> -> memref<100000x8xf32, #tpu.memory_space<hbm>>
            tpu.wait_indirect_dma semaphore(%arg21 : memref<!tpu.dma_semaphore, #tpu.memory_space<semaphore_mem>>) src(%dma_wait3A_110 : memref<100000x8xf32, #tpu.memory_space<hbm>>) dst(%arg15 : memref<16x8xf32, #tpu.memory_space<vmem>>)
            %dma_wait3A_111 = arith.constant 0 : i32
            %dma_wait3A_112 = arith.constant 0 : i32
            %dma_wait3A_113 = tpu.memref_slice %arg6[%dma_wait3A_111, %dma_wait3A_112] : memref<100000x8xf32, #tpu.memory_space<hbm>> -> memref<100000x8xf32, #tpu.memory_space<hbm>>
            tpu.wait_indirect_dma semaphore(%arg21 : memref<!tpu.dma_semaphore, #tpu.memory_space<semaphore_mem>>) src(%dma_wait3A_113 : memref<100000x8xf32, #tpu.memory_space<hbm>>) dst(%arg16 : memref<16x8xf32, #tpu.memory_space<vmem>>)
            %broadcast_in_dim3A_114 = arith.constant 0 : i32
            %broadcast_in_dim3A_115 = vector.broadcast %broadcast_in_dim3A_114 : i32 to vector<16xi32>
            %gather3A_116 = tpu.vector_load_idx %arg15[%iota3A, %broadcast_in_dim3A_115] : memref<16x8xf32, #tpu.memory_space<vmem>>[vector<16xi32>, vector<16xi32>], vector<16xf32>,
            %gather3A_117 = tpu.vector_load_idx %arg16[%iota3A, %broadcast_in_dim3A_115] : memref<16x8xf32, #tpu.memory_space<vmem>>[vector<16xi32>, vector<16xi32>], vector<16xf32>,
            %sub3A = arith.subf %gather3A_116, %gather3A_117 : vector<16xf32>
            %add3A_118 = arith.constant 9.99999997E-7 : f32
            %add3A_119 = vector.broadcast %add3A_118 : f32 to vector<16xf32>
            %add3A_120 = arith.addf %sub3A, %add3A_119 : vector<16xf32>
            %mul3A_121 = arith.mulf %add3A_120, %add3A_120 : vector<16xf32>
            %add3A_122 = arith.addf %broadcast_in_dim3A_25, %mul3A_121 : vector<16xf32>
            %broadcast_in_dim3A_123 = arith.constant 1 : i32
            %broadcast_in_dim3A_124 = vector.broadcast %broadcast_in_dim3A_123 : i32 to vector<16xi32>
            %gather3A_125 = tpu.vector_load_idx %arg15[%iota3A, %broadcast_in_dim3A_124] : memref<16x8xf32, #tpu.memory_space<vmem>>[vector<16xi32>, vector<16xi32>], vector<16xf32>,
            %gather3A_126 = tpu.vector_load_idx %arg16[%iota3A, %broadcast_in_dim3A_124] : memref<16x8xf32, #tpu.memory_space<vmem>>[vector<16xi32>, vector<16xi32>], vector<16xf32>,
            %sub3A_127 = arith.subf %gather3A_125, %gather3A_126 : vector<16xf32>
            %add3A_128 = arith.constant 9.99999997E-7 : f32
            %add3A_129 = vector.broadcast %add3A_128 : f32 to vector<16xf32>
            %add3A_130 = arith.addf %sub3A_127, %add3A_129 : vector<16xf32>
            %mul3A_131 = arith.mulf %add3A_130, %add3A_130 : vector<16xf32>
            %add3A_132 = arith.addf %add3A_122, %mul3A_131 : vector<16xf32>
            %broadcast_in_dim3A_133 = arith.constant 2 : i32
            %broadcast_in_dim3A_134 = vector.broadcast %broadcast_in_dim3A_133 : i32 to vector<16xi32>
            %gather3A_135 = tpu.vector_load_idx %arg15[%iota3A, %broadcast_in_dim3A_134] : memref<16x8xf32, #tpu.memory_space<vmem>>[vector<16xi32>, vector<16xi32>], vector<16xf32>,
            %gather3A_136 = tpu.vector_load_idx %arg16[%iota3A, %broadcast_in_dim3A_134] : memref<16x8xf32, #tpu.memory_space<vmem>>[vector<16xi32>, vector<16xi32>], vector<16xf32>,
            %sub3A_137 = arith.subf %gather3A_135, %gather3A_136 : vector<16xf32>
            %add3A_138 = arith.constant 9.99999997E-7 : f32
            %add3A_139 = vector.broadcast %add3A_138 : f32 to vector<16xf32>
            %add3A_140 = arith.addf %sub3A_137, %add3A_139 : vector<16xf32>
            %mul3A_141 = arith.mulf %add3A_140, %add3A_140 : vector<16xf32>
            %add3A_142 = arith.addf %add3A_132, %mul3A_141 : vector<16xf32>
            %broadcast_in_dim3A_143 = arith.constant 3 : i32
            %broadcast_in_dim3A_144 = vector.broadcast %broadcast_in_dim3A_143 : i32 to vector<16xi32>
            %gather3A_145 = tpu.vector_load_idx %arg15[%iota3A, %broadcast_in_dim3A_144] : memref<16x8xf32, #tpu.memory_space<vmem>>[vector<16xi32>, vector<16xi32>], vector<16xf32>,
            %gather3A_146 = tpu.vector_load_idx %arg16[%iota3A, %broadcast_in_dim3A_144] : memref<16x8xf32, #tpu.memory_space<vmem>>[vector<16xi32>, vector<16xi32>], vector<16xf32>,
            %sub3A_147 = arith.subf %gather3A_145, %gather3A_146 : vector<16xf32>
            %add3A_148 = arith.constant 9.99999997E-7 : f32
            %add3A_149 = vector.broadcast %add3A_148 : f32 to vector<16xf32>
            %add3A_150 = arith.addf %sub3A_147, %add3A_149 : vector<16xf32>
            %mul3A_151 = arith.mulf %add3A_150, %add3A_150 : vector<16xf32>
            %add3A_152 = arith.addf %add3A_142, %mul3A_151 : vector<16xf32>
            %broadcast_in_dim3A_153 = arith.constant 4 : i32
            %broadcast_in_dim3A_154 = vector.broadcast %broadcast_in_dim3A_153 : i32 to vector<16xi32>
            %gather3A_155 = tpu.vector_load_idx %arg15[%iota3A, %broadcast_in_dim3A_154] : memref<16x8xf32, #tpu.memory_space<vmem>>[vector<16xi32>, vector<16xi32>], vector<16xf32>,
            %gather3A_156 = tpu.vector_load_idx %arg16[%iota3A, %broadcast_in_dim3A_154] : memref<16x8xf32, #tpu.memory_space<vmem>>[vector<16xi32>, vector<16xi32>], vector<16xf32>,
            %sub3A_157 = arith.subf %gather3A_155, %gather3A_156 : vector<16xf32>
            %add3A_158 = arith.constant 9.99999997E-7 : f32
            %add3A_159 = vector.broadcast %add3A_158 : f32 to vector<16xf32>
            %add3A_160 = arith.addf %sub3A_157, %add3A_159 : vector<16xf32>
            %mul3A_161 = arith.mulf %add3A_160, %add3A_160 : vector<16xf32>
            %add3A_162 = arith.addf %add3A_152, %mul3A_161 : vector<16xf32>
            %broadcast_in_dim3A_163 = arith.constant 5 : i32
            %broadcast_in_dim3A_164 = vector.broadcast %broadcast_in_dim3A_163 : i32 to vector<16xi32>
            %gather3A_165 = tpu.vector_load_idx %arg15[%iota3A, %broadcast_in_dim3A_164] : memref<16x8xf32, #tpu.memory_space<vmem>>[vector<16xi32>, vector<16xi32>], vector<16xf32>,
            %gather3A_166 = tpu.vector_load_idx %arg16[%iota3A, %broadcast_in_dim3A_164] : memref<16x8xf32, #tpu.memory_space<vmem>>[vector<16xi32>, vector<16xi32>], vector<16xf32>,
            %sub3A_167 = arith.subf %gather3A_165, %gather3A_166 : vector<16xf32>
            %add3A_168 = arith.constant 9.99999997E-7 : f32
            %add3A_169 = vector.broadcast %add3A_168 : f32 to vector<16xf32>
            %add3A_170 = arith.addf %sub3A_167, %add3A_169 : vector<16xf32>
            %mul3A_171 = arith.mulf %add3A_170, %add3A_170 : vector<16xf32>
            %add3A_172 = arith.addf %add3A_162, %mul3A_171 : vector<16xf32>
            %broadcast_in_dim3A_173 = arith.constant 6 : i32
            %broadcast_in_dim3A_174 = vector.broadcast %broadcast_in_dim3A_173 : i32 to vector<16xi32>
            %gather3A_175 = tpu.vector_load_idx %arg15[%iota3A, %broadcast_in_dim3A_174] : memref<16x8xf32, #tpu.memory_space<vmem>>[vector<16xi32>, vector<16xi32>], vector<16xf32>,
            %gather3A_176 = tpu.vector_load_idx %arg16[%iota3A, %broadcast_in_dim3A_174] : memref<16x8xf32, #tpu.memory_space<vmem>>[vector<16xi32>, vector<16xi32>], vector<16xf32>,
            %sub3A_177 = arith.subf %gather3A_175, %gather3A_176 : vector<16xf32>
            %add3A_178 = arith.constant 9.99999997E-7 : f32
            %add3A_179 = vector.broadcast %add3A_178 : f32 to vector<16xf32>
            %add3A_180 = arith.addf %sub3A_177, %add3A_179 : vector<16xf32>
            %mul3A_181 = arith.mulf %add3A_180, %add3A_180 : vector<16xf32>
            %add3A_182 = arith.addf %add3A_172, %mul3A_181 : vector<16xf32>
            %broadcast_in_dim3A_183 = arith.constant 7 : i32
            %broadcast_in_dim3A_184 = vector.broadcast %broadcast_in_dim3A_183 : i32 to vector<16xi32>
            %gather3A_185 = tpu.vector_load_idx %arg15[%iota3A, %broadcast_in_dim3A_184] : memref<16x8xf32, #tpu.memory_space<vmem>>[vector<16xi32>, vector<16xi32>], vector<16xf32>,
            %gather3A_186 = tpu.vector_load_idx %arg16[%iota3A, %broadcast_in_dim3A_184] : memref<16x8xf32, #tpu.memory_space<vmem>>[vector<16xi32>, vector<16xi32>], vector<16xf32>,
            %sub3A_187 = arith.subf %gather3A_185, %gather3A_186 : vector<16xf32>
            %add3A_188 = arith.constant 9.99999997E-7 : f32
            %add3A_189 = vector.broadcast %add3A_188 : f32 to vector<16xf32>
            %add3A_190 = arith.addf %sub3A_187, %add3A_189 : vector<16xf32>
            %mul3A_191 = arith.mulf %add3A_190, %add3A_190 : vector<16xf32>
            %add3A_192 = arith.addf %add3A_182, %mul3A_191 : vector<16xf32>
            %max3A = arith.constant 1.000000e-35 : f32
            %max3A_193 = vector.broadcast %max3A : f32 to vector<16xf32>
            %max3A_194 = arith.maximumf %add3A_192, %max3A_193 : vector<16xf32>
            %bitcast3A = vector.bitcast %max3A_194 : vector<16xf32> to vector<16xi32>
            %shift_right_arithmetic3A = arith.constant 1 : i32
            %shift_right_arithmetic3A_195 = vector.broadcast %shift_right_arithmetic3A : i32 to vector<16xi32>
            %shift_right_arithmetic3A_196 = arith.shrsi %bitcast3A, %shift_right_arithmetic3A_195 : vector<16xi32>
            %sub3A_197 = arith.constant 1597463007 : i32
            %sub3A_198 = vector.broadcast %sub3A_197 : i32 to vector<16xi32>
            %sub3A_199 = arith.subi %sub3A_198, %shift_right_arithmetic3A_196 : vector<16xi32>
            %bitcast3A_200 = vector.bitcast %sub3A_199 : vector<16xi32> to vector<16xf32>
            %mul3A_201 = arith.constant 5.000000e-01 : f32
            %mul3A_202 = vector.broadcast %mul3A_201 : f32 to vector<16xf32>
            %mul3A_203 = arith.mulf %mul3A_202, %max3A_194 : vector<16xf32>
            %mul3A_204 = arith.mulf %mul3A_203, %bitcast3A_200 : vector<16xf32>
            %mul3A_205 = arith.mulf %mul3A_204, %bitcast3A_200 : vector<16xf32>
            %sub3A_206 = arith.constant 1.500000e+00 : f32
            %sub3A_207 = vector.broadcast %sub3A_206 : f32 to vector<16xf32>
            %sub3A_208 = arith.subf %sub3A_207, %mul3A_205 : vector<16xf32>
            %mul3A_209 = arith.mulf %bitcast3A_200, %sub3A_208 : vector<16xf32>
            %mul3A_210 = arith.constant 5.000000e-01 : f32
            %mul3A_211 = vector.broadcast %mul3A_210 : f32 to vector<16xf32>
            %mul3A_212 = arith.mulf %mul3A_211, %max3A_194 : vector<16xf32>
            %mul3A_213 = arith.mulf %mul3A_212, %mul3A_209 : vector<16xf32>
            %mul3A_214 = arith.mulf %mul3A_213, %mul3A_209 : vector<16xf32>
            %sub3A_215 = arith.constant 1.500000e+00 : f32
            %sub3A_216 = vector.broadcast %sub3A_215 : f32 to vector<16xf32>
            %sub3A_217 = arith.subf %sub3A_216, %mul3A_214 : vector<16xf32>
            %mul3A_218 = arith.mulf %mul3A_209, %sub3A_217 : vector<16xf32>
            %mul3A_219 = arith.constant 5.000000e-01 : f32
            %mul3A_220 = vector.broadcast %mul3A_219 : f32 to vector<16xf32>
            %mul3A_221 = arith.mulf %mul3A_220, %max3A_194 : vector<16xf32>
            %mul3A_222 = arith.mulf %mul3A_221, %mul3A_218 : vector<16xf32>
            %mul3A_223 = arith.mulf %mul3A_222, %mul3A_218 : vector<16xf32>
            %sub3A_224 = arith.constant 1.500000e+00 : f32
            %sub3A_225 = vector.broadcast %sub3A_224 : f32 to vector<16xf32>
            %sub3A_226 = arith.subf %sub3A_225, %mul3A_223 : vector<16xf32>
            %mul3A_227 = arith.mulf %mul3A_218, %sub3A_226 : vector<16xf32>
            %mul3A_228 = arith.mulf %max3A_194, %mul3A_227 : vector<16xf32>
            %get3A_229 = arith.constant 0 : index
            %get3A_230 = tpu.vector_load %arg17[%get3A_229] {strides = array<i32>} : memref<16xf32, #tpu.memory_space<vmem>>, vector<16xf32>,
            %jit3A = arith.constant 0.000000e+00 : f32
            %broadcast_in_dim3A_231 = vector.broadcast %jit3A : f32 to vector<16xf32>
            %select_n3A = arith.select %gt3A_87, %mul3A_228, %broadcast_in_dim3A_231 : vector<16xi1>, vector<16xf32>
            %sub3A_232 = arith.subf %get3A_230, %select_n3A : vector<16xf32>
            %swap3A_233 = arith.constant 0 : index
            %swap3A_234 = tpu.vector_load %arg17[%swap3A_233] {strides = array<i32>} : memref<16xf32, #tpu.memory_space<vmem>>, vector<16xf32>,
            tpu.vector_store %arg17[%swap3A_233], %sub3A_232 {strides = array<i32>} : memref<16xf32, #tpu.memory_space<vmem>>, vector<16xf32>,
          } else {
          }
          %scan3A_101 = arith.constant 0 : i32
          scf.yield %scan3A_101 : i32
        }
        %scan3A_70 = arith.constant 5 : i32
      } else {
      }
    }
    %scan3A_48 = arith.constant 50 : i32
    %add3A_49 = arith.addf %parallel_loop3A_42#0, %parallel_loop3A_42#1 : vector<16xf32>
    %add3A_50 = arith.addf %parallel_loop3A_42#2, %parallel_loop3A_42#3 : vector<16xf32>
    %add3A_51 = arith.addf %add3A_49, %add3A_50 : vector<16xf32>
    %add3A_52 = arith.addf %scan3A_30, %add3A_51 : vector<16xf32>
    %get3A = arith.constant 0 : index
    %get3A_53 = tpu.vector_load %arg17[%get3A] {strides = array<i32>} : memref<16xf32, #tpu.memory_space<vmem>>, vector<16xf32>,
    %add3A_54 = arith.addf %get3A_53, %add3A_52 : vector<16xf32>
    %swap3A_55 = arith.constant 0 : index
    %swap3A_56 = tpu.vector_load %arg17[%swap3A_55] {strides = array<i32>} : memref<16xf32, #tpu.memory_space<vmem>>, vector<16xf32>,
    tpu.vector_store %arg17[%swap3A_55], %add3A_54 {strides = array<i32>} : memref<16xf32, #tpu.memory_space<vmem>>, vector<16xf32>,
    "tpu.region"() ({
      %run_scoped3A = tpu.sem_alloc : memref<!tpu.dma_semaphore, #tpu.memory_space<semaphore_mem>>
      %dma_start3A_57 = arith.constant 0 : i32
      %dma_start3A_58 = tpu.memref_slice %arg7[%add3A, %dma_start3A_57] : memref<32x16xf32, #tpu.memory_space<hbm>> -> memref<1x16xf32, #tpu.memory_space<hbm>>
      %dma_start3A_59 = tpu.memref_squeeze %dma_start3A_58 : memref<1x16xf32, #tpu.memory_space<hbm>> -> memref<16xf32, #tpu.memory_space<hbm>>
      %dma_start3A_60 = arith.constant 0 : i32
      %dma_start3A_61 = tpu.memref_slice %arg7[%add3A, %dma_start3A_60] : memref<32x16xf32, #tpu.memory_space<hbm>> -> memref<1x16xf32, #tpu.memory_space<hbm>>
      %dma_start3A_62 = tpu.memref_squeeze %dma_start3A_61 : memref<1x16xf32, #tpu.memory_space<hbm>> -> memref<16xf32, #tpu.memory_space<hbm>>
      tpu.enqueue_dma source(%arg17 : memref<16xf32, #tpu.memory_space<vmem>>) target(%dma_start3A_62 : memref<16xf32, #tpu.memory_space<hbm>>) target_semaphore(%run_scoped3A : memref<!tpu.dma_semaphore, #tpu.memory_space<semaphore_mem>>)
      %dma_wait3A_63 = arith.constant 0 : i32
      %dma_wait3A_64 = tpu.memref_slice %arg7[%add3A, %dma_wait3A_63] : memref<32x16xf32, #tpu.memory_space<hbm>> -> memref<1x16xf32, #tpu.memory_space<hbm>>
      %dma_wait3A_65 = tpu.memref_squeeze %dma_wait3A_64 : memref<1x16xf32, #tpu.memory_space<hbm>> -> memref<16xf32, #tpu.memory_space<hbm>>
      %dma_wait3A_66 = arith.constant 0 : i32
      %dma_wait3A_67 = tpu.memref_slice %arg7[%add3A, %dma_wait3A_66] : memref<32x16xf32, #tpu.memory_space<hbm>> -> memref<1x16xf32, #tpu.memory_space<hbm>>
      %dma_wait3A_68 = tpu.memref_squeeze %dma_wait3A_67 : memref<1x16xf32, #tpu.memory_space<hbm>> -> memref<16xf32, #tpu.memory_space<hbm>>
      tpu.wait_dma2 semaphore(%run_scoped3A : memref<!tpu.dma_semaphore, #tpu.memory_space<semaphore_mem>>) src(%arg17 : memref<16xf32, #tpu.memory_space<vmem>>) dst(%dma_wait3A_68 : memref<16xf32, #tpu.memory_space<hbm>>)
      tpu.yield
    }) : () -> ()
    return
  }
}

module attributes {stable_mosaic.version = 14 : i64} {
  func.func @_dense_body(%arg0: i32, %arg1: memref<256x128xf32, #tpu.memory_space<vmem>>, %arg2: memref<128x2048xf32, #tpu.memory_space<vmem>>, %arg3: memref<256x1xf32, #tpu.memory_space<vmem>>, %arg4: memref<1x2048xf32, #tpu.memory_space<vmem>>, %arg5: memref<1x1xf32, #tpu.memory_space<vmem>>) attributes {dimension_semantics = [#tpu.dimension_semantics<arbitrary>], iteration_bounds = array<i64: 8>, scalar_prefetch = 0 : i64, scratch_operands = 0 : i64, tpu.core_type = #tpu.core_type<tc>, window_params = [{transform_indices = @transform_0, window_bounds = array<i64: 256, 128>}, {pipeline_mode = #tpu.pipeline_mode<synchronous>, transform_indices = @transform_1, window_bounds = array<i64: 128, 2048>}, {transform_indices = @transform_2, window_bounds = array<i64: 256, 1>}, {pipeline_mode = #tpu.pipeline_mode<synchronous>, transform_indices = @transform_3, window_bounds = array<i64: 1, 2048>}, {pipeline_mode = #tpu.pipeline_mode<synchronous>, transform_indices = @transform_4, window_bounds = array<i64: 1, 1>}]} {
    %get3A = arith.constant 0 : index
    %get3A_0 = arith.constant 0 : index
    %get3A_1 = vector.load %arg1[%get3A, %get3A_0] : memref<256x128xf32, #tpu.memory_space<vmem>>, vector<256x128xf32>
    %get3A_2 = arith.constant 0 : index
    %get3A_3 = arith.constant 0 : index
    %get3A_4 = vector.load %arg2[%get3A_2, %get3A_3] : memref<128x2048xf32, #tpu.memory_space<vmem>>, vector<128x2048xf32>
    %dot_general3A = arith.constant dense<0.000000e+00> : vector<256x2048xf32>
    %dot_general3A_5 = tpu.matmul %get3A_1, %get3A_4, %dot_general3A {dimension_numbers = #tpu.dot_dimension_numbers<[1], [0], [0], [1], [0, 0, 1, 1], [], []>, transpose_lhs_hint = false} : vector<256x128xf32>, vector<128x2048xf32>, vector<256x2048xf32> -> vector<256x2048xf32>
    %mul3A = arith.mulf %get3A_1, %get3A_1 : vector<256x128xf32>
    %reduce_sum3A = arith.constant dense<0.000000e+00> : vector<256xf32>
    %reduce_sum3A_6 = vector.multi_reduction <add>, %mul3A, %reduce_sum3A [1] : vector<256x128xf32> to vector<256xf32>
    %broadcast_in_dim3A = vector.shape_cast %reduce_sum3A_6 : vector<256xf32> to vector<256x1xf32>
    %reduce_sum3A_7 = arith.constant dense<0.000000e+00> : vector<256xf32>
    %reduce_sum3A_8 = vector.multi_reduction <add>, %get3A_1, %reduce_sum3A_7 [1] : vector<256x128xf32> to vector<256xf32>
    %broadcast_in_dim3A_9 = vector.shape_cast %reduce_sum3A_8 : vector<256xf32> to vector<256x1xf32>
    %mul3A_10 = arith.constant 2.000000e-06 : f32
    %mul3A_11 = vector.broadcast %mul3A_10 : f32 to vector<256x1xf32>
    %mul3A_12 = arith.mulf %mul3A_11, %broadcast_in_dim3A_9 : vector<256x1xf32>
    %add3A = arith.addf %broadcast_in_dim3A, %mul3A_12 : vector<256x1xf32>
    %mul3A_13 = arith.mulf %get3A_4, %get3A_4 : vector<128x2048xf32>
    %reduce_sum3A_14 = arith.constant dense<0.000000e+00> : vector<2048xf32>
    %reduce_sum3A_15 = vector.multi_reduction <add>, %mul3A_13, %reduce_sum3A_14 [0] : vector<128x2048xf32> to vector<2048xf32>
    %broadcast_in_dim3A_16 = vector.shape_cast %reduce_sum3A_15 : vector<2048xf32> to vector<1x2048xf32>
    %reduce_sum3A_17 = arith.constant dense<0.000000e+00> : vector<2048xf32>
    %reduce_sum3A_18 = vector.multi_reduction <add>, %get3A_4, %reduce_sum3A_17 [0] : vector<128x2048xf32> to vector<2048xf32>
    %broadcast_in_dim3A_19 = vector.shape_cast %reduce_sum3A_18 : vector<2048xf32> to vector<1x2048xf32>
    %mul3A_20 = arith.constant 2.000000e-06 : f32
    %mul3A_21 = vector.broadcast %mul3A_20 : f32 to vector<1x2048xf32>
    %mul3A_22 = arith.mulf %mul3A_21, %broadcast_in_dim3A_19 : vector<1x2048xf32>
    %sub3A = arith.subf %broadcast_in_dim3A_16, %mul3A_22 : vector<1x2048xf32>
    %add3A_23 = vector.broadcast %add3A : vector<256x1xf32> to vector<256x2048xf32>
    %add3A_24 = vector.broadcast %sub3A : vector<1x2048xf32> to vector<256x2048xf32>
    %add3A_25 = arith.addf %add3A_23, %add3A_24 : vector<256x2048xf32>
    %mul3A_26 = arith.constant 2.000000e+00 : f32
    %mul3A_27 = vector.broadcast %mul3A_26 : f32 to vector<256x2048xf32>
    %mul3A_28 = arith.mulf %mul3A_27, %dot_general3A_5 : vector<256x2048xf32>
    %sub3A_29 = arith.subf %add3A_25, %mul3A_28 : vector<256x2048xf32>
    %add3A_30 = arith.constant 8.000000e-12 : f32
    %add3A_31 = vector.broadcast %add3A_30 : f32 to vector<256x2048xf32>
    %add3A_32 = arith.addf %sub3A_29, %add3A_31 : vector<256x2048xf32>
    %max3A = arith.constant 0.000000e+00 : f32
    %max3A_33 = vector.broadcast %max3A : f32 to vector<256x2048xf32>
    %max3A_34 = arith.maximumf %add3A_32, %max3A_33 : vector<256x2048xf32>
    %get3A_35 = arith.constant 0 : index
    %get3A_36 = arith.constant 0 : index
    %get3A_37 = vector.load %arg3[%get3A_35, %get3A_36] : memref<256x1xf32, #tpu.memory_space<vmem>>, vector<256x1xf32>
    %get3A_38 = arith.constant 0 : index
    %get3A_39 = arith.constant 0 : index
    %get3A_40 = vector.load %arg4[%get3A_38, %get3A_39] : memref<1x2048xf32, #tpu.memory_space<vmem>>, vector<1x2048xf32>
    %add3A_41 = vector.broadcast %get3A_37 : vector<256x1xf32> to vector<256x2048xf32>
    %add3A_42 = vector.broadcast %get3A_40 : vector<1x2048xf32> to vector<256x2048xf32>
    %add3A_43 = arith.addf %add3A_41, %add3A_42 : vector<256x2048xf32>
    %sqrt3A = math.sqrt %max3A_34 : vector<256x2048xf32>
    %sub3A_44 = arith.subf %add3A_43, %sqrt3A : vector<256x2048xf32>
    %exp3A = math.exp %sub3A_44 : vector<256x2048xf32>
    %iota3A = tpu.iota {dimensions = array<i32: 0>} : vector<256x2048xi32>
    %mul3A_45 = arith.constant 256 : i32
    %mul3A_46 = arith.muli %arg0, %mul3A_45 : i32
    %add3A_47 = vector.broadcast %mul3A_46 : i32 to vector<256x2048xi32>
    %add3A_48 = arith.addi %iota3A, %add3A_47 : vector<256x2048xi32>
    %iota3A_49 = tpu.iota {dimensions = array<i32: 1>} : vector<256x2048xi32>
    %eq3A = arith.cmpi eq, %add3A_48, %iota3A_49 : vector<256x2048xi32>
    %jit3A = arith.constant 0.000000e+00 : f32
    %broadcast_in_dim3A_50 = vector.broadcast %jit3A : f32 to vector<256x2048xf32>
    %select_n3A = arith.select %eq3A, %broadcast_in_dim3A_50, %exp3A : vector<256x2048xi1>, vector<256x2048xf32>
    %eq3A_51 = arith.constant 0 : i32
    %eq3A_52 = arith.cmpi eq, %arg0, %eq3A_51 : i32
    %convert_element_type3A = arith.extui %eq3A_52 : i1 to i32
    %cond3A = arith.constant 0 : i32
    %cond3A_53 = arith.cmpi ne, %convert_element_type3A, %cond3A : i32
    scf.if %cond3A_53 {
      %broadcast_in_dim3A_66 = arith.constant 0.000000e+00 : f32
      %broadcast_in_dim3A_67 = vector.broadcast %broadcast_in_dim3A_66 : f32 to vector<1x1xf32>
      %swap3A_68 = arith.constant 0 : index
      %swap3A_69 = arith.constant 0 : index
      %swap3A_70 = vector.load %arg5[%swap3A_68, %swap3A_69] : memref<1x1xf32, #tpu.memory_space<vmem>>, vector<1x1xf32>
      tpu.vector_store %arg5[%swap3A_68, %swap3A_69], %broadcast_in_dim3A_67 {strides = array<i32>} : memref<1x1xf32, #tpu.memory_space<vmem>>, vector<1x1xf32>,
    } else {
    }
    %get3A_54 = arith.constant 0 : index
    %get3A_55 = arith.constant 0 : index
    %get3A_56 = vector.load %arg5[%get3A_54, %get3A_55] : memref<1x1xf32, #tpu.memory_space<vmem>>, vector<1x1xf32>
    %reduce_sum3A_57 = vector.shape_cast %select_n3A : vector<256x2048xf32> to vector<1x256x2048xf32>
    %reduce_sum3A_58 = arith.constant dense<0.000000e+00> : vector<1xf32>
    %reduce_sum3A_59 = vector.multi_reduction <add>, %reduce_sum3A_57, %reduce_sum3A_58 [1, 2] : vector<1x256x2048xf32> to vector<1xf32>
    %reduce_sum3A_60 = vector.shape_cast %reduce_sum3A_59 : vector<1xf32> to vector<1x1x1xf32>
    %reduce_sum3A_61 = vector.extract %reduce_sum3A_60[0, 0, 0] : f32 from vector<1x1x1xf32>
    %add3A_62 = vector.broadcast %reduce_sum3A_61 : f32 to vector<1x1xf32>
    %add3A_63 = arith.addf %get3A_56, %add3A_62 : vector<1x1xf32>
    %swap3A = arith.constant 0 : index
    %swap3A_64 = arith.constant 0 : index
    %swap3A_65 = vector.load %arg5[%swap3A, %swap3A_64] : memref<1x1xf32, #tpu.memory_space<vmem>>, vector<1x1xf32>
    tpu.vector_store %arg5[%swap3A, %swap3A_64], %add3A_63 {strides = array<i32>} : memref<1x1xf32, #tpu.memory_space<vmem>>, vector<1x1xf32>,
    return
  }
  func.func @transform_0(%arg0: i32) -> (i32, i32) {
    %c0_i32 = arith.constant 0 : i32
    %c0_i32_0 = arith.constant 0 : i32
    return %arg0, %c0_i32 : i32, i32
  }
  func.func @transform_1(%arg0: i32) -> (i32, i32) {
    %c0_i32 = arith.constant 0 : i32
    %c0_i32_0 = arith.constant 0 : i32
    %c0_i32_1 = arith.constant 0 : i32
    return %c0_i32, %c0_i32_0 : i32, i32
  }
  func.func @transform_2(%arg0: i32) -> (i32, i32) {
    %c0_i32 = arith.constant 0 : i32
    %c0_i32_0 = arith.constant 0 : i32
    return %arg0, %c0_i32 : i32, i32
  }
  func.func @transform_3(%arg0: i32) -> (i32, i32) {
    %c0_i32 = arith.constant 0 : i32
    %c0_i32_0 = arith.constant 0 : i32
    %c0_i32_1 = arith.constant 0 : i32
    return %c0_i32, %c0_i32_0 : i32, i32
  }
  func.func @transform_4(%arg0: i32) -> (i32, i32) {
    %c0_i32 = arith.constant 0 : i32
    %c0_i32_0 = arith.constant 0 : i32
    %c0_i32_1 = arith.constant 0 : i32
    return %c0_i32, %c0_i32_0 : i32, i32
  }
}

</mosaic_0001>

<sc_bundles>
// kernel: gather_offload_async_start.1
scs
__scs_entry_jumppad:
0x0: {  	(pc) =	sbr.rel $0x88, $3  }
0x1: {  	(tag) =	ssettag $0x0;
	lr =	simm.s32 $0x1  }
0x2: {  	[smem:$0x3F9C] =	sst lr;
	_ =	strace $0xD0000000  }
0x3: {  	_ = 	snop  }
0x4: {  	_ = 	snop  }
0x5: {  	_ = 	snop  }
0x6: {  	_ = 	snop  }
0x7: {  	_ = 	snop  }
__scs_overlays_trampoline_lowered:
0x8: {  	[smem:$0x3FAB] =	sst s0  }
0x9: {  	[smem:$0x3FAC] =	sst s1  }
0xa: {  	[smem:$0x3FAD] =	sst s2  }
0xb: {  	[smem:$0x3FAE] =	sst s3  }
0xc: {  	[smem:$0x3FAF] =	sst s4  }
0xd: {  	[smem:$0x3FB0] =	sst s5  }
0xe: {  	[smem:$0x3FB1] =	sst s6  }
0xf: {  	[smem:$0x3FB2] =	sst s7  }
0x10: {  	[smem:$0x3FB3] =	sst s8  }
0x11: {  	[smem:$0x3FB4] =	sst s9;
	s0 =	simm.s32 @!p0 $0x0  }
0x12: {  	s1 =	sld [smem:$0x3F9A];
	s0 =	simm.s32 @p0 $0x1  }
0x13: {  	[smem:$0x3FB5] =	sst s0;
	s0 =	simm.s32 @!p1 $0x0  }
0x14: {  	s2 =	sld [smem:$0x3F99];
	s0 =	simm.s32 @p1 $0x1  }
0x15: {  	[smem:$0x3FB6] =	sst s0;
	s0 =	simm.s32 @!p2 $0x0  }
0x16: {  	s3 =	sld [smem:$0x3FDB];
	s0 =	simm.s32 @p2 $0x1  }
0x17: {  	s4 =	simm.s32 $0x1BF5;
	[smem:$0x3FB8] =	sst s0  }
0x18: {  	s0 =	sld [smem:$0x3F9B];
	_ =	swait.ge [sflag:s4], $0x0  }
0x19: {  	s7 =	sld [smem:$0x3F9C]  }
0x1a: {  	s8 =	sadd.s32 $0xFFFFE003, lr  }
0x1b: {  	s9 =	sadd.s32 $0xFFFFFEF7, lr;
	s5 =	simm.s32 $0xFFFFFFFF;
	p2 =	slt.u32 s8, $0xFFFFF086  }
0x1c: {  	p1 =	slt.u32 s9, $0xF7A;
	s5 =	simm.s32 @!p2 $0x0  }
0x1d: {  	s5 =	simm.s32 @p1 $0x1;
	p0 =	seq.s32 s7, s2  }
0x1e: {  	s7 =	smul.u32 @!p0 $0xF7A, s2;
	p2 =	seq.s32 @!p0 s5, $0x0  }
0x1f: {  	s9 =	smul.u32 $0xF7A, s1;
	s8 =	simm.s32 @!p0 $0x1BF5;
	p2 =	por !p2, p0  }
0x20: {  	[sflag:s8] =	ssyncset.s32 @!p0 $0xFFFFF086;
	s6 =	sadd.s32 @!p0 s3, s7;
	s7 =	simm.s32 @!p0 $0x108  }
0x21: {  	s3 =	sadd.s32 s3, s9;
	s6 =	sadd.s32 @!p0 $0x88, s6;
	s7 =	simm.s32 @p2 $0x1082  }
0x22: {  	[simem:s7], [sflag:s8] =	dma.local @!p0 [hbm:s6], $0xF7A  }
0x23: {  	s9 =	sor.u32 $0xD0000000, s2;
	s6 =	simm.s32 $0x108;
	_ =	swait.ge @!p0 [sflag:s8], $0x0  }
0x24: {  	s3 =	sadd.s32 $0x88, s3;
	s6 =	simm.s32 @!p1 $0x1082;
	[sflag:s4] =	ssyncset.s32 $0xFFFFF086  }
0x25: {  	[simem:s6], [sflag:s4] =	dma.local [hbm:s3], $0xF7A  }
0x26: {  	[smem:$0x3F9C] =	sst s1;
	(tag) =	ssettag s2;
	_ =	strace s9  }
0x27: {  	s1 =	sld [smem:$0x3FAC]  }
0x28: {  	s2 =	sld [smem:$0x3FAD]  }
0x29: {  	s4 =	sld [smem:$0x3FAF]  }
0x2a: {  	p0 =	seq.s32 s5, $0x0;
	s5 =	sld [smem:$0x3FB0]  }
0x2b: {  	s6 =	sld [smem:$0x3FB1]  }
0x2c: {  	s7 =	sld [smem:$0x3FB2]  }
0x2d: {  	s3 =	simm.s32 $0x108;
	s8 =	sld [smem:$0x3FB3]  }
0x2e: {  	s3 =	simm.s32 @!p0 $0x1082;
	s9 =	sld [smem:$0x3FB4]  }
0x2f: {  	lr =	sadd.s32 s0, s3;
	s0 =	sld [smem:$0x3FAB]  }
0x30: {  	s3 =	sld [smem:$0x3FAE]  }
0x31: {  	[smem:$0x3FB7] =	sst s10  }
0x32: {  	s10 =	sld [smem:$0x3FB5];
	_ =	sdelay $0x3  }
0x33: {  	p0 =	seq.s32 s10, $0x1;
	s10 =	sld [smem:$0x3FB7];
	_ =	sdelay $0x3  }
0x34: {  	[smem:$0x3FB7] =	sst s10  }
0x35: {  	s10 =	sld [smem:$0x3FB6];
	_ =	sdelay $0x3  }
0x36: {  	p1 =	seq.s32 s10, $0x1;
	s10 =	sld [smem:$0x3FB7];
	_ =	sdelay $0x3  }
0x37: {  	[smem:$0x3FB7] =	sst s10  }
0x38: {  	s10 =	sld [smem:$0x3FB8]  }
0x39: {  	_ = 	snop;
	(pc) =	sbr.ind lr, $3  }
0x3a: {  	_ = 	snop  }
0x3b: {  	_ = 	snop  }
0x3c: {  	p2 =	seq.s32 s10, $0x1;
	s10 =	sld [smem:$0x3FB7]  }
0x3d: {  	_ =	shalt  }
0x3e: {  	_ =	shalt  }
0x3f: {  	_ =	shalt  }
0x40: {  	_ =	shalt  }
0x41: {  	_ =	shalt  }
0x42: {  	_ =	shalt  }
0x43: {  	_ =	shalt  }
0x44: {  	_ =	shalt  }
0x45: {  	_ =	shalt  }
0x46: {  	_ =	shalt  }
0x47: {  	_ =	shalt  }
0x48: {  	_ =	shalt  }
0x49: {  	_ =	shalt  }
0x4a: {  	_ =	shalt  }
0x4b: {  	_ =	shalt  }
0x4c: {  	_ =	shalt  }
0x4d: {  	_ =	shalt  }
0x4e: {  	_ =	shalt  }
0x4f: {  	_ =	shalt  }
0x50: {  	_ =	shalt  }
0x51: {  	_ =	shalt  }
0x52: {  	_ =	shalt  }
0x53: {  	_ =	shalt  }
0x54: {  	_ =	shalt  }
0x55: {  	_ =	shalt  }
0x56: {  	_ =	shalt  }
0x57: {  	_ =	shalt  }
0x58: {  	_ =	shalt  }
0x59: {  	_ =	shalt  }
0x5a: {  	_ =	shalt  }
0x5b: {  	_ =	shalt  }
0x5c: {  	_ =	shalt  }
0x5d: {  	_ =	shalt  }
0x5e: {  	_ =	shalt  }
0x5f: {  	_ =	shalt  }
0x60: {  	_ =	shalt  }
0x61: {  	_ =	shalt  }
0x62: {  	_ =	shalt  }
0x63: {  	_ =	shalt  }
0x64: {  	_ =	shalt  }
0x65: {  	_ =	shalt  }
0x66: {  	_ =	shalt  }
0x67: {  	_ =	shalt  }
0x68: {  	_ =	shalt  }
0x69: {  	_ =	shalt  }
0x6a: {  	_ =	shalt  }
0x6b: {  	_ =	shalt  }
0x6c: {  	_ =	shalt  }
0x6d: {  	_ =	shalt  }
0x6e: {  	_ =	shalt  }
0x6f: {  	_ =	shalt  }
0x70: {  	_ =	shalt  }
0x71: {  	_ =	shalt  }
0x72: {  	_ =	shalt  }
0x73: {  	_ =	shalt  }
0x74: {  	_ =	shalt  }
0x75: {  	_ =	shalt  }
0x76: {  	_ =	shalt  }
0x77: {  	_ =	shalt  }
0x78: {  	_ =	shalt  }
0x79: {  	_ =	shalt  }
0x7a: {  	_ =	shalt  }
0x7b: {  	_ =	shalt  }
0x7c: {  	_ =	shalt  }
0x7d: {  	_ =	shalt  }
0x7e: {  	_ =	shalt  }
0x7f: {  	_ =	shalt  }
0x80: {  	_ =	shalt  }
0x81: {  	_ =	shalt  }
0x82: {  	_ =	shalt  }
0x83: {  	_ =	shalt  }
0x84: {  	_ =	shalt  }
0x85: {  	_ =	shalt  }
0x86: {  	_ =	shalt  }
0x87: {  	_ =	shalt  }
.Lfunc_end0:
.L_simem_size_0:
called_computation.1_lowered:
.L_overlay_start_0:
0x88: {  	s0 =	sld [smem:$0x3FD9]  }
0x89: {  	s1 =	sld [smem:$0x3FFE];
	_ =	sdelay $0x3  }
0x8a: {  	s0 =	sadd.s32 s1, s0  }
0x8b: {  	[smem:$0x3FC3] =	sst s0  }
0x8c: {  	_ = 	snop  }
0x8d: {  	s0 =	sld [smem:$0x3FC9];
	(tm) =	ssettm $0x1  }
0x8e: {  	s16 =	sld [smem:$0x3FFB];
	_ =	sdelay $0x3  }
0x8f: {  	_ =	strace s16  }
0x90: {  	s1 =	sld [smem:$0x3FFC];
	_ =	sdelay $0x3  }
0x91: {  	_ =	strace s1  }
0x92: {  	s1 =	sld [smem:$0x3FFD];
	_ =	sdelay $0x3  }
0x93: {  	_ =	strace s1  }
0x94: {  	_ =	strace $0x8FFFFFFF  }
0x95: {  	s17 =	sld [smem:$0x3FDB];
	_ =	sdelay $0x1  }
0x96: {  	s2 =	simm.s32 $_scs_section_size  }
0x97: {  	s3 =	simm.s32 $_size__tile_overlayer_lowered;
	s4 =	simm.s32 $_tile_overlayer_lowered  }
0x98: {  	s20 =	simm.s32 $0x1BFF;
	s19 =	sshll.u32 s4, $0x1;
	s1 =	sadd.s32 s2, s17  }
0x99: {  	s5 =	simm.s32 $0x0;
	s18 =	sshll.u32 s3, $0x1;
	s3 =	sadd.s32 s19, s1  }
0x9a: {  	[timem:s5], [sflag:s20] =	dma.local [hbm:s3], s18  }
0x9b: {  	_ =	swait.ge [sflag:s20], s18  }
0x9c: {  	s2 =	ssub.s32 $0x0, s18;
	[sflag:s20] =	ssyncset.done $0x0  }
0x9d: {  	[sflag:s20] =	ssyncadd.s32 s2;
	_ =	sdelay $0x1  }
0x9e: {  	s21 =	simm.s32 $0x1B8B  }
0x9f: {  	_ =	swait.ge [sflag:s21], $0x1  }
0xa0: {  	[sflag:s21] =	ssyncset.done $0x0  }
0xa1: {  	s23 =	simm.s32 $0x1B8E;
	s22 =	sld [smem:$0x3FFE];
	[sflag:s21] =	ssyncadd.s32 $0xFFFFFFFF  }
0xa2: {  	s24 =	simm.s32 $execute0_lowered;
	[smem:$0x3FD2] =	sst s23  }
0xa3: {  	s3 =	sshll.u32 s24, $0x1;
	_ =	strace $0x80000046;
	[dreg:$0x1] =	wrdreg $0xFFFFFFFF  }
0xa4: {  	s25 =	simm.s32 $_size_execute0_lowered;
	s1 =	sadd.s32 s1, s3;
	[dreg:$0x0] =	wrdreg $0x0  }
0xa5: {  	s3 =	sshll.u32 s25, $0x1;
	[dreg:$0x2] =	wrdreg s1  }
0xa6: {  	[dreg:$0x3] =	wrdreg s3  }
0xa7: {  	[dreg:$0x4] =	wrdreg $0xC0  }
0xa8: {  	_ =	task [dreg:s5], $0x5FFFF  }
0xa9: {  	[dreg:$0x1] =	wrdreg $0xFFFFFFFF  }
0xaa: {  	[dreg:$0x0] =	wrdreg $0x60  }
0xab: {  	[dreg:$0x2] =	wrdreg s0  }
0xac: {  	[dreg:$0x3] =	wrdreg s22  }
0xad: {  	[dreg:$0x4] =	wrdreg $0xA  }
0xae: {  	_ =	task.clear_ibuf [dreg:s5], $0x5FFFF;
	_ =	strace $0x90000046  }
0xaf: {  	s26 =	simm.s32 $0xA;
	_ =	strace $0x80000048  }
0xb0: {  	_ =	swait.ge [sflag:s26], $0x1  }
0xb1: {  	[sflag:s26] =	ssyncadd.s32 $0xFFFFFFFF  }
0xb2: {  	_ =	strace $0x90000048  }
0xb3: {  	_ =	sfence  }
0xb4: {  	s28 =	sld [smem:$0x0];
	_ =	sdelay $0x1  }
0xb5: {  	s29 =	srdreg.scid  }
0xb6: {  	s30 =	sshll.u32 s29, $0xD;
	s31 =	sshrl.u32 s29, $0x2  }
0xb7: {  	s2 =	sand.u32 $0x4000, s30;
	s1 =	sand.u32 $0x1, s29;
	s0 =	sadd.s32 s31, s28  }
0xb8: {  	s1 =	sor.u32 s2, s1;
	s0 =	sshll.u32 s0, $0x11  }
0xb9: {  	s0 =	sor.u32 s0, s1  }
0xba: {  	s0 =	sadd.s32 $0x8F2B, s0  }
0xbb: {  	[sflag:s0] =	ssyncadd.remote.s32 $0x1  }
0xbc: {  	_ =	sfence.sel $0xFFFF  }
0xbd: {  	[dreg:$0x0] =	wrdreg $0xFFFFFFFF;
	(pc) =	sbr.abs _section_cstart, $3  }
0xbe: {  	[dreg:$0x1] =	wrdreg $0xFFFFFFFF  }
0xbf: {  	_ =	task.clear_ibuf [dreg:s5], $0x2FFFF;
	_ =	strace $0x9FFFFFFF  }
0xc0: {  	(tm) =	ssettm $0x7FFFFFFF  }
0xc1: {  	_ =	shalt  }
tec
execute0_lowered:
.L_overlay_start_1:
0x0: {  	(tag) =	ssettag $0x1  }
0x1: {  	s2 =	rddreg [dreg:$0x0]  }
0x2: {  	s8 =	rddreg [dreg:$0x1]  }
0x3: {  	s0 =	rddreg [dreg:$0x2]  }
0x4: {  	s1 =	stileid.u32;
	_ =	strace $0x80000047;
	s5 =	simm.s32 $0x1  }
0x5: {  	s6 =	simm.s32 $0x500;
	s9 =	simm.s32 $0x1;
	s10 =	simm.s32 $0x3  }
0x6: {  	s13 =	simm.s32 $0x0;
	s12 =	simm.s32 $0x0;
	s4 =	smul.u32 $0x50, s1  }
0x7: {  	s3 =	sadd.s32 $0x600, s8;
	p0 =	slt.u32 s1, $0xA;
	[sflag:s5] =	ssyncpa.u1 $0x0  }
.Ltmp0:
0x8: {  	s6 =	simm.s32 @!p0 $0x0;
	s7 =	ssub.s32 $0x7D0, s4;
	(pc) =	sbr.rel .LBB2_1-.Ltmp0, $4  }
0x9: {  	s9 =	simm.s32 @!p0 $0x0;
	p0 =	sne.s32 s7, s6;
	s7 =	simm.s32 $0x1  }
0xa: {  	s8 =	sadd.s32 $0x800, s8;
	s6 =	simm.s32 $0x2;
	s7 =	simm.s32 @!p0 $0x0  }
0xb: {  	s11 =	smov.u32 s4;
	[sflag:s6] =	ssyncpa.u1 $0x0;
	s7 =	sadd.s32 s9, s7  }
0xc: {  	vm0 =	vmmov $0xffff;
	[sflag:s10] =	ssyncpa.u1 $0x0;
	s10 =	simm.s32 $0x0;
	s9 =	sadd.s32 $0x1, s7  }
.LBB2_4:
0xd: {  	v2 =	vnsel vm1, $0x0, v2  }
0xe: {  	vm1 =	vgt.s32 v0, $0x0;
	v2 =	vmin.u32 v2, $0x1869F  }
0xf: {  	v0 =	vnsel vm1, $0x0, v0  }
0x10: {  	v0 =	vmin.u32 v0, $0x1869F  }
0x11: {  	[tilespmem:s18], [sflag:$0x1] =	stream.indirect_vreg.gather [hbm4b:s2+s10], $0x1, v1, vm0, $0x4038;
	[tilespmem:$0x140] =	vst v63  }
0x12: {  	(ifvalue) =	ssetifvalue $0x7FFFFFFF  }
0x13: {  	[tilespmem:s15], [sflag:$0x1] =	stream.indirect_vreg.gather [hbm4b:s2+s10], $0x1, v2, vm0, $0x4038;
	[tilespmem:$0x140] =	vst v63  }
0x14: {  	s29 =	sadd.s32 $0x10, s15;
	(ifvalue) =	ssetifvalue $0x7FFFFFFF  }
0x15: {  	[tilespmem:s29], [sflag:$0x1] =	stream.indirect_vreg.gather [hbm4b:s2+s10], $0x1, v0, vm0, $0x4038;
	[tilespmem:$0x140] =	vst v63  }
0x16: {  	_ =	swait.ge [sflag:s5], $0x50  }
0x17: {  	s30 =	sshrl.u32 s13, $0x3;
	[sflag:s5] =	ssyncset.done $0x0  }
0x18: {  	s31 =	sand.u32 $0x7, s13;
	s15 =	sadd.s32 s8, s30;
	[sflag:s5] =	ssyncadd.s32 $0xFFFFFFB0  }
0x19: {  	[hbm4b:s15+s31] =	stream.linear.scatter [tilespmem:s14], [sflag:$0x3], $0x50, $0x38;
	[tilespmem:$0x140] =	vst v63  }
.LBB2_5:
0x1a: {  	s15 =	sadd.s32 $0x500, s11  }
0x1b: {  	p1 =	sgt.s32 s15, $0x7CF  }
0x1c: {  	s15 =	smov.u32 @p1 s4;
	p1 =	sne.s32 s12, s9  }
.Ltmp1:
0x1d: {  	p0 =	slt.u32 s12, $0x2;
	(pc) =	sbr.rel @!p1 .LBB2_6-.Ltmp1, $4  }
0x1e: {  	s14 =	simm.s32 @!p0 $0x3  }
0x1f: {  	_ =	swait.ge @!p0 [sflag:s14], $0x50  }
0x20: {  	s16 =	sadd.s32 $0x1, s12;
	s13 =	smov.u32 s11;
	[sflag:s14] =	ssyncset.done @!p0 $0x0  }
0x21: {  	s12 =	smov.u32 s16;
	s11 =	smov.u32 s15;
	[sflag:s14] =	ssyncadd.s32 @!p0 $0xFFFFFFB0  }
.LBB2_1:
0x22: {  	p0 =	sge.u32 s12, s7  }
0x23: {  	s14 =	sxor.u32 @!p0 $0x1, s12  }
0x24: {  	s14 =	smul.u32 @!p0 $0x140, s14  }
0x25: {  	s31 =	sadd.s32 $0xFFFFFFFF, s12;
	s15 =	sshrl.u32 @!p0 s11, $0x3  }
0x26: {  	s16 =	sand.u32 @!p0 $0x7, s11;
	s15 =	sadd.s32 @!p0 s3, s15;
	s14 =	sshra.s32 @!p0 s14, $0x2  }
0x27: {  	[tilespmem:s14], [sflag:$0x2] =	stream.linear.gather @!p0 [hbm4b:s15+s16], $0x50, $0x38;
	[tilespmem:$0x140] =	vst v63  }
0x28: {  	p0 =	sge.u32 s31, s7  }
.Ltmp2:
0x29: {  	_ = 	snop;
	(pc) =	sbr.rel @p0 .LBB2_5-.Ltmp2, $1  }
0x2a: {  	_ =	sdelay $0x3  }
0x2b: {  	s14 =	sand.u32 $0x1, s12  }
0x2c: {  	_ =	swait.ge [sflag:s6], $0x50;
	p0 =	seq.s32 s14, $0x1;
	s14 =	simm.s32 $0x50  }
0x2d: {  	[sflag:s6] =	ssyncset.done $0x0;
	s14 =	simm.s32 @!p0 $0x0  }
0x2e: {  	[sflag:s6] =	ssyncadd.s32 $0xFFFFFFB0;
	(ifvalue) =	ssetifvalue $0x7FFFFFFF;
	v0 =	vld.msk [tilespmem:s14+$0x0 ss:$0x1], $0xffff;
	_ =	sdelay $0x4  }
0x2f: {  	s15 =	sadd.s32 $0x10, s14;
	vm1 =	vgt.s32 v0, $0x0  }
0x30: {  	v2 =	vld.msk [tilespmem:s15+$0x0 ss:$0x1], $0xffff;
	v1 =	vnsel vm1, $0x0, v0  }
0x31: {  	v1 =	vmin.u32 v1, $0x1869F;
	_ =	sdelay $0x2  }
0x32: {  	s17 =	simm.s32 $0x20;
	s14 =	sor.u32 $0xA0, s14;
	s16 =	sadd.s32 $0x10, s15  }
0x33: {  	s15 =	sadd.s32 $0x10, s14;
	s18 =	smov.u32 s14;
	v0 =	vld.msk [tilespmem:s16+$0x0 ss:$0x1], $0xffff;
	vm1 =	vgt.s32 v2, $0x0;
	(ifvalue) =	ssetifvalue $0x7FFFFFFF  }
.LBB2_3:
0x34: {  	[tilespmem:s18], [sflag:$0x1] =	stream.indirect_vreg.gather [hbm4b:s2+s10], $0x1, v1, vm0, $0x4038;
	[tilespmem:$0x140] =	vst v63  }
0x35: {  	s17 =	sadd.s32 $0x10, s17  }
0x36: {  	v2 =	vnsel vm1, $0x0, v2;
	p0 =	slt.u32 s17, $0x40  }
.Ltmp3:
0x37: {  	s18 =	smov.u32 s15;
	v1 =	vmin.u32 v2, $0x1869F;
	(pc) =	sbr.rel @p0 .LBB2_3-.Ltmp3, $3  }
0x38: {  	_ =	sdelay $0x1  }
0x39: {  	s16 =	sadd.s32 $0x10, s16  }
0x3a: {  	vm1 =	vgt.s32 v0, $0x0;
	s15 =	sadd.s32 $0x10, s15;
	v2 =	vmov v0;
	(ifvalue) =	ssetifvalue $0x7FFFFFFF;
	v0 =	vld.msk [tilespmem:s16+$0x0 ss:$0x1], $0xffff  }
.Ltmp4:
0x3b: {  	_ = 	snop;
	(pc) =	sbr.rel .LBB2_4-.Ltmp4, $1  }
0x3c: {  	_ =	sdelay $0x3  }
.LBB2_6:
0x3d: {  	_ =	sfence.sel $0x180000  }
0x3e: {  	s2 =	simm.s32 $0x2;
	[bflag:$0x0] =	sbarrier.arrive $0xFFFF  }
0x3f: {  	s30 =	simm.s32 $0x3;
	[sflag:s2] =	ssyncpa.u1 $0x1  }
0x40: {  	s31 =	simm.s32 $0x1;
	[sflag:s30] =	ssyncpa.u1 $0x1  }
0x41: {  	[sflag:s31] =	ssyncpa.u1 $0x1  }
0x42: {  	p0 =	sne.s32 s1, $0x0;
	_ =	strace $0x90000047  }
0x43: {  	s0 =	sadd.s32 @!p0 $0x100000, s0;
	[bflag:$0x2] =	sbarrier.arrive $0xFFFF  }
0x44: {  	[sflag:s0] =	ssyncadd.tile.s32 @!p0 $0x1;
	_ =	shalt  }
.Lfunc_end2:
_tile_overlayer_lowered:
.L_overlay_start_2:
0x45: {  	(tag) =	ssettag $0x2  }
0x46: {  	s0 =	rddreg [dreg:$0x0];
	s2 =	stileid.u32  }
0x47: {  	s1 =	rddreg [dreg:$0x1];
	p0 =	sne.s32 s2, $0x0  }
0x48: {  	s3 =	rddreg [dreg:$0x2];
	[bflag:$0x3] =	sbarrier.arrive $0xFFFF;
	s2 =	simm.s32 @!p0 $0x1C01  }
0x49: {  	[timem:s3], [sflag:s2] =	dma.local @!p0 [hbm:s0], s1  }
0x4a: {  	s0 =	simm.s32 @!p0 $0x1  }
0x4b: {  	_ =	swait.ge @!p0 [sflag:s0], s1  }
0x4c: {  	s1 =	ssub.s32 @!p0 $0x0, s1;
	[sflag:s0] =	ssyncset.done @!p0 $0x0  }
0x4d: {  	[sflag:s0] =	ssyncadd.s32 @!p0 s1  }
0x4e: {  	[bflag:$0x3] =	sbarrier.arrive $0xFFFF  }
0x4f: {  	_ =	shalt  }

// kernel: gather_offload_async_start
scs
__scs_entry_jumppad:
0x0: {  	(pc) =	sbr.rel $0x88, $3  }
0x1: {  	(tag) =	ssettag $0x0;
	lr =	simm.s32 $0x1  }
0x2: {  	[smem:$0x3F9C] =	sst lr;
	_ =	strace $0xD0000000  }
0x3: {  	_ = 	snop  }
0x4: {  	_ = 	snop  }
0x5: {  	_ = 	snop  }
0x6: {  	_ = 	snop  }
0x7: {  	_ = 	snop  }
__scs_overlays_trampoline_lowered:
0x8: {  	[smem:$0x3FAB] =	sst s0  }
0x9: {  	[smem:$0x3FAC] =	sst s1  }
0xa: {  	[smem:$0x3FAD] =	sst s2  }
0xb: {  	[smem:$0x3FAE] =	sst s3  }
0xc: {  	[smem:$0x3FAF] =	sst s4  }
0xd: {  	[smem:$0x3FB0] =	sst s5  }
0xe: {  	[smem:$0x3FB1] =	sst s6  }
0xf: {  	[smem:$0x3FB2] =	sst s7  }
0x10: {  	[smem:$0x3FB3] =	sst s8  }
0x11: {  	[smem:$0x3FB4] =	sst s9;
	s0 =	simm.s32 @!p0 $0x0  }
0x12: {  	s1 =	sld [smem:$0x3F9A];
	s0 =	simm.s32 @p0 $0x1  }
0x13: {  	[smem:$0x3FB5] =	sst s0;
	s0 =	simm.s32 @!p1 $0x0  }
0x14: {  	s2 =	sld [smem:$0x3F99];
	s0 =	simm.s32 @p1 $0x1  }
0x15: {  	[smem:$0x3FB6] =	sst s0;
	s0 =	simm.s32 @!p2 $0x0  }
0x16: {  	s3 =	sld [smem:$0x3FDB];
	s0 =	simm.s32 @p2 $0x1  }
0x17: {  	s4 =	simm.s32 $0x1BF5;
	[smem:$0x3FB8] =	sst s0  }
0x18: {  	s0 =	sld [smem:$0x3F9B];
	_ =	swait.ge [sflag:s4], $0x0  }
0x19: {  	s7 =	sld [smem:$0x3F9C]  }
0x1a: {  	s8 =	sadd.s32 $0xFFFFE003, lr  }
0x1b: {  	s9 =	sadd.s32 $0xFFFFFEF7, lr;
	s5 =	simm.s32 $0xFFFFFFFF;
	p2 =	slt.u32 s8, $0xFFFFF086  }
0x1c: {  	p1 =	slt.u32 s9, $0xF7A;
	s5 =	simm.s32 @!p2 $0x0  }
0x1d: {  	s5 =	simm.s32 @p1 $0x1;
	p0 =	seq.s32 s7, s2  }
0x1e: {  	s7 =	smul.u32 @!p0 $0xF7A, s2;
	p2 =	seq.s32 @!p0 s5, $0x0  }
0x1f: {  	s9 =	smul.u32 $0xF7A, s1;
	s8 =	simm.s32 @!p0 $0x1BF5;
	p2 =	por !p2, p0  }
0x20: {  	[sflag:s8] =	ssyncset.s32 @!p0 $0xFFFFF086;
	s6 =	sadd.s32 @!p0 s3, s7;
	s7 =	simm.s32 @!p0 $0x108  }
0x21: {  	s3 =	sadd.s32 s3, s9;
	s6 =	sadd.s32 @!p0 $0x88, s6;
	s7 =	simm.s32 @p2 $0x1082  }
0x22: {  	[simem:s7], [sflag:s8] =	dma.local @!p0 [hbm:s6], $0xF7A  }
0x23: {  	s9 =	sor.u32 $0xD0000000, s2;
	s6 =	simm.s32 $0x108;
	_ =	swait.ge @!p0 [sflag:s8], $0x0  }
0x24: {  	s3 =	sadd.s32 $0x88, s3;
	s6 =	simm.s32 @!p1 $0x1082;
	[sflag:s4] =	ssyncset.s32 $0xFFFFF086  }
0x25: {  	[simem:s6], [sflag:s4] =	dma.local [hbm:s3], $0xF7A  }
0x26: {  	[smem:$0x3F9C] =	sst s1;
	(tag) =	ssettag s2;
	_ =	strace s9  }
0x27: {  	s1 =	sld [smem:$0x3FAC]  }
0x28: {  	s2 =	sld [smem:$0x3FAD]  }
0x29: {  	s4 =	sld [smem:$0x3FAF]  }
0x2a: {  	p0 =	seq.s32 s5, $0x0;
	s5 =	sld [smem:$0x3FB0]  }
0x2b: {  	s6 =	sld [smem:$0x3FB1]  }
0x2c: {  	s7 =	sld [smem:$0x3FB2]  }
0x2d: {  	s3 =	simm.s32 $0x108;
	s8 =	sld [smem:$0x3FB3]  }
0x2e: {  	s3 =	simm.s32 @!p0 $0x1082;
	s9 =	sld [smem:$0x3FB4]  }
0x2f: {  	lr =	sadd.s32 s0, s3;
	s0 =	sld [smem:$0x3FAB]  }
0x30: {  	s3 =	sld [smem:$0x3FAE]  }
0x31: {  	[smem:$0x3FB7] =	sst s10  }
0x32: {  	s10 =	sld [smem:$0x3FB5];
	_ =	sdelay $0x3  }
0x33: {  	p0 =	seq.s32 s10, $0x1;
	s10 =	sld [smem:$0x3FB7];
	_ =	sdelay $0x3  }
0x34: {  	[smem:$0x3FB7] =	sst s10  }
0x35: {  	s10 =	sld [smem:$0x3FB6];
	_ =	sdelay $0x3  }
0x36: {  	p1 =	seq.s32 s10, $0x1;
	s10 =	sld [smem:$0x3FB7];
	_ =	sdelay $0x3  }
0x37: {  	[smem:$0x3FB7] =	sst s10  }
0x38: {  	s10 =	sld [smem:$0x3FB8]  }
0x39: {  	_ = 	snop;
	(pc) =	sbr.ind lr, $3  }
0x3a: {  	_ = 	snop  }
0x3b: {  	_ = 	snop  }
0x3c: {  	p2 =	seq.s32 s10, $0x1;
	s10 =	sld [smem:$0x3FB7]  }
0x3d: {  	_ =	shalt  }
0x3e: {  	_ =	shalt  }
0x3f: {  	_ =	shalt  }
0x40: {  	_ =	shalt  }
0x41: {  	_ =	shalt  }
0x42: {  	_ =	shalt  }
0x43: {  	_ =	shalt  }
0x44: {  	_ =	shalt  }
0x45: {  	_ =	shalt  }
0x46: {  	_ =	shalt  }
0x47: {  	_ =	shalt  }
0x48: {  	_ =	shalt  }
0x49: {  	_ =	shalt  }
0x4a: {  	_ =	shalt  }
0x4b: {  	_ =	shalt  }
0x4c: {  	_ =	shalt  }
0x4d: {  	_ =	shalt  }
0x4e: {  	_ =	shalt  }
0x4f: {  	_ =	shalt  }
0x50: {  	_ =	shalt  }
0x51: {  	_ =	shalt  }
0x52: {  	_ =	shalt  }
0x53: {  	_ =	shalt  }
0x54: {  	_ =	shalt  }
0x55: {  	_ =	shalt  }
0x56: {  	_ =	shalt  }
0x57: {  	_ =	shalt  }
0x58: {  	_ =	shalt  }
0x59: {  	_ =	shalt  }
0x5a: {  	_ =	shalt  }
0x5b: {  	_ =	shalt  }
0x5c: {  	_ =	shalt  }
0x5d: {  	_ =	shalt  }
0x5e: {  	_ =	shalt  }
0x5f: {  	_ =	shalt  }
0x60: {  	_ =	shalt  }
0x61: {  	_ =	shalt  }
0x62: {  	_ =	shalt  }
0x63: {  	_ =	shalt  }
0x64: {  	_ =	shalt  }
0x65: {  	_ =	shalt  }
0x66: {  	_ =	shalt  }
0x67: {  	_ =	shalt  }
0x68: {  	_ =	shalt  }
0x69: {  	_ =	shalt  }
0x6a: {  	_ =	shalt  }
0x6b: {  	_ =	shalt  }
0x6c: {  	_ =	shalt  }
0x6d: {  	_ =	shalt  }
0x6e: {  	_ =	shalt  }
0x6f: {  	_ =	shalt  }
0x70: {  	_ =	shalt  }
0x71: {  	_ =	shalt  }
0x72: {  	_ =	shalt  }
0x73: {  	_ =	shalt  }
0x74: {  	_ =	shalt  }
0x75: {  	_ =	shalt  }
0x76: {  	_ =	shalt  }
0x77: {  	_ =	shalt  }
0x78: {  	_ =	shalt  }
0x79: {  	_ =	shalt  }
0x7a: {  	_ =	shalt  }
0x7b: {  	_ =	shalt  }
0x7c: {  	_ =	shalt  }
0x7d: {  	_ =	shalt  }
0x7e: {  	_ =	shalt  }
0x7f: {  	_ =	shalt  }
0x80: {  	_ =	shalt  }
0x81: {  	_ =	shalt  }
0x82: {  	_ =	shalt  }
0x83: {  	_ =	shalt  }
0x84: {  	_ =	shalt  }
0x85: {  	_ =	shalt  }
0x86: {  	_ =	shalt  }
0x87: {  	_ =	shalt  }
.Lfunc_end0:
.L_simem_size_0:
called_computation_lowered:
.L_overlay_start_0:
0x88: {  	s0 =	sld [smem:$0x3FD9]  }
0x89: {  	s1 =	sld [smem:$0x3FFE];
	_ =	sdelay $0x3  }
0x8a: {  	s0 =	sadd.s32 s1, s0  }
0x8b: {  	[smem:$0x3FC3] =	sst s0  }
0x8c: {  	_ = 	snop  }
0x8d: {  	(tm) =	ssettm $0x1  }
0x8e: {  	s15 =	sld [smem:$0x3FFB];
	_ =	sdelay $0x3  }
0x8f: {  	_ =	strace s15  }
0x90: {  	s0 =	sld [smem:$0x3FFC];
	_ =	sdelay $0x3  }
0x91: {  	_ =	strace s0  }
0x92: {  	s0 =	sld [smem:$0x3FFD];
	_ =	sdelay $0x3  }
0x93: {  	_ =	strace s0  }
0x94: {  	_ =	strace $0x8FFFFFFF  }
0x95: {  	s16 =	sld [smem:$0x3FDB];
	_ =	sdelay $0x1  }
0x96: {  	s17 =	simm.s32 $_scs_section_size  }
0x97: {  	s2 =	simm.s32 $_size__tile_overlayer_lowered;
	s3 =	simm.s32 $_tile_overlayer_lowered  }
0x98: {  	s20 =	simm.s32 $0x1BFF;
	s19 =	sshll.u32 s3, $0x1;
	s0 =	sadd.s32 s17, s16  }
0x99: {  	s4 =	simm.s32 $0x0;
	s18 =	sshll.u32 s2, $0x1;
	s2 =	sadd.s32 s19, s0  }
0x9a: {  	[timem:s4], [sflag:s20] =	dma.local [hbm:s2], s18  }
0x9b: {  	_ =	swait.ge [sflag:s20], s18  }
0x9c: {  	s1 =	ssub.s32 $0x0, s18;
	[sflag:s20] =	ssyncset.done $0x0  }
0x9d: {  	[sflag:s20] =	ssyncadd.s32 s1;
	_ =	sdelay $0x1  }
0x9e: {  	s21 =	simm.s32 $0x1B8B  }
0x9f: {  	_ =	swait.ge [sflag:s21], $0x1  }
0xa0: {  	[sflag:s21] =	ssyncset.done $0x0  }
0xa1: {  	s23 =	simm.s32 $0x1B8E;
	s22 =	sld [smem:$0x3FFE];
	[sflag:s21] =	ssyncadd.s32 $0xFFFFFFFF  }
0xa2: {  	s24 =	simm.s32 $execute0_lowered;
	[smem:$0x3FD2] =	sst s23  }
0xa3: {  	s2 =	sshll.u32 s24, $0x1;
	_ =	strace $0x80000049;
	[dreg:$0x1] =	wrdreg $0xFFFFFFFF  }
0xa4: {  	s25 =	simm.s32 $_size_execute0_lowered;
	s0 =	sadd.s32 s0, s2;
	[dreg:$0x0] =	wrdreg $0x0  }
0xa5: {  	s2 =	sshll.u32 s25, $0x1;
	[dreg:$0x2] =	wrdreg s0  }
0xa6: {  	[dreg:$0x3] =	wrdreg s2  }
0xa7: {  	[dreg:$0x4] =	wrdreg $0xC0  }
0xa8: {  	_ =	task [dreg:s4], $0x5FFFF  }
0xa9: {  	[dreg:$0x1] =	wrdreg $0xFFFFFFFF  }
0xaa: {  	[dreg:$0x0] =	wrdreg $0x60  }
0xab: {  	[dreg:$0x2] =	wrdreg s22  }
0xac: {  	[dreg:$0x3] =	wrdreg $0x9  }
0xad: {  	_ =	task.clear_ibuf [dreg:s4], $0x4FFFF;
	_ =	strace $0x90000049  }
0xae: {  	s26 =	simm.s32 $0x9;
	_ =	strace $0x8000004B  }
0xaf: {  	_ =	swait.ge [sflag:s26], $0x1  }
0xb0: {  	[sflag:s26] =	ssyncadd.s32 $0xFFFFFFFF  }
0xb1: {  	_ =	strace $0x9000004B  }
0xb2: {  	_ =	sfence  }
0xb3: {  	s28 =	sld [smem:$0x0];
	_ =	sdelay $0x1  }
0xb4: {  	s29 =	srdreg.scid  }
0xb5: {  	s30 =	sshll.u32 s29, $0xD;
	s31 =	sshrl.u32 s29, $0x2  }
0xb6: {  	s1 =	sand.u32 $0x1, s29;
	s2 =	sand.u32 $0x4000, s30;
	s0 =	sadd.s32 s31, s28  }
0xb7: {  	s1 =	sor.u32 s2, s1;
	s0 =	sshll.u32 s0, $0x11  }
0xb8: {  	s0 =	sor.u32 s0, s1  }
0xb9: {  	s0 =	sadd.s32 $0x8F2B, s0  }
0xba: {  	[sflag:s0] =	ssyncadd.remote.s32 $0x1  }
0xbb: {  	_ =	sfence.sel $0xFFFF  }
0xbc: {  	[dreg:$0x0] =	wrdreg $0xFFFFFFFF;
	(pc) =	sbr.abs _section_cstart, $3  }
0xbd: {  	[dreg:$0x1] =	wrdreg $0xFFFFFFFF  }
0xbe: {  	_ =	task.clear_ibuf [dreg:s4], $0x2FFFF;
	_ =	strace $0x9FFFFFFF  }
0xbf: {  	(tm) =	ssettm $0x7FFFFFFF  }
tec
execute0_lowered:
.L_overlay_start_1:
0x0: {  	(tag) =	ssettag $0x1  }
0x1: {  	s0 =	stileid.u32  }
0x2: {  	s1 =	smin.u32 s0, $0x9  }
0x3: {  	s1 =	sadd.s32 s0, s1  }
0x4: {  	p0 =	slt.u32 s0, $0x9;
	s2 =	smul.u32 $0x50, s1;
	s1 =	simm.s32 $0xA0  }
0x5: {  	s1 =	simm.s32 @!p0 $0x50  }
0x6: {  	s1 =	sadd.s32 s1, s2  }
0x7: {  	s3 =	smin.u32 s1, $0x7D0  }
0x8: {  	s7 =	ssub.s32 s3, s2  }
0x9: {  	p0 =	sgt.s32 s7, $0x0  }
0xa: {  	s7 =	simm.s32 @!p0 $0x0  }
0xb: {  	s31 =	smul.u32 $0xCCCD, s7  }
0xc: {  	s9 =	rddreg [dreg:$0x0];
	s6 =	simm.s32 $0x1;
	s11 =	simm.s32 $0x3  }
0xd: {  	s13 =	simm.s32 $0x0;
	s12 =	simm.s32 $0x0;
	s8 =	sshrl.u32 s31, $0x16  }
0xe: {  	s4 =	sadd.s32 $0xA00, s9;
	s5 =	sadd.s32 $0x600, s9;
	s10 =	smul.u32 $0x50, s8  }
.Ltmp0:
0xf: {  	s9 =	sadd.s32 $0x187400, s9;
	s1 =	rddreg [dreg:$0x1];
	(pc) =	sbr.rel .LBB2_1-.Ltmp0, $4  }
0x10: {  	_ =	strace $0x8000004A;
	p0 =	sne.s32 s7, s10;
	s10 =	simm.s32 $0x1  }
0x11: {  	[sflag:s6] =	ssyncpa.u1 $0x0;
	s7 =	simm.s32 $0x2;
	s10 =	simm.s32 @!p0 $0x0  }
0x12: {  	[sflag:s7] =	ssyncpa.u1 $0x0;
	p0 =	por $0x0, $0x0;
	s8 =	sadd.s32 s8, s10  }
0x13: {  	vm0 =	vmmov $0xff;
	vm1 =	vcmask $0x3F20;
	[sflag:s11] =	ssyncpa.u1 $0x0;
	s11 =	smov.u32 s2;
	s10 =	sadd.s32 $0x1, s8  }
.LBB2_6:
0x14: {  	[hbm:s17] =	stream.linear.scatter [tilespmem:s14], [sflag:$0x3], $0x400, $0x38;
	[tilespmem:$0x50A0] =	vst v63  }
.LBB2_7:
0x15: {  	s13 =	sadd.s32 $0x50, s11  }
0x16: {  	s15 =	smov.u32 s2;
	p2 =	slt.s32 s13, s3  }
0x17: {  	s15 =	smov.u32 @p2 s13;
	p2 =	sne.s32 s12, s10  }
.Ltmp1:
0x18: {  	p1 =	slt.u32 s12, $0x2;
	(pc) =	sbr.rel @!p2 .LBB2_8-.Ltmp1, $4  }
0x19: {  	s14 =	simm.s32 @!p1 $0x3  }
0x1a: {  	s16 =	sadd.s32 $0x1, s12;
	_ =	swait.ge @!p1 [sflag:s14], $0x2800  }
0x1b: {  	p0 =	por !p0, !p0;
	s13 =	smov.u32 s11;
	[sflag:s14] =	ssyncset.done @!p1 $0x0  }
0x1c: {  	s12 =	smov.u32 s16;
	s11 =	smov.u32 s15;
	[sflag:s14] =	ssyncadd.s32 @!p1 $0xFFFFD800  }
.LBB2_1:
0x1d: {  	p1 =	sge.u32 s12, s8  }
0x1e: {  	s14 =	sxor.u32 @!p1 $0xFFFFFFFF, s12  }
0x1f: {  	s14 =	sand.u32 @!p1 $0x1, s14  }
0x20: {  	s14 =	smul.u32 @!p1 $0x140, s14  }
0x21: {  	s31 =	sadd.s32 $0xFFFFFFFF, s12;
	s15 =	sshrl.u32 @!p1 s11, $0x3  }
0x22: {  	s16 =	sand.u32 @!p1 $0x7, s11;
	s15 =	sadd.s32 @!p1 s5, s15;
	s14 =	sshrl.u32 @!p1 s14, $0x2  }
0x23: {  	[tilespmem:s14], [sflag:$0x2] =	stream.linear.gather @!p1 [hbm4b:s15+s16], $0x50, $0x38;
	[tilespmem:$0x50A0] =	vst v63  }
0x24: {  	p1 =	sge.u32 s31, s8  }
.Ltmp2:
0x25: {  	_ = 	snop;
	(pc) =	sbr.rel @p1 .LBB2_7-.Ltmp2, $1  }
0x26: {  	_ =	sdelay $0x3  }
0x27: {  	s14 =	simm.s32 $0x1  }
0x28: {  	s14 =	simm.s32 @!p0 $0x0  }
0x29: {  	s15 =	smul.u32 $0x140, s14  }
0x2a: {  	_ =	swait.ge [sflag:s7], $0x50  }
0x2b: {  	[sflag:s7] =	ssyncset.done $0x0;
	s16 =	sshrl.u32 s15, $0x2  }
0x2c: {  	[sflag:s7] =	ssyncadd.s32 $0xFFFFFFB0;
	s15 =	sadd.s32 $0x0, s16  }
0x2d: {  	v0 =	vld.msk [tilespmem:s15+$0x0 ss:$0x1], $0xffff;
	_ =	sdelay $0x4  }
0x2e: {  	vm2 =	vgt.s32 v0, $0x0  }
0x2f: {  	v0 =	vnsel vm2, $0x0, v0  }
0x30: {  	v0 =	vmin.u32 v0, $0x1869F  }
0x31: {  	v0 =	vshll.u32 v0, $0x4  }
0x32: {  	s14 =	smul.u32 $0xA000, s14;
	_ =	sdelay $0x1  }
0x33: {  	s14 =	sshrl.u32 s14, $0x2  }
0x34: {  	s14 =	sor.u32 $0xA0, s14  }
0x35: {  	[tilespmem:s14], [sflag:$0x1] =	stream.indirect_vreg.gather [hbm:s4], $0x80, v0, vm0, $0x38;
	[tilespmem:$0x50A0] =	vst v63  }
0x36: {  	s17 =	sadd.s32 $0x10, s16;
	s15 =	sadd.s32 $0x400, s14  }
0x37: {  	[tilespmem:s15], [sflag:$0x1] =	stream.indirect_vreg.gather [hbm:s4], $0x80, v0, vm1, $0x38;
	[tilespmem:$0x50A0] =	vst v63  }
0x38: {  	s18 =	simm.s32 $0x80;
	v0 =	vld.msk [tilespmem:s17+$0x0 ss:$0x1], $0xffff;
	s17 =	smov.u32 s14  }
.LBB2_3:
0x39: {  	p1 =	sne.s32 s18, $0x100;
	_ =	sdelay $0x4  }
0x3a: {  	vm2 =	vgt.s32 v0, $0x0  }
0x3b: {  	v0 =	vnsel vm2, $0x0, v0  }
0x3c: {  	v0 =	vmin.u32 v0, $0x1869F  }
0x3d: {  	v0 =	vshll.u32 v0, $0x4;
	_ =	sdelay $0x3  }
.Ltmp3:
0x3e: {  	s19 =	sshra.s32 s18, $0x2;
	s17 =	sadd.s32 $0x800, s17;
	(pc) =	sbr.rel @p1 .LBB2_3-.Ltmp3, $4  }
0x3f: {  	[tilespmem:s17], [sflag:$0x1] =	stream.indirect_vreg.gather [hbm:s4], $0x80, v0, vm0, $0x38;
	[tilespmem:$0x50A0] =	vst v63  }
0x40: {  	s19 =	sadd.s32 s19, s16;
	s20 =	sadd.s32 $0x400, s17  }
0x41: {  	[tilespmem:s20], [sflag:$0x1] =	stream.indirect_vreg.gather [hbm:s4], $0x80, v0, vm1, $0x38;
	[tilespmem:$0x50A0] =	vst v63  }
0x42: {  	s18 =	sadd.s32 $0x40, s18;
	v0 =	vld.msk [tilespmem:s19+$0x0 ss:$0x1], $0xffff  }
0x43: {  	_ =	sdelay $0x3  }
0x44: {  	vm2 =	vgt.s32 v0, $0x0  }
0x45: {  	v0 =	vnsel vm2, $0x0, v0  }
0x46: {  	v0 =	vmin.u32 v0, $0x1869F  }
0x47: {  	v0 =	vshll.u32 v0, $0x4;
	_ =	sdelay $0x3  }
0x48: {  	s16 =	sadd.s32 $0x800, s17  }
0x49: {  	[tilespmem:s16], [sflag:$0x1] =	stream.indirect_vreg.gather [hbm:s4], $0x80, v0, vm0, $0x38;
	[tilespmem:$0x50A0] =	vst v63  }
0x4a: {  	s16 =	sadd.s32 $0x400, s16  }
0x4b: {  	[tilespmem:s16], [sflag:$0x1] =	stream.indirect_vreg.gather [hbm:s4], $0x80, v0, vm1, $0x38;
	[tilespmem:$0x50A0] =	vst v63  }
0x4c: {  	s13 =	sshll.u32 s13, $0x4;
	_ =	swait.ge [sflag:s6], $0x2800  }
0x4d: {  	s13 =	sadd.s32 s13, s9;
	[sflag:s6] =	ssyncset.done $0x0  }
0x4e: {  	s17 =	sadd.s32 $0x0, s13;
	s16 =	simm.s32 $0x80;
	[sflag:s6] =	ssyncadd.s32 $0xFFFFD800  }
.LBB2_5:
0x4f: {  	[hbm:s17] =	stream.linear.scatter [tilespmem:s14], [sflag:$0x3], $0x400, $0x38;
	[tilespmem:$0x50A0] =	vst v63  }
0x50: {  	s17 =	smov.u32 s16;
	s14 =	smov.u32 s15;
	p1 =	sne.s32 s16, $0x480  }
.Ltmp4:
0x51: {  	s16 =	sadd.s32 $0x80, s16;
	(pc) =	sbr.rel @p1 .LBB2_5-.Ltmp4, $2  }
0x52: {  	_ =	sdelay $0x2  }
0x53: {  	s15 =	sadd.s32 $0x400, s15;
	s17 =	sadd.s32 s17, s13  }
.Ltmp5:
0x54: {  	_ = 	snop;
	(pc) =	sbr.rel .LBB2_6-.Ltmp5, $1  }
0x55: {  	_ =	sdelay $0x3  }
.LBB2_8:
0x56: {  	_ =	sfence.sel $0x180000  }
0x57: {  	s2 =	simm.s32 $0x2;
	[bflag:$0x0] =	sbarrier.arrive $0xFFFF  }
0x58: {  	s30 =	simm.s32 $0x3;
	[sflag:s2] =	ssyncpa.u1 $0x1  }
0x59: {  	s31 =	simm.s32 $0x1;
	[sflag:s30] =	ssyncpa.u1 $0x1  }
0x5a: {  	[sflag:s31] =	ssyncpa.u1 $0x1  }
0x5b: {  	p0 =	sne.s32 s0, $0x0;
	_ =	strace $0x9000004A  }
0x5c: {  	s0 =	sadd.s32 @!p0 $0x100000, s1;
	[bflag:$0x2] =	sbarrier.arrive $0xFFFF  }
0x5d: {  	[sflag:s0] =	ssyncadd.tile.s32 @!p0 $0x1;
	_ =	shalt  }
.Lfunc_end2:
_tile_overlayer_lowered:
.L_overlay_start_2:
0x5e: {  	(tag) =	ssettag $0x2  }
0x5f: {  	s0 =	rddreg [dreg:$0x0];
	s2 =	stileid.u32  }
0x60: {  	s1 =	rddreg [dreg:$0x1];
	p0 =	sne.s32 s2, $0x0  }
0x61: {  	s3 =	rddreg [dreg:$0x2];
	[bflag:$0x3] =	sbarrier.arrive $0xFFFF;
	s2 =	simm.s32 @!p0 $0x1C01  }
0x62: {  	[timem:s3], [sflag:s2] =	dma.local @!p0 [hbm:s0], s1  }
0x63: {  	s0 =	simm.s32 @!p0 $0x1  }
0x64: {  	_ =	swait.ge @!p0 [sflag:s0], s1  }
0x65: {  	s1 =	ssub.s32 @!p0 $0x0, s1;
	[sflag:s0] =	ssyncset.done @!p0 $0x0  }
0x66: {  	[sflag:s0] =	ssyncadd.s32 @!p0 s1  }
0x67: {  	[bflag:$0x3] =	sbarrier.arrive $0xFFFF  }
0x68: {  	_ =	shalt  }

// kernel: kernel.4.cloned.1.call-start
scs
__scs_entry_jumppad:
0x0: {  	(pc) =	sbr.rel $0x88, $3  }
0x1: {  	(tag) =	ssettag $0x0;
	lr =	simm.s32 $0x1  }
0x2: {  	[smem:$0x3F9C] =	sst lr;
	_ =	strace $0xD0000000  }
0x3: {  	_ = 	snop  }
0x4: {  	_ = 	snop  }
0x5: {  	_ = 	snop  }
0x6: {  	_ = 	snop  }
0x7: {  	_ = 	snop  }
__scs_overlays_trampoline_lowered:
0x8: {  	[smem:$0x3FAB] =	sst s0  }
0x9: {  	[smem:$0x3FAC] =	sst s1  }
0xa: {  	[smem:$0x3FAD] =	sst s2  }
0xb: {  	[smem:$0x3FAE] =	sst s3  }
0xc: {  	[smem:$0x3FAF] =	sst s4  }
0xd: {  	[smem:$0x3FB0] =	sst s5  }
0xe: {  	[smem:$0x3FB1] =	sst s6  }
0xf: {  	[smem:$0x3FB2] =	sst s7  }
0x10: {  	[smem:$0x3FB3] =	sst s8  }
0x11: {  	[smem:$0x3FB4] =	sst s9;
	s0 =	simm.s32 @!p0 $0x0  }
0x12: {  	s1 =	sld [smem:$0x3F9A];
	s0 =	simm.s32 @p0 $0x1  }
0x13: {  	[smem:$0x3FB5] =	sst s0;
	s0 =	simm.s32 @!p1 $0x0  }
0x14: {  	s2 =	sld [smem:$0x3F99];
	s0 =	simm.s32 @p1 $0x1  }
0x15: {  	[smem:$0x3FB6] =	sst s0;
	s0 =	simm.s32 @!p2 $0x0  }
0x16: {  	s3 =	sld [smem:$0x3FDB];
	s0 =	simm.s32 @p2 $0x1  }
0x17: {  	s4 =	simm.s32 $0x1BF5;
	[smem:$0x3FB8] =	sst s0  }
0x18: {  	s0 =	sld [smem:$0x3F9B];
	_ =	swait.ge [sflag:s4], $0x0  }
0x19: {  	s7 =	sld [smem:$0x3F9C]  }
0x1a: {  	s8 =	sadd.s32 $0xFFFFE003, lr  }
0x1b: {  	s9 =	sadd.s32 $0xFFFFFEF7, lr;
	s5 =	simm.s32 $0xFFFFFFFF;
	p2 =	slt.u32 s8, $0xFFFFF086  }
0x1c: {  	p1 =	slt.u32 s9, $0xF7A;
	s5 =	simm.s32 @!p2 $0x0  }
0x1d: {  	s5 =	simm.s32 @p1 $0x1;
	p0 =	seq.s32 s7, s2  }
0x1e: {  	s7 =	smul.u32 @!p0 $0xF7A, s2;
	p2 =	seq.s32 @!p0 s5, $0x0  }
0x1f: {  	s9 =	smul.u32 $0xF7A, s1;
	s8 =	simm.s32 @!p0 $0x1BF5;
	p2 =	por !p2, p0  }
0x20: {  	[sflag:s8] =	ssyncset.s32 @!p0 $0xFFFFF086;
	s6 =	sadd.s32 @!p0 s3, s7;
	s7 =	simm.s32 @!p0 $0x108  }
0x21: {  	s3 =	sadd.s32 s3, s9;
	s6 =	sadd.s32 @!p0 $0x88, s6;
	s7 =	simm.s32 @p2 $0x1082  }
0x22: {  	[simem:s7], [sflag:s8] =	dma.local @!p0 [hbm:s6], $0xF7A  }
0x23: {  	s9 =	sor.u32 $0xD0000000, s2;
	s6 =	simm.s32 $0x108;
	_ =	swait.ge @!p0 [sflag:s8], $0x0  }
0x24: {  	s3 =	sadd.s32 $0x88, s3;
	s6 =	simm.s32 @!p1 $0x1082;
	[sflag:s4] =	ssyncset.s32 $0xFFFFF086  }
0x25: {  	[simem:s6], [sflag:s4] =	dma.local [hbm:s3], $0xF7A  }
0x26: {  	[smem:$0x3F9C] =	sst s1;
	(tag) =	ssettag s2;
	_ =	strace s9  }
0x27: {  	s1 =	sld [smem:$0x3FAC]  }
0x28: {  	s2 =	sld [smem:$0x3FAD]  }
0x29: {  	s4 =	sld [smem:$0x3FAF]  }
0x2a: {  	p0 =	seq.s32 s5, $0x0;
	s5 =	sld [smem:$0x3FB0]  }
0x2b: {  	s6 =	sld [smem:$0x3FB1]  }
0x2c: {  	s7 =	sld [smem:$0x3FB2]  }
0x2d: {  	s3 =	simm.s32 $0x108;
	s8 =	sld [smem:$0x3FB3]  }
0x2e: {  	s3 =	simm.s32 @!p0 $0x1082;
	s9 =	sld [smem:$0x3FB4]  }
0x2f: {  	lr =	sadd.s32 s0, s3;
	s0 =	sld [smem:$0x3FAB]  }
0x30: {  	s3 =	sld [smem:$0x3FAE]  }
0x31: {  	[smem:$0x3FB7] =	sst s10  }
0x32: {  	s10 =	sld [smem:$0x3FB5];
	_ =	sdelay $0x3  }
0x33: {  	p0 =	seq.s32 s10, $0x1;
	s10 =	sld [smem:$0x3FB7];
	_ =	sdelay $0x3  }
0x34: {  	[smem:$0x3FB7] =	sst s10  }
0x35: {  	s10 =	sld [smem:$0x3FB6];
	_ =	sdelay $0x3  }
0x36: {  	p1 =	seq.s32 s10, $0x1;
	s10 =	sld [smem:$0x3FB7];
	_ =	sdelay $0x3  }
0x37: {  	[smem:$0x3FB7] =	sst s10  }
0x38: {  	s10 =	sld [smem:$0x3FB8]  }
0x39: {  	_ = 	snop;
	(pc) =	sbr.ind lr, $3  }
0x3a: {  	_ = 	snop  }
0x3b: {  	_ = 	snop  }
0x3c: {  	p2 =	seq.s32 s10, $0x1;
	s10 =	sld [smem:$0x3FB7]  }
0x3d: {  	_ =	shalt  }
0x3e: {  	_ =	shalt  }
0x3f: {  	_ =	shalt  }
0x40: {  	_ =	shalt  }
0x41: {  	_ =	shalt  }
0x42: {  	_ =	shalt  }
0x43: {  	_ =	shalt  }
0x44: {  	_ =	shalt  }
0x45: {  	_ =	shalt  }
0x46: {  	_ =	shalt  }
0x47: {  	_ =	shalt  }
0x48: {  	_ =	shalt  }
0x49: {  	_ =	shalt  }
0x4a: {  	_ =	shalt  }
0x4b: {  	_ =	shalt  }
0x4c: {  	_ =	shalt  }
0x4d: {  	_ =	shalt  }
0x4e: {  	_ =	shalt  }
0x4f: {  	_ =	shalt  }
0x50: {  	_ =	shalt  }
0x51: {  	_ =	shalt  }
0x52: {  	_ =	shalt  }
0x53: {  	_ =	shalt  }
0x54: {  	_ =	shalt  }
0x55: {  	_ =	shalt  }
0x56: {  	_ =	shalt  }
0x57: {  	_ =	shalt  }
0x58: {  	_ =	shalt  }
0x59: {  	_ =	shalt  }
0x5a: {  	_ =	shalt  }
0x5b: {  	_ =	shalt  }
0x5c: {  	_ =	shalt  }
0x5d: {  	_ =	shalt  }
0x5e: {  	_ =	shalt  }
0x5f: {  	_ =	shalt  }
0x60: {  	_ =	shalt  }
0x61: {  	_ =	shalt  }
0x62: {  	_ =	shalt  }
0x63: {  	_ =	shalt  }
0x64: {  	_ =	shalt  }
0x65: {  	_ =	shalt  }
0x66: {  	_ =	shalt  }
0x67: {  	_ =	shalt  }
0x68: {  	_ =	shalt  }
0x69: {  	_ =	shalt  }
0x6a: {  	_ =	shalt  }
0x6b: {  	_ =	shalt  }
0x6c: {  	_ =	shalt  }
0x6d: {  	_ =	shalt  }
0x6e: {  	_ =	shalt  }
0x6f: {  	_ =	shalt  }
0x70: {  	_ =	shalt  }
0x71: {  	_ =	shalt  }
0x72: {  	_ =	shalt  }
0x73: {  	_ =	shalt  }
0x74: {  	_ =	shalt  }
0x75: {  	_ =	shalt  }
0x76: {  	_ =	shalt  }
0x77: {  	_ =	shalt  }
0x78: {  	_ =	shalt  }
0x79: {  	_ =	shalt  }
0x7a: {  	_ =	shalt  }
0x7b: {  	_ =	shalt  }
0x7c: {  	_ =	shalt  }
0x7d: {  	_ =	shalt  }
0x7e: {  	_ =	shalt  }
0x7f: {  	_ =	shalt  }
0x80: {  	_ =	shalt  }
0x81: {  	_ =	shalt  }
0x82: {  	_ =	shalt  }
0x83: {  	_ =	shalt  }
0x84: {  	_ =	shalt  }
0x85: {  	_ =	shalt  }
0x86: {  	_ =	shalt  }
0x87: {  	_ =	shalt  }
.Lfunc_end0:
.L_simem_size_0:
called_computation.2_lowered:
.L_overlay_start_0:
0x88: {  	s2 =	sld [smem:$0x3FD9]  }
0x89: {  	s3 =	sld [smem:$0x3FFE];
	_ =	sdelay $0x1  }
0x8a: {  	s1 =	srdreg.scid  }
0x8b: {  	s0 =	sand.u32 $0x1, s1  }
0x8c: {  	s17 =	sshll.u32 s0, $0xA;
	s2 =	sadd.s32 s3, s2  }
0x8d: {  	s2 =	sadd.s32 s2, s17  }
0x8e: {  	[smem:$0x3FC3] =	sst s2  }
0x8f: {  	_ = 	snop  }
0x90: {  	s5 =	sld [smem:$0x3FC9]  }
0x91: {  	s18 =	sld [smem:$0x3FC7]  }
0x92: {  	s4 =	sld [smem:$0x3FC6]  }
0x93: {  	s6 =	sld [smem:$0x3FC5];
	(tm) =	ssettm $0x1  }
0x94: {  	s19 =	sld [smem:$0x3FFB];
	_ =	sdelay $0x3  }
0x95: {  	_ =	strace s19  }
0x96: {  	s2 =	sld [smem:$0x3FFC];
	_ =	sdelay $0x3  }
0x97: {  	_ =	strace s2  }
0x98: {  	s2 =	sld [smem:$0x3FFD];
	_ =	sdelay $0x3  }
0x99: {  	_ =	strace s2  }
0x9a: {  	_ =	strace $0x8FFFFFFF  }
0x9b: {  	s20 =	sld [smem:$0x3FDB];
	_ =	sdelay $0x1  }
0x9c: {  	s7 =	simm.s32 $_scs_section_size  }
0x9d: {  	s8 =	simm.s32 $_size__tile_overlayer_lowered;
	s9 =	simm.s32 $_tile_overlayer_lowered  }
0x9e: {  	s10 =	simm.s32 $0x1BFF;
	s21 =	sshll.u32 s9, $0x1;
	s7 =	sadd.s32 s7, s20  }
0x9f: {  	s22 =	simm.s32 $0x0;
	s8 =	sshll.u32 s8, $0x1;
	s9 =	sadd.s32 s21, s7  }
0xa0: {  	[timem:s22], [sflag:s10] =	dma.local [hbm:s9], s8  }
0xa1: {  	_ =	swait.ge [sflag:s10], s8  }
0xa2: {  	s8 =	ssub.s32 $0x0, s8;
	[sflag:s10] =	ssyncset.done $0x0  }
0xa3: {  	[sflag:s10] =	ssyncadd.s32 s8;
	_ =	sdelay $0x1  }
0xa4: {  	s23 =	simm.s32 $0x1B8B  }
0xa5: {  	_ =	swait.ge [sflag:s23], $0x1  }
0xa6: {  	[sflag:s23] =	ssyncset.done $0x0  }
0xa7: {  	[sflag:s23] =	ssyncadd.s32 $0xFFFFFFFF  }
0xa8: {  	s8 =	sld [smem:$0x0]  }
0xa9: {  	s9 =	sand.u32 $0xFFFFFFFE, s1  }
0xaa: {  	p0 =	sne.s32 s1, s9  }
0xab: {  	s9 =	sshll.u32 @p0 s9, $0xE  }
0xac: {  	s9 =	sadd.s32 @p0 $0x11B8D, s9;
	s10 =	sshll.u32 @p0 s8, $0x11  }
0xad: {  	s9 =	sor.u32 @p0 s10, s9  }
0xae: {  	[sflag:s9] =	ssyncadd.remote.s32 @p0 $0x1;
	_ =	sdelay $0x1  }
0xaf: {  	s9 =	simm.s32 @p0 $0x1B8D  }
0xb0: {  	_ =	swait.eq @p0 [sflag:s9], $0x1  }
0xb1: {  	[sflag:s9] =	ssyncadd.s32 @p0 $0xFFFFFFFF  }
0xb2: {  	s10 =	sshll.u32 @!p0 s1, $0xE  }
0xb3: {  	s10 =	sor.u32 @!p0 $0x4000, s10;
	s9 =	simm.s32 @!p0 $0x1B8D  }
0xb4: {  	s8 =	sshll.u32 @!p0 s8, $0x11;
	s10 =	sadd.s32 @!p0 $0x11B8D, s10;
	_ =	swait.eq @!p0 [sflag:s9], $0x1  }
0xb5: {  	s8 =	sor.u32 @!p0 s8, s10;
	[sflag:s9] =	ssyncadd.s32 @!p0 $0xFFFFFFFF  }
0xb6: {  	s25 =	simm.s32 $0x1B8E;
	s24 =	sld [smem:$0x3FFE];
	[sflag:s8] =	ssyncadd.remote.s32 @!p0 $0x1  }
0xb7: {  	s26 =	simm.s32 $execute0_lowered;
	[smem:$0x3FD2] =	sst s25  }
0xb8: {  	s9 =	sshll.u32 s26, $0x1;
	_ =	strace $0x8000004C;
	[dreg:$0x1] =	wrdreg $0xFFFFFFFF  }
0xb9: {  	s28 =	simm.s32 $_size_execute0_lowered;
	s7 =	sadd.s32 s7, s9;
	[dreg:$0x0] =	wrdreg $0x0  }
0xba: {  	s9 =	sshll.u32 s28, $0x1;
	[dreg:$0x2] =	wrdreg s7  }
0xbb: {  	[dreg:$0x3] =	wrdreg s9  }
0xbc: {  	[dreg:$0x4] =	wrdreg $0xC0  }
0xbd: {  	_ =	task [dreg:s22], $0x5FFFF  }
0xbe: {  	[dreg:$0x1] =	wrdreg $0xFFFFFFFF  }
0xbf: {  	[dreg:$0x0] =	wrdreg $0x60  }
0xc0: {  	[dreg:$0x2] =	wrdreg s5  }
0xc1: {  	[dreg:$0x3] =	wrdreg s6  }
0xc2: {  	[dreg:$0x4] =	wrdreg s18  }
0xc3: {  	[dreg:$0x5] =	wrdreg s4  }
0xc4: {  	[dreg:$0x6] =	wrdreg s24  }
0xc5: {  	[dreg:$0x7] =	wrdreg $0xB  }
0xc6: {  	_ =	task.clear_ibuf [dreg:s22], $0x8FFFF;
	_ =	strace $0x9000004C  }
0xc7: {  	s29 =	simm.s32 $0xB;
	_ =	strace $0x8000004E  }
0xc8: {  	_ =	swait.ge [sflag:s29], $0x1  }
0xc9: {  	[sflag:s29] =	ssyncadd.s32 $0xFFFFFFFF  }
0xca: {  	_ =	strace $0x9000004E  }
0xcb: {  	_ =	sfence  }
0xcc: {  	s30 =	sld [smem:$0x0];
	_ =	sdelay $0x2  }
0xcd: {  	s31 =	sshll.u32 s1, $0xD;
	s1 =	sshrl.u32 s1, $0x2  }
0xce: {  	s4 =	sand.u32 $0x4000, s31;
	s1 =	sadd.s32 s1, s30  }
0xcf: {  	s0 =	sor.u32 s4, s0;
	s1 =	sshll.u32 s1, $0x11  }
0xd0: {  	s0 =	sor.u32 s1, s0  }
0xd1: {  	s0 =	sadd.s32 $0x8F2B, s0  }
0xd2: {  	[sflag:s0] =	ssyncadd.remote.s32 $0x1  }
0xd3: {  	_ =	sfence.sel $0xFFFF  }
0xd4: {  	[dreg:$0x0] =	wrdreg $0xFFFFFFFF;
	(pc) =	sbr.abs _section_cstart, $3  }
0xd5: {  	[dreg:$0x1] =	wrdreg $0xFFFFFFFF  }
0xd6: {  	_ =	task.clear_ibuf [dreg:s22], $0x2FFFF;
	_ =	strace $0x9FFFFFFF  }
0xd7: {  	(tm) =	ssettm $0x7FFFFFFF  }
tec
execute0_lowered:
.L_overlay_start_1:
0x0: {  	(tag) =	ssettag $0x1  }
0x1: {  	s3 =	rddreg [dreg:$0x2]  }
0x2: {  	s5 =	rddreg [dreg:$0x3]  }
0x3: {  	s0 =	rddreg [dreg:$0x4]  }
0x4: {  	s1 =	srdreg.scid;
	s2 =	stileid.u32  }
0x5: {  	s6 =	simm.s32 $0x0;
	s14 =	simm.s32 $0x186A0;
	s15 =	simm.s32 $0x4  }
0x6: {  	s18 =	simm.s32 $0x19640;
	s19 =	simm.s32 $0x1A5E0;
	s20 =	simm.s32 $0x3  }
0x7: {  	s21 =	simm.s32 $0x1B580;
	s22 =	simm.s32 $0x1C520;
	s23 =	simm.s32 $0x1D4C0  }
0x8: {  	s24 =	simm.s32 $0x1D540;
	s1 =	sand.u32 $0x1, s1;
	s2 =	sshll.u32 s2, $0x1  }
0x9: {  	s25 =	simm.s32 $0x2;
	s26 =	simm.s32 $0x1D5C0;
	s2 =	sor.u32 s1, s2  }
0xa: {  	v0 =	vlaneseq.u32;
	s28 =	simm.s32 $0x0;
	[smem:$0x7FF] =	sst s6;
	s4 =	smul.u32 $0x186A0, s2  }
.Ltmp0:
0xb: {  	s7 =	sadd.s32 $0x18F200, s0;
	v0 =	vmul.u32 $0x8, v0;
	s1 =	ssub.s32 $0x2, s1;
	(pc) =	sbr.rel .LBB2_1-.Ltmp0, $4  }
0xc: {  	v1 =	vimm.f32 $-2.000000030e+30;
	_ =	strace $0x8000004D;
	s2 =	sshll.u32 s2, $0x1;
	s31 =	sshrl.u32 s1, $0x1  }
0xd: {  	v2 =	vimm.f32 $0.0e+00;
	vm0 =	vmmov $0xffff;
	v3 =	vor.u32 $0x1, v0;
	s0 =	sadd.s32 s2, s0;
	s1 =	ssub.s32 s1, s31;
	s9 =	sshrl.u32 s4, $0x3  }
0xe: {  	v4 =	vor.u32 $0x2, v0;
	v5 =	vor.u32 $0x3, v0;
	v6 =	vor.u32 $0x4, v0;
	s10 =	sadd.s32 $0xFA0, s4;
	s11 =	sadd.s32 $0x1F40, s4;
	s12 =	sadd.s32 $0x1A7A00, s0  }
0xf: {  	v7 =	vor.u32 $0x5, v0;
	v8 =	vor.u32 $0x6, v0;
	v9 =	vor.u32 $0x7, v0;
	s13 =	smax.u32 s1, $0x1;
	s8 =	sadd.s32 s3, s9;
	s9 =	sadd.s32 s5, s9  }
.LBB2_31:
0x10: {  	v10 =	vadd.f32 v11, v14;
	v11 =	vadd.f32 v13, v12  }
0x11: {  	v63 =	vld [tilespmem:$0x1D5C0]  }
0x12: {  	v10 =	vadd.f32 v11, v10;
	_ =	sdelay $0x1  }
0x13: {  	v10 =	vadd.f32 v10, v62;
	_ =	sdelay $0x1  }
0x14: {  	s28 =	sadd.s32 $0x1, s28;
	v10 =	vadd.f32 v63, v10  }
0x15: {  	p0 =	sne.s32 s28, s13  }
.Ltmp1:
0x16: {  	[tilespmem:$0x1D5C0] =	vst v10;
	(pc) =	sbr.rel @!p0 .LBB2_32-.Ltmp1, $4  }
0x17: {  	[hbm4b:s12+s6] =	stream.linear.scatter [tilespmem:s26], [sflag:$0x4], $0x10, $0x38;
	[tilespmem:$0x1D5D0] =	vst v63  }
0x18: {  	_ =	swait.ge [sflag:s15], $0x10  }
0x19: {  	[sflag:s15] =	ssyncset.done $0x0  }
0x1a: {  	[sflag:s15] =	ssyncadd.s32 $0xFFFFFFF0  }
.LBB2_1:
0x1b: {  	s0 =	rddreg [dreg:$0x1]  }
0x1c: {  	[tilespmem:s14], [sflag:$0x4] =	stream.linear.gather [hbm4b:s0+s6], $0x7D0, $0x38;
	[tilespmem:$0x1D5D0] =	vst v63  }
0x1d: {  	_ =	swait.ge [sflag:s15], $0x7D0  }
0x1e: {  	[sflag:s15] =	ssyncset.done $0x0  }
0x1f: {  	[sflag:s15] =	ssyncadd.s32 $0xFFFFF830  }
0x20: {  	s1 =	simm.s32 $0x7D0;
	s2 =	simm.s32 $0x18E70;
	s31 =	rddreg [dreg:$0x0]  }
0x21: {  	[tilespmem:s2], [sflag:$0x3] =	stream.indirect.gather [hbm4b:s31+s1], $0x1, s14, s1, $0xb8;
	[tilespmem:$0x1D5D0] =	vst v63  }
0x22: {  	_ = 	snop  }
0x23: {  	[tilespmem:s18], [sflag:$0x1] =	stream.linear.gather [hbm4b:s8+s6], $0xFA0, $0x38;
	[tilespmem:$0x1D5D0] =	vst v63  }
0x24: {  	s0 =	simm.s32 $0x0;
	s1 =	simm.s32 $0x280  }
0x25: {  	[tilespmem:s19], [sflag:$0x1] =	stream.linear.gather [hbm4b:s9+s6], $0xFA0, $0x38;
	[tilespmem:$0x1D5D0] =	vst v63  }
.LBB2_2:
0x26: {  	p0 =	sne.s32 s1, $0x61800;
	[tilespmem:s0+$0x90] =	vst v1  }
0x27: {  	[tilespmem:s0+$0x0] =	vst v1  }
0x28: {  	[tilespmem:s0+$0x10] =	vst v1  }
0x29: {  	[tilespmem:s0+$0x20] =	vst v1  }
0x2a: {  	[tilespmem:s0+$0x30] =	vst v1  }
.Ltmp2:
0x2b: {  	[tilespmem:s0+$0x40] =	vst v1;
	(pc) =	sbr.rel @p0 .LBB2_2-.Ltmp2, $4  }
0x2c: {  	[tilespmem:s0+$0x50] =	vst v1  }
0x2d: {  	[tilespmem:s0+$0x60] =	vst v1  }
0x2e: {  	[tilespmem:s0+$0x70] =	vst v1  }
0x2f: {  	[tilespmem:s0+$0x80] =	vst v1;
	s0 =	sshra.s32 s1, $0x2;
	s1 =	sadd.s32 $0x280, s1  }
0x30: {  	[tilespmem:s0+$0x90] =	vst v1  }
0x31: {  	[tilespmem:s0+$0x0] =	vst v1  }
0x32: {  	[tilespmem:s0+$0x10] =	vst v1  }
0x33: {  	[tilespmem:s0+$0x20] =	vst v1  }
0x34: {  	[tilespmem:s0+$0x30] =	vst v1  }
0x35: {  	[tilespmem:s0+$0x40] =	vst v1  }
0x36: {  	[tilespmem:s0+$0x50] =	vst v1  }
0x37: {  	[tilespmem:s0+$0x60] =	vst v1  }
0x38: {  	[tilespmem:s0+$0x70] =	vst v1  }
0x39: {  	[tilespmem:s0+$0x80] =	vst v1  }
0x3a: {  	_ =	swait.ge [sflag:s20], $0x7D0  }
0x3b: {  	[sflag:s20] =	ssyncset.done $0x0  }
0x3c: {  	s1 =	simm.s32 $0x0;
	s0 =	simm.s32 $0x40;
	[sflag:s20] =	ssyncadd.s32 $0xFFFFF830  }
.LBB2_4:
0x3d: {  	p0 =	sne.s32 s0, $0x1F00;
	v10 =	vld [tilespmem:s1+$0x186A0];
	_ =	sdelay $0x2  }
0x3e: {  	v11 =	vld [tilespmem:s1+$0x18E70]  }
.Ltmp3:
0x3f: {  	(pc) =	sbr.rel @p0 .LBB2_4-.Ltmp3, $2  }
0x40: {  	_ =	sdelay $0x2  }
0x41: {  	s1 =	sshra.s32 s0, $0x2;
	s0 =	sadd.s32 $0x40, s0;
	[tilespmem:v10+s6+$0x0] =	vst.idx.msk $0xffff, v11  }
0x42: {  	v10 =	vld [tilespmem:s1+$0x186A0];
	_ =	sdelay $0x2  }
0x43: {  	v11 =	vld [tilespmem:s1+$0x18E70];
	_ =	sdelay $0x1  }
.Ltmp4:
0x44: {  	_ = 	snop;
	(pc) =	sbr.rel .LBB2_6-.Ltmp4, $3  }
0x45: {  	_ =	sdelay $0x1  }
0x46: {  	[tilespmem:v10+s6+$0x0] =	vst.idx.msk $0xffff, v11;
	v10 =	vimm.f32 $0.0e+00  }
0x47: {  	s29 =	simm.s32 $0x0;
	v62 =	vimm.f32 $0.0e+00;
	s30 =	simm.s32 $0x0;
	[tilespmem:$0x1D5C0] =	vst v10  }
.LBB2_22:
0x48: {  	v10 =	vld [tilespmem:$0x1FFC0]  }
0x49: {  	v11 =	vld [tilespmem:$0x1FFD0]  }
0x4a: {  	v12 =	vld [tilespmem:$0x1FFE0];
	_ =	sdelay $0x4  }
0x4b: {  	s30 =	sadd.s32 $0x1, s30;
	v10 =	vadd.f32 v10, v15;
	v11 =	vadd.f32 v12, v11  }
0x4c: {  	v63 =	vadd.f32 v18, v17;
	p0 =	sne.s32 s30, $0xC  }
.Ltmp5:
0x4d: {  	v10 =	vadd.f32 v11, v10;
	v11 =	vadd.f32 v16, v19;
	(pc) =	sbr.rel @!p0 .LBB2_23-.Ltmp5, $3  }
0x4e: {  	_ = 	snop  }
0x4f: {  	v10 =	vadd.f32 v10, v24;
	v11 =	vadd.f32 v63, v11;
	_ =	sdelay $0x1  }
0x50: {  	v62 =	vadd.f32 v11, v10  }
.LBB2_6:
0x51: {  	_ = 	snop  }
0x52: {  	s0 =	simm.s32 $0x1;
	[tilespmem:$0x1FFF0] =	vst v62  }
0x53: {  	_ =	swait.ge [sflag:s0], $0xFA0  }
0x54: {  	s31 =	smul.u32 $0x1F40, s30;
	[sflag:s0] =	ssyncset.done $0x0  }
0x55: {  	[sflag:s0] =	ssyncadd.s32 $0xFFFFF060  }
0x56: {  	s1 =	sadd.s32 s31, s10;
	_ =	swait.ge [sflag:s0], $0xFA0  }
0x57: {  	s1 =	sshrl.u32 s1, $0x3;
	[sflag:s0] =	ssyncset.done $0x0  }
0x58: {  	s2 =	sadd.s32 s3, s1;
	[sflag:s0] =	ssyncadd.s32 $0xFFFFF060  }
0x59: {  	[tilespmem:s21], [sflag:$0x2] =	stream.linear.gather [hbm4b:s2+s6], $0xFA0, $0x38;
	[tilespmem:$0x1D5D0] =	vst v63  }
0x5a: {  	s16 =	simm.s32 $0x19690;
	s1 =	sadd.s32 s5, s1  }
0x5b: {  	[tilespmem:s22], [sflag:$0x2] =	stream.linear.gather [hbm4b:s1+s6], $0xFA0, $0x38;
	[tilespmem:$0x1D5D0] =	vst v63  }
0x5c: {  	s17 =	simm.s32 $0x1A630;
	v12 =	vld [tilespmem:s16+$0xFFFFFFC0]  }
0x5d: {  	v13 =	vld [tilespmem:s17+$0xFFFFFFC0]  }
0x5e: {  	v14 =	vld [tilespmem:s16+$0xFFFFFFD0]  }
0x5f: {  	v15 =	vld [tilespmem:s17+$0xFFFFFFD0]  }
0x60: {  	v16 =	vld [tilespmem:s16+$0xFFFFFFE0]  }
0x61: {  	v17 =	vld [tilespmem:s17+$0xFFFFFFE0]  }
0x62: {  	v18 =	vld [tilespmem:s16+$0xFFFFFFF0]  }
0x63: {  	v19 =	vld [tilespmem:s17+$0xFFFFFFF0]  }
0x64: {  	v20 =	vld [tilespmem:s16+$0x10]  }
0x65: {  	v21 =	vld [tilespmem:s17+$0x10]  }
0x66: {  	v22 =	vld [tilespmem:s16+$0x20]  }
0x67: {  	v23 =	vld [tilespmem:s17+$0x20]  }
0x68: {  	v24 =	vld [tilespmem:s16+$0x30]  }
0x69: {  	v25 =	vld [tilespmem:s17+$0x30]  }
0x6a: {  	v26 =	vld [tilespmem:s16+$0x40]  }
0x6b: {  	v27 =	vld [tilespmem:s17+$0x40]  }
0x6c: {  	v28 =	vld [tilespmem:s16+$0xFFFFFFB0]  }
0x6d: {  	v29 =	vld [tilespmem:s17+$0xFFFFFFB0]  }
0x6e: {  	v30 =	vld [tilespmem:s16+$0x0]  }
0x6f: {  	s4 =	simm.s32 $0x19730;
	v31 =	vld [tilespmem:s17+$0x0]  }
0x70: {  	v32 =	vld [tilespmem:s4+$0xFFFFFFC0]  }
0x71: {  	v34 =	vld [tilespmem:s4+$0xFFFFFFD0]  }
0x72: {  	v36 =	vld [tilespmem:s4+$0xFFFFFFE0]  }
0x73: {  	v38 =	vld [tilespmem:s4+$0xFFFFFFF0]  }
0x74: {  	v40 =	vld [tilespmem:s4+$0x10]  }
0x75: {  	v42 =	vld [tilespmem:s4+$0x20]  }
0x76: {  	v44 =	vld [tilespmem:s4+$0x30]  }
0x77: {  	v46 =	vld [tilespmem:s4+$0x40]  }
0x78: {  	v48 =	vld [tilespmem:s4+$0xFFFFFFB0]  }
0x79: {  	s16 =	simm.s32 $0x1A6D0;
	v50 =	vld [tilespmem:s4+$0x0]  }
0x7a: {  	v33 =	vld [tilespmem:s16+$0xFFFFFFC0]  }
0x7b: {  	v35 =	vld [tilespmem:s16+$0xFFFFFFD0]  }
0x7c: {  	v37 =	vld [tilespmem:s16+$0xFFFFFFE0]  }
0x7d: {  	v39 =	vld [tilespmem:s16+$0xFFFFFFF0]  }
0x7e: {  	v41 =	vld [tilespmem:s16+$0x10]  }
0x7f: {  	v43 =	vld [tilespmem:s16+$0x20]  }
0x80: {  	v45 =	vld [tilespmem:s16+$0x30]  }
0x81: {  	v47 =	vld [tilespmem:s16+$0x40]  }
0x82: {  	v49 =	vld [tilespmem:s16+$0xFFFFFFB0]  }
0x83: {  	s17 =	simm.s32 $0x197D0;
	v51 =	vld [tilespmem:s16+$0x0]  }
0x84: {  	v53 =	vld [tilespmem:s17+$0xFFFFFFF0]  }
0x85: {  	v55 =	vld [tilespmem:s17+$0x10]  }
0x86: {  	s4 =	simm.s32 $0x1A770;
	v56 =	vld [tilespmem:s17+$0x30]  }
0x87: {  	v57 =	vld [tilespmem:s4+$0x30]  }
0x88: {  	v12 =	vld.idx.msk [tilespmem:v12+s29+$0x0], $0xffff  }
0x89: {  	v13 =	vld.idx.msk [tilespmem:v13+s29+$0x0], $0xffff  }
0x8a: {  	v14 =	vld.idx.msk [tilespmem:v14+s29+$0x0], $0xffff  }
0x8b: {  	v15 =	vld.idx.msk [tilespmem:v15+s29+$0x0], $0xffff  }
0x8c: {  	v16 =	vld.idx.msk [tilespmem:v16+s29+$0x0], $0xffff  }
0x8d: {  	v17 =	vld.idx.msk [tilespmem:v17+s29+$0x0], $0xffff  }
0x8e: {  	v18 =	vld.idx.msk [tilespmem:v18+s29+$0x0], $0xffff  }
0x8f: {  	v19 =	vld.idx.msk [tilespmem:v19+s29+$0x0], $0xffff  }
0x90: {  	v20 =	vld.idx.msk [tilespmem:v20+s29+$0x0], $0xffff  }
0x91: {  	v21 =	vld.idx.msk [tilespmem:v21+s29+$0x0], $0xffff  }
0x92: {  	v22 =	vld.idx.msk [tilespmem:v22+s29+$0x0], $0xffff  }
0x93: {  	v23 =	vld.idx.msk [tilespmem:v23+s29+$0x0], $0xffff  }
0x94: {  	v24 =	vld.idx.msk [tilespmem:v24+s29+$0x0], $0xffff  }
0x95: {  	v25 =	vld.idx.msk [tilespmem:v25+s29+$0x0], $0xffff  }
0x96: {  	v26 =	vld.idx.msk [tilespmem:v26+s29+$0x0], $0xffff  }
0x97: {  	v27 =	vld.idx.msk [tilespmem:v27+s29+$0x0], $0xffff  }
0x98: {  	v28 =	vld.idx.msk [tilespmem:v28+s29+$0x0], $0xffff  }
0x99: {  	v29 =	vld.idx.msk [tilespmem:v29+s29+$0x0], $0xffff  }
0x9a: {  	v30 =	vld.idx.msk [tilespmem:v30+s29+$0x0], $0xffff  }
0x9b: {  	v31 =	vld.idx.msk [tilespmem:v31+s29+$0x0], $0xffff  }
0x9c: {  	v32 =	vld.idx.msk [tilespmem:v32+s29+$0x0], $0xffff  }
0x9d: {  	v44 =	vld.idx.msk [tilespmem:v44+s29+$0x0], $0xffff  }
0x9e: {  	v46 =	vld.idx.msk [tilespmem:v46+s29+$0x0], $0xffff  }
0x9f: {  	v45 =	vld.idx.msk [tilespmem:v45+s29+$0x0], $0xffff  }
0xa0: {  	v47 =	vld.idx.msk [tilespmem:v47+s29+$0x0], $0xffff;
	v12 =	vadd.f32 v13, v12;
	v13 =	vadd.f32 v15, v14  }
0xa1: {  	v34 =	vld.idx.msk [tilespmem:v34+s29+$0x0], $0xffff;
	v15 =	vadd.f32 v17, v16;
	v16 =	vadd.f32 v19, v18  }
0xa2: {  	v36 =	vld.idx.msk [tilespmem:v36+s29+$0x0], $0xffff;
	v19 =	vadd.f32 v21, v20;
	v20 =	vadd.f32 v29, v28  }
0xa3: {  	v38 =	vld.idx.msk [tilespmem:v38+s29+$0x0], $0xffff;
	v22 =	vadd.f32 v23, v22;
	v24 =	vadd.f32 v25, v24  }
0xa4: {  	v10 =	vimm.f32 $0.0e+00;
	v40 =	vld.idx.msk [tilespmem:v40+s29+$0x0], $0xffff;
	v26 =	vadd.f32 v27, v26;
	v27 =	vadd.f32 v31, v30  }
0xa5: {  	v42 =	vld.idx.msk [tilespmem:v42+s29+$0x0], $0xffff;
	v45 =	vadd.f32 v45, v44;
	v46 =	vadd.f32 v47, v46;
	v18 =	vmax.f32 v12, $-4.000000060e+30  }
0xa6: {  	v48 =	vld.idx.msk [tilespmem:v48+s29+$0x0], $0xffff;
	v23 =	vmax.f32 v13, $-4.000000060e+30;
	vm1 =	vgt.f32 v20, $-1.000000020e+30;
	vm2 =	vgt.f32 v19, $-1.000000020e+30  }
0xa7: {  	v50 =	vld.idx.msk [tilespmem:v50+s29+$0x0], $0xffff;
	vm3 =	vgt.f32 v12, $-1.000000020e+30;
	v52 =	vmax.f32 v15, $-4.000000060e+30;
	v54 =	vmax.f32 v27, $-4.000000060e+30  }
0xa8: {  	v33 =	vld.idx.msk [tilespmem:v33+s29+$0x0], $0xffff;
	v63 =	vmax.f32 v22, $-4.000000060e+30;
	v29 =	vnsel vm1, $0x0, v20;
	vm1 =	vgt.f32 v16, $-1.000000020e+30  }
0xa9: {  	v35 =	vld.idx.msk [tilespmem:v35+s29+$0x0], $0xffff;
	v31 =	vnsel vm2, $0x0, v19;
	v20 =	vmax.f32 v20, $-4.000000060e+30;
	v12 =	vnsel vm3, $0x0, v12  }
0xaa: {  	v14 =	vld.idx.msk [tilespmem:v51+s29+$0x0], $0xffff;
	v62 =	vmax.f32 v54, v26;
	v19 =	vmax.f32 v19, $-4.000000060e+30;
	vm2 =	vgt.f32 v13, $-1.000000020e+30  }
0xab: {  	v37 =	vld.idx.msk [tilespmem:v37+s29+$0x0], $0xffff;
	v20 =	vmax.f32 v20, v16;
	v19 =	vmax.f32 v62, v19;
	v16 =	vnsel vm1, $0x0, v16  }
0xac: {  	v39 =	vld.idx.msk [tilespmem:v39+s29+$0x0], $0xffff;
	vm1 =	vgt.f32 v22, $-1.000000020e+30;
	v18 =	vmax.f32 v20, v18;
	v20 =	vmax.f32 v23, v52  }
0xad: {  	v41 =	vld.idx.msk [tilespmem:v41+s29+$0x0], $0xffff;
	v13 =	vnsel vm2, $0x0, v13;
	v18 =	vmax.f32 v18, v20;
	v20 =	vmax.f32 v24, $-4.000000060e+30  }
0xae: {  	v43 =	vld.idx.msk [tilespmem:v43+s29+$0x0], $0xffff;
	v12 =	vadd.f32 v12, v10;
	v13 =	vadd.f32 v13, v10;
	v20 =	vmax.f32 v63, v20  }
0xaf: {  	v49 =	vld.idx.msk [tilespmem:v49+s29+$0x0], $0xffff;
	v14 =	vadd.f32 v14, v50;
	v19 =	vmax.f32 v19, v20;
	v20 =	vadd.f32 v29, v10  }
0xb0: {  	v25 =	vld [tilespmem:s17+$0xFFFFFFD0];
	vm2 =	vgt.f32 v27, $-1.000000020e+30;
	v12 =	vadd.f32 v31, v12;
	v31 =	vadd.f32 v33, v32;
	(xrf0) =	vmax.scan.msk.f32 $0xffff, v18  }
0xb1: {  	v17 =	vld [tilespmem:s17+$0xFFFFFFC0];
	v18 =	vnsel vm1, $0x0, v22;
	vm1 =	vgt.f32 v15, $-1.000000020e+30;
	(xrf0) =	vmax.scan.msk.f32 $0xffff, v19;
	v16 =	vadd.f32 v16, v20  }
0xb2: {  	v21 =	vld [tilespmem:s4+$0xFFFFFFC0];
	v15 =	vnsel vm1, $0x0, v15;
	vm1 =	vgt.f32 v24, $-1.000000020e+30;
	v19 =	vnsel vm2, $0x0, v27  }
0xb3: {  	v28 =	vld [tilespmem:s4+$0xFFFFFFD0];
	v32 =	vadd.f32 v35, v34;
	v16 =	vadd.f32 v19, v16;
	v19 =	vnsel vm1, $0x0, v24  }
0xb4: {  	v51 =	vld [tilespmem:s4+$0xFFFFFFE0];
	v33 =	vadd.f32 v37, v36;
	v15 =	vadd.f32 v15, v10  }
0xb5: {  	v30 =	vld [tilespmem:s17+$0xFFFFFFE0];
	v35 =	vadd.f32 v43, v42;
	v13 =	vadd.f32 v18, v13;
	vm1 =	vgt.f32 v26, $-1.000000020e+30  }
0xb6: {  	v58 =	vld [tilespmem:s17+$0x40];
	v24 =	vadd.f32 v49, v48;
	v18 =	vnsel vm1, $0x0, v26;
	v15 =	vadd.f32 v19, v15;
	v19, _, _ =	vpop (xrf0)  }
0xb7: {  	v59 =	vld [tilespmem:s4+$0x40];
	v22 =	vadd.f32 v18, v16;
	(v2sf) =	vpush v19, $0xF;
	v16, _, _ =	vpop (xrf0)  }
0xb8: {  	v47 =	vmax.f32 v14, $-4.000000060e+30;
	v27 =	vadd.f32 v41, v40;
	v18 =	vld.idx.msk [tilespmem:v25+s29+$0x0], $0xffff;
	(v2sf) =	vpush v16, $0xF  }
0xb9: {  	v50 =	vmax.f32 v35, $-4.000000060e+30;
	v26 =	vadd.f32 v39, v38;
	vm1 =	vgt.f32 v24, $-1.000000020e+30;
	v16 =	vld.idx.msk [tilespmem:v17+s29+$0x0], $0xffff  }
0xba: {  	v41 =	vmax.f32 v31, $-4.000000060e+30;
	v49 =	vmax.f32 v27, $-4.000000060e+30;
	v17 =	vld.idx.msk [tilespmem:v21+s29+$0x0], $0xffff;
	v21 =	vnsel vm1, $0x0, v24  }
0xbb: {  	v25 =	vmax.f32 v32, $-4.000000060e+30;
	v19 =	vld.idx.msk [tilespmem:v28+s29+$0x0], $0xffff;
	vm1 =	vgt.f32 v26, $-1.000000020e+30;
	v28 =	vadd.f32 v21, v22  }
0xbc: {  	v22 =	vmax.f32 v24, $-4.000000060e+30;
	v21 =	vld.idx.msk [tilespmem:v51+s29+$0x0], $0xffff;
	v24 =	vmax.f32 v33, $-4.000000060e+30;
	v51 =	vmax.f32 v45, $-4.000000060e+30  }
0xbd: {  	v20 =	vld.idx.msk [tilespmem:v30+s29+$0x0], $0xffff;
	v30 =	vmax.f32 v22, v26;
	v48 =	vmax.f32 v25, v24;
	v25 =	vmax.f32 v47, v46  }
0xbe: {  	v61 =	vld [tilespmem:s4+$0xFFFFFFB0];
	v39 =	vmax.f32 v50, v51;
	v26 =	vnsel vm1, $0x0, v26;
	v30 =	vmax.f32 v30, v41  }
0xbf: {  	v22 =	vld.idx.msk [tilespmem:v53+s29+$0x0], $0xffff;
	v38 =	vmax.f32 v25, v49;
	v53 =	vadd.f32 v26, v28;
	v28 =	vmax.f32 v30, v48  }
0xc0: {  	v60 =	vld [tilespmem:s17+$0xFFFFFFB0];
	v30 =	vmax.f32 v38, v39;
	(xrf0) =	vmax.scan.msk.f32 $0xffff, v28  }
0xc1: {  	v62 =	vld [tilespmem:s17+$0x0];
	(xrf0) =	vmax.scan.msk.f32 $0xffff, v30  }
0xc2: {  	v23 =	vld [tilespmem:s4+$0xFFFFFFF0]  }
0xc3: {  	v54 =	vld [tilespmem:s17+$0x20]  }
0xc4: {  	v52 =	vld [tilespmem:s4+$0x10];
	vm4 =	vgt.f32 v31, $-1.000000020e+30  }
0xc5: {  	v29 =	vld [tilespmem:s4+$0x20];
	vm14 =	vgt.f32 v33, $-1.000000020e+30;
	v31 =	vnsel vm4, $0x0, v31  }
0xc6: {  	v12 =	vadd.f32 v31, v12;
	v31 =	vld.idx.msk [tilespmem:v59+s29+$0x0], $0xffff;
	v33 =	vnsel vm14, $0x0, v33;
	v59, _, _ =	vpop (xrf0);
	s16 =	spop (v2sf)  }
0xc7: {  	v15 =	vadd.f32 v33, v15;
	v33 =	vld.idx.msk [tilespmem:v61+s29+$0x0], $0xffff;
	v61, _, _ =	vpop (xrf0);
	s17 =	spop (v2sf);
	(v2sf) =	vpush v59, $0xF  }
0xc8: {  	v63 =	vld [tilespmem:s4+$0x0];
	(v2sf) =	vpush v61, $0xF  }
0xc9: {  	v34 =	vld.idx.msk [tilespmem:v62+s29+$0x0], $0xffff  }
0xca: {  	v23 =	vld.idx.msk [tilespmem:v23+s29+$0x0], $0xffff  }
0xcb: {  	v24 =	vld.idx.msk [tilespmem:v55+s29+$0x0], $0xffff  }
0xcc: {  	v25 =	vld.idx.msk [tilespmem:v52+s29+$0x0], $0xffff  }
0xcd: {  	vm1 =	vgt.f32 v27, $-1.000000020e+30;
	v26 =	vld.idx.msk [tilespmem:v54+s29+$0x0], $0xffff  }
0xce: {  	vm3 =	vgt.f32 v45, $-1.000000020e+30;
	v55 =	vnsel vm1, $0x0, v27;
	vm1 =	vgt.f32 v32, $-1.000000020e+30;
	v27 =	vld.idx.msk [tilespmem:v56+s29+$0x0], $0xffff  }
0xcf: {  	vm15 =	vgt.f32 v14, $-1.000000020e+30;
	vm2 =	vgt.f32 v35, $-1.000000020e+30;
	v32 =	vnsel vm1, $0x0, v32;
	v28 =	vld.idx.msk [tilespmem:v29+s29+$0x0], $0xffff  }
0xd0: {  	v14 =	vnsel vm15, $0x0, v14;
	v35 =	vnsel vm2, $0x0, v35;
	v29 =	vld.idx.msk [tilespmem:v57+s29+$0x0], $0xffff;
	v13 =	vadd.f32 v32, v13  }
0xd1: {  	s2 =	simm.s32 $0x0;
	vm1 =	vgt.f32 v46, $-1.000000020e+30;
	v12 =	vadd.f32 v55, v12;
	v30 =	vld.idx.msk [tilespmem:v58+s29+$0x0], $0xffff;
	v58 =	vadd.f32 v14, v53  }
0xd2: {  	v32 =	vld.idx.msk [tilespmem:v60+s29+$0x0], $0xffff;
	v60 =	vnsel vm1, $0x0, v46;
	v14 =	vnsel vm3, $0x0, v45;
	v13 =	vadd.f32 v35, v13;
	[smem:s2] =	sst s16  }
0xd3: {  	v14 =	vadd.f32 v14, v15;
	v35 =	vld.idx.msk [tilespmem:v63+s29+$0x0], $0xffff;
	v15 =	vadd.f32 v60, v58;
	s2 =	simm.s32 $0x4;
	s16 =	simm.s32 $0x19870;
	[smem:s0] =	sst s17  }
.LBB2_7:
0xd4: {  	v36 =	vld [tilespmem:s16+$0xFFFFFFC0];
	s4 =	sadd.s32 $0xA0, s4  }
0xd5: {  	v16 =	vadd.f32 v17, v16;
	v17 =	vadd.f32 v19, v18;
	s0 =	sadd.s32 $0x2, s0;
	v37 =	vld [tilespmem:s4+$0xFFFFFFC0]  }
0xd6: {  	v19 =	vadd.f32 v21, v20;
	v20 =	vadd.f32 v23, v22;
	s1 =	sadd.s32 $0xFFFFFFFF, s0;
	v18 =	vld [tilespmem:s16+$0xFFFFFFD0];
	s17 =	spop (v2sf)  }
0xd7: {  	v23 =	vadd.f32 v25, v24;
	v24 =	vadd.f32 v28, v26;
	v22 =	vmax.f32 v16, $-4.000000060e+30;
	v21 =	vld [tilespmem:s4+$0xFFFFFFD0];
	[smem:s1] =	sst s17;
	s1 =	spop (v2sf)  }
0xd8: {  	v27 =	vadd.f32 v29, v27;
	v28 =	vadd.f32 v31, v30;
	v26 =	vmax.f32 v17, $-4.000000060e+30;
	v25 =	vld [tilespmem:s16+$0xFFFFFFE0];
	[smem:s0] =	sst s1  }
0xd9: {  	v30 =	vadd.f32 v33, v32;
	vm3 =	vgt.f32 v23, $-1.000000020e+30;
	v31 =	vadd.f32 v35, v34;
	v29 =	vld [tilespmem:s4+$0xFFFFFFE0]  }
0xda: {  	vm4 =	vgt.f32 v24, $-1.000000020e+30;
	vm2 =	vgt.f32 v27, $-1.000000020e+30;
	vm1 =	vgt.f32 v28, $-1.000000020e+30;
	v32 =	vld [tilespmem:s16+$0xFFFFFFF0]  }
0xdb: {  	vm6 =	vgt.f32 v16, $-1.000000020e+30;
	vm7 =	vgt.f32 v17, $-1.000000020e+30;
	vm5 =	vgt.f32 v30, $-1.000000020e+30;
	v33 =	vld [tilespmem:s4+$0xFFFFFFF0]  }
0xdc: {  	v35 =	vnsel vm5, $0x0, v30;
	vm5 =	vgt.f32 v19, $-1.000000020e+30;
	vm8 =	vgt.f32 v31, $-1.000000020e+30;
	v34 =	vld [tilespmem:s16+$0x10]  }
0xdd: {  	vm9 =	vgt.f32 v20, $-1.000000020e+30;
	v15 =	vadd.f32 v35, v15;
	v35 =	vnsel vm3, $0x0, v23;
	v38 =	vld [tilespmem:s4+$0x10]  }
0xde: {  	v16 =	vnsel vm6, $0x0, v16;
	v40 =	vnsel vm9, $0x0, v20;
	v41 =	vnsel vm4, $0x0, v24;
	v39 =	vld [tilespmem:s16+$0x20]  }
0xdf: {  	v17 =	vnsel vm7, $0x0, v17;
	v43 =	vnsel vm5, $0x0, v19;
	v15 =	vadd.f32 v40, v15;
	v42 =	vld [tilespmem:s4+$0x20]  }
0xe0: {  	s2 =	sadd.s32 $0x2, s2;
	v12 =	vadd.f32 v16, v12;
	v13 =	vadd.f32 v17, v13;
	v16 =	vnsel vm8, $0x0, v31;
	v40 =	vld [tilespmem:s16+$0x30]  }
0xe1: {  	p0 =	slt.u32 s2, $0x30;
	v14 =	vadd.f32 v43, v14;
	v15 =	vadd.f32 v16, v15;
	v16 =	vnsel vm2, $0x0, v27;
	v44 =	vld [tilespmem:s4+$0x30]  }
0xe2: {  	v17 =	vnsel vm1, $0x0, v28;
	v13 =	vadd.f32 v41, v13;
	v12 =	vadd.f32 v35, v12;
	v43 =	vld [tilespmem:s16+$0x40]  }
0xe3: {  	v30 =	vmax.f32 v30, $-4.000000060e+30;
	v14 =	vadd.f32 v16, v14;
	v15 =	vadd.f32 v17, v15;
	v35 =	vld [tilespmem:s4+$0x40]  }
0xe4: {  	v16 =	vmax.f32 v19, $-4.000000060e+30;
	v19 =	vmax.f32 v31, $-4.000000060e+30;
	v17 =	vmax.f32 v30, v20;
	v41 =	vld [tilespmem:s16+$0xFFFFFFB0]  }
0xe5: {  	v16 =	vmax.f32 v26, v16;
	v19 =	vmax.f32 v19, v28;
	v17 =	vmax.f32 v17, v22;
	v45 =	vld [tilespmem:s4+$0xFFFFFFB0]  }
0xe6: {  	v20 =	vmax.f32 v23, $-4.000000060e+30;
	v23 =	vmax.f32 v27, $-4.000000060e+30;
	v22 =	vmax.f32 v24, $-4.000000060e+30;
	v46 =	vld [tilespmem:s16+$0x0]  }
0xe7: {  	s1 =	simm.s32 $0x0;
	v19 =	vmax.f32 v19, v20;
	v17 =	vmax.f32 v17, v16;
	v20 =	vmax.f32 v22, v23;
	v47 =	vld [tilespmem:s4+$0x0]  }
0xe8: {  	v19 =	vmax.f32 v19, v20;
	v16 =	vld.idx.msk [tilespmem:v36+s1+$0x0], $0xffff;
	(xrf0) =	vmax.scan.msk.f32 $0xffff, v17  }
0xe9: {  	v17 =	vld.idx.msk [tilespmem:v37+s1+$0x0], $0xffff;
	(xrf0) =	vmax.scan.msk.f32 $0xffff, v19  }
0xea: {  	v18 =	vld.idx.msk [tilespmem:v18+s1+$0x0], $0xffff  }
0xeb: {  	v19 =	vld.idx.msk [tilespmem:v21+s1+$0x0], $0xffff  }
0xec: {  	v20 =	vld.idx.msk [tilespmem:v25+s1+$0x0], $0xffff  }
0xed: {  	v21 =	vld.idx.msk [tilespmem:v29+s1+$0x0], $0xffff  }
0xee: {  	v22 =	vld.idx.msk [tilespmem:v32+s1+$0x0], $0xffff;
	v24, _, _ =	vpop (xrf0)  }
0xef: {  	v23 =	vld.idx.msk [tilespmem:v33+s1+$0x0], $0xffff;
	(v2sf) =	vpush v24, $0xF;
	v25, _, _ =	vpop (xrf0)  }
0xf0: {  	v24 =	vld.idx.msk [tilespmem:v34+s1+$0x0], $0xffff;
	(v2sf) =	vpush v25, $0xF  }
0xf1: {  	v25 =	vld.idx.msk [tilespmem:v38+s1+$0x0], $0xffff  }
0xf2: {  	v26 =	vld.idx.msk [tilespmem:v39+s1+$0x0], $0xffff  }
0xf3: {  	v28 =	vld.idx.msk [tilespmem:v42+s1+$0x0], $0xffff  }
0xf4: {  	v27 =	vld.idx.msk [tilespmem:v40+s1+$0x0], $0xffff  }
0xf5: {  	v29 =	vld.idx.msk [tilespmem:v44+s1+$0x0], $0xffff  }
0xf6: {  	v30 =	vld.idx.msk [tilespmem:v43+s1+$0x0], $0xffff  }
.Ltmp6:
0xf7: {  	v31 =	vld.idx.msk [tilespmem:v35+s1+$0x0], $0xffff;
	(pc) =	sbr.rel @p0 .LBB2_7-.Ltmp6, $4  }
0xf8: {  	v32 =	vld.idx.msk [tilespmem:v41+s1+$0x0], $0xffff  }
0xf9: {  	v33 =	vld.idx.msk [tilespmem:v45+s1+$0x0], $0xffff  }
0xfa: {  	v34 =	vld.idx.msk [tilespmem:v46+s1+$0x0], $0xffff  }
0xfb: {  	s16 =	sadd.s32 $0xA0, s16;
	v35 =	vld.idx.msk [tilespmem:v47+s1+$0x0], $0xffff  }
0xfc: {  	v16 =	vadd.f32 v17, v16;
	v17 =	vadd.f32 v19, v18  }
0xfd: {  	v41 =	vadd.f32 v21, v20;
	v42 =	vadd.f32 v23, v22  }
0xfe: {  	v44 =	vadd.f32 v25, v24;
	v46 =	vadd.f32 v28, v26  }
0xff: {  	v49 =	vadd.f32 v29, v27;
	v45 =	vadd.f32 v33, v32  }
0x100: {  	v50 =	vadd.f32 v31, v30;
	v43 =	vmax.f32 v16, $-4.000000060e+30;
	v47 =	vmax.f32 v17, $-4.000000060e+30  }
0x101: {  	v52 =	vmax.f32 v41, $-4.000000060e+30;
	v48 =	vadd.f32 v35, v34;
	v51 =	vmax.f32 v45, $-4.000000060e+30  }
0x102: {  	v55 =	vmax.f32 v44, $-4.000000060e+30;
	v56 =	vmax.f32 v46, $-4.000000060e+30;
	v28 =	vmax.f32 v51, v42  }
0x103: {  	v24 =	vmax.f32 v47, v52;
	v53 =	vmax.f32 v48, $-4.000000060e+30;
	v20 =	vmax.f32 v28, v43  }
0x104: {  	v57 =	vmax.f32 v49, $-4.000000060e+30;
	v54 =	vmax.f32 v53, v50;
	v20 =	vmax.f32 v20, v24  }
0x105: {  	v59 =	vmax.f32 v56, v57;
	v58 =	vmax.f32 v54, v55;
	(xrf0) =	vmax.scan.msk.f32 $0xffff, v20  }
0x106: {  	v24 =	vmax.f32 v58, v59  }
0x107: {  	(xrf0) =	vmax.scan.msk.f32 $0xffff, v24;
	_ =	sdelay $0x3  }
0x108: {  	v20, _, _ =	vpop (xrf0)  }
0x109: {  	(v2sf) =	vpush v20, $0xF  }
0x10a: {  	v60, _, _ =	vpop (xrf0)  }
0x10b: {  	(v2sf) =	vpush v60, $0xF;
	_ =	sdelay $0x3  }
0x10c: {  	vm2 =	vgt.f32 v44, $-1.000000020e+30;
	vm3 =	vgt.f32 v46, $-1.000000020e+30;
	vm4 =	vgt.f32 v49, $-1.000000020e+30  }
0x10d: {  	vm6 =	vgt.f32 v16, $-1.000000020e+30;
	vm7 =	vgt.f32 v17, $-1.000000020e+30;
	vm15 =	vgt.f32 v41, $-1.000000020e+30  }
0x10e: {  	vm9 =	vgt.f32 v42, $-1.000000020e+30;
	v16 =	vnsel vm6, $0x0, v16;
	vm5 =	vgt.f32 v45, $-1.000000020e+30  }
0x10f: {  	s0 =	sadd.s32 $0x2, s0;
	v62 =	vnsel vm2, $0x0, v44;
	v12 =	vadd.f32 v16, v12;
	v61 =	vnsel vm5, $0x0, v45  }
0x110: {  	s4 =	sadd.s32 $0xFFFFFFFF, s0;
	s2 =	spop (v2sf);
	v19 =	vnsel vm9, $0x0, v42;
	v17 =	vnsel vm7, $0x0, v17;
	v15 =	vadd.f32 v61, v15  }
0x111: {  	v63 =	vnsel vm3, $0x0, v46;
	s16 =	spop (v2sf);
	[smem:s4] =	sst s2;
	v13 =	vadd.f32 v17, v13;
	v10 =	vadd.f32 v62, v12  }
0x112: {  	v18 =	vnsel vm15, $0x0, v41;
	[smem:s0] =	sst s16;
	vm8 =	vgt.f32 v48, $-1.000000020e+30;
	v15 =	vadd.f32 v19, v15  }
0x113: {  	v14 =	vadd.f32 v18, v14;
	v16 =	vnsel vm8, $0x0, v48;
	[tilespmem:$0x1FFC0] =	vst v10;
	v10 =	vadd.f32 v63, v13  }
.Ltmp7:
0x114: {  	s4 =	sadd.s32 $0x2, s0;
	v15 =	vadd.f32 v16, v15;
	v16 =	vnsel vm4, $0x0, v49;
	(pc) =	sbr.rel .LBB2_9-.Ltmp7, $4  }
0x115: {  	s2 =	sadd.s32 $0xFFFFFFFF, s4;
	[tilespmem:$0x1FFD0] =	vst v10;
	v10 =	vadd.f32 v16, v14;
	s16 =	spop (v2sf)  }
0x116: {  	vm1 =	vgt.f32 v50, $-1.000000020e+30;
	[smem:s2] =	sst s16  }
0x117: {  	v17 =	vnsel vm1, $0x0, v50;
	s17 =	spop (v2sf);
	[tilespmem:$0x1FFE0] =	vst v10  }
0x118: {  	s0 =	simm.s32 $0x19640;
	v15 =	vadd.f32 v17, v15;
	s2 =	simm.s32 $0x1A5E0;
	[smem:s4] =	sst s17  }
.LBB2_13:
0x119: {  	s1 =	sadd.s32 $0x1, s1  }
0x11a: {  	p0 =	sne.s32 s1, $0x32  }
.Ltmp8:
0x11b: {  	_ = 	snop;
	(pc) =	sbr.rel @!p0 .LBB2_14-.Ltmp8, $2  }
0x11c: {  	_ =	sdelay $0x2  }
0x11d: {  	s0 =	sadd.s32 $0x50, s0;
	s2 =	sadd.s32 $0x50, s2  }
.LBB2_9:
0x11e: {  	s4 =	sld [smem:s1+$0x0];
	_ =	sdelay $0x2  }
0x11f: {  	p0 =	sgt.f32 s4, $-1.000000020e+30  }
.Ltmp9:
0x120: {  	_ = 	snop;
	(pc) =	sbr.rel @!p0 .LBB2_13-.Ltmp9, $4  }
.Ltmp10:
0x121: {  	_ = 	snop;
	(pc) =	sbr.rel @p0 .LBB2_10-.Ltmp10, $4  }
0x122: {  	_ = 	snop  }
0x123: {  	_ = 	snop  }
0x124: {  	s4 =	simm.s32 $0x0  }
0x125: {  	_ = 	snop  }
.LBB2_12:
0x126: {  	s4 =	sadd.s32 $0x40, s4  }
0x127: {  	p0 =	sne.s32 s4, $0x140  }
.Ltmp11:
0x128: {  	_ = 	snop;
	(pc) =	sbr.rel @!p0 .LBB2_13-.Ltmp11, $1  }
0x129: {  	_ =	sdelay $0x3  }
.LBB2_10:
0x12a: {  	s16 =	sshra.s32 s4, $0x2  }
0x12b: {  	s17 =	sadd.s32 s16, s0  }
0x12c: {  	s16 =	sadd.s32 s16, s2;
	v16 =	vld [tilespmem:s17+$0x0]  }
0x12d: {  	v17 =	vld [tilespmem:s16+$0x0];
	_ =	sdelay $0x6  }
0x12e: {  	v18 =	vld.idx.msk [tilespmem:v16+s6+$0x0], $0xffff  }
0x12f: {  	v19 =	vld.idx.msk [tilespmem:v17+s6+$0x0], $0xffff;
	_ =	sdelay $0x4  }
0x130: {  	v18 =	vadd.f32 v19, v18;
	_ =	sdelay $0x1  }
0x131: {  	vm1 =	vgt.f32 v18, $-1.000000020e+30  }
0x132: {  	v18 =	vsel vm1, $0x3F800000, v2  }
0x133: {  	(xrf0) =	vmax.scan.msk.f32 $0xffff, v18;
	_ =	sdelay $0x5  }
0x134: {  	v18, _, _ =	vpop (xrf0)  }
0x135: {  	(v2sf) =	vpush v18, $0xF;
	_ =	sdelay $0xe  }
0x136: {  	s17 =	spop (v2sf)  }
0x137: {  	p0 =	sgt.f32 s17, $0.0e+00  }
.Ltmp12:
0x138: {  	_ = 	snop;
	(pc) =	sbr.rel @!p0 .LBB2_12-.Ltmp12, $1  }
0x139: {  	_ =	sdelay $0x3  }
0x13a: {  	_ =	sdelay $0x3  }
0x13b: {  	[tilespmem:s23], [sflag:$0x3] =	stream.indirect_vreg.gather [hbm4b:s7+s6], $0x8, v16, vm0, $0xb8;
	[tilespmem:$0x1D5D0] =	vst v63  }
0x13c: {  	_ = 	snop  }
0x13d: {  	[tilespmem:s24], [sflag:$0x3] =	stream.indirect_vreg.gather [hbm4b:s7+s6], $0x8, v17, vm0, $0xb8;
	[tilespmem:$0x1D5D0] =	vst v63  }
0x13e: {  	_ =	swait.ge [sflag:s20], $0x80  }
0x13f: {  	[sflag:s20] =	ssyncset.done $0x0  }
0x140: {  	[sflag:s20] =	ssyncadd.s32 $0xFFFFFF80  }
0x141: {  	_ =	swait.ge [sflag:s20], $0x80  }
0x142: {  	[sflag:s20] =	ssyncset.done $0x0  }
0x143: {  	[sflag:s20] =	ssyncadd.s32 $0xFFFFFF80  }
0x144: {  	v16 =	vld.idx.msk [tilespmem:v0+s23+$0x0], $0xffff  }
0x145: {  	v17 =	vld.idx.msk [tilespmem:v0+s24+$0x0], $0xffff  }
0x146: {  	v18 =	vld.idx.msk [tilespmem:v3+s23+$0x0], $0xffff  }
0x147: {  	v19 =	vld.idx.msk [tilespmem:v3+s24+$0x0], $0xffff  }
0x148: {  	v20 =	vld.idx.msk [tilespmem:v4+s23+$0x0], $0xffff  }
0x149: {  	v21 =	vld.idx.msk [tilespmem:v4+s24+$0x0], $0xffff  }
0x14a: {  	v22 =	vld.idx.msk [tilespmem:v5+s23+$0x0], $0xffff  }
0x14b: {  	v52 =	vld.idx.msk [tilespmem:v5+s24+$0x0], $0xffff  }
0x14c: {  	v53 =	vld.idx.msk [tilespmem:v6+s23+$0x0], $0xffff;
	v16 =	vsub.f32 v16, v17;
	v17 =	vsub.f32 v18, v19  }
0x14d: {  	v23 =	vld.idx.msk [tilespmem:v6+s24+$0x0], $0xffff  }
0x14e: {  	v54 =	vld.idx.msk [tilespmem:v7+s23+$0x0], $0xffff;
	v16 =	vadd.f32 $9.999999970e-07, v16;
	v17 =	vadd.f32 $9.999999970e-07, v17  }
0x14f: {  	v55 =	vld.idx.msk [tilespmem:v7+s24+$0x0], $0xffff;
	v20 =	vsub.f32 v20, v21  }
0x150: {  	v56 =	vld.idx.msk [tilespmem:v8+s24+$0x0], $0xffff;
	v16 =	vmul.f32 v16, v16;
	v17 =	vmul.f32 v17, v17  }
0x151: {  	v24 =	vld.idx.msk [tilespmem:v9+s23+$0x0], $0xffff;
	v18 =	vsub.f32 v22, v52;
	v20 =	vadd.f32 $9.999999970e-07, v20  }
0x152: {  	v16 =	vadd.f32 v17, v16;
	v17 =	vld.idx.msk [tilespmem:v8+s23+$0x0], $0xffff  }
0x153: {  	v57 =	vld.idx.msk [tilespmem:v9+s24+$0x0], $0xffff;
	v19 =	vsub.f32 v53, v23;
	v18 =	vadd.f32 $9.999999970e-07, v18;
	v20 =	vmul.f32 v20, v20  }
0x154: {  	v21 =	vsub.f32 v54, v55  }
0x155: {  	v19 =	vadd.f32 $9.999999970e-07, v19;
	v18 =	vmul.f32 v18, v18;
	v16 =	vadd.f32 v20, v16  }
0x156: {  	v59 =	vadd.f32 $9.999999970e-07, v21  }
0x157: {  	v58 =	vmul.f32 v19, v19;
	v16 =	vadd.f32 v18, v16;
	v17 =	vsub.f32 v17, v56  }
0x158: {  	v60 =	vsub.f32 v24, v57  }
0x159: {  	v19 =	vmul.f32 v59, v59;
	v16 =	vadd.f32 v58, v16;
	v17 =	vadd.f32 $9.999999970e-07, v17;
	_ =	sdelay $0x1  }
0x15a: {  	v18 =	vadd.f32 $9.999999970e-07, v60;
	v16 =	vadd.f32 v19, v16;
	v17 =	vmul.f32 v17, v17;
	_ =	sdelay $0x1  }
0x15b: {  	v16 =	vadd.f32 v17, v16;
	v17 =	vmul.f32 v18, v18;
	_ =	sdelay $0x1  }
0x15c: {  	v16 =	vadd.f32 v17, v16;
	_ =	sdelay $0x1  }
0x15d: {  	v16 =	vmax.f32 v16, $1.000000020e-35  }
0x15e: {  	v17 =	vshra.s32 v16, $0x1;
	v61 =	vmul.f32 $5.000000000e-01, v16  }
0x15f: {  	v17 =	vsub.s32 $0x5F3759DF, v17  }
0x160: {  	v62 =	vmul.f32 v17, v61;
	_ =	sdelay $0x1  }
0x161: {  	v19 =	vmul.f32 v17, v62;
	_ =	sdelay $0x1  }
0x162: {  	v19 =	vsub.f32 $1.500000000e+00, v19;
	_ =	sdelay $0x1  }
0x163: {  	v17 =	vmul.f32 v17, v19;
	_ =	sdelay $0x1  }
0x164: {  	v19 =	vmul.f32 v17, v61;
	_ =	sdelay $0x1  }
0x165: {  	v19 =	vmul.f32 v19, v17;
	_ =	sdelay $0x1  }
0x166: {  	v19 =	vsub.f32 $1.500000000e+00, v19;
	_ =	sdelay $0x1  }
0x167: {  	v17 =	vmul.f32 v19, v17;
	_ =	sdelay $0x1  }
0x168: {  	v18 =	vmul.f32 v17, v61;
	_ =	sdelay $0x1  }
0x169: {  	v18 =	vmul.f32 v18, v17;
	_ =	sdelay $0x1  }
0x16a: {  	v18 =	vsub.f32 $1.500000000e+00, v18;
	_ =	sdelay $0x1  }
0x16b: {  	v63 =	vld [tilespmem:$0x1D5C0];
	v17 =	vmul.f32 v18, v17;
	_ =	sdelay $0x1  }
0x16c: {  	v16 =	vmul.f32 v17, v16  }
.Ltmp13:
0x16d: {  	_ = 	snop;
	(pc) =	sbr.rel .LBB2_12-.Ltmp13, $3  }
0x16e: {  	v16 =	vnsel vm1, $0x0, v16  }
0x16f: {  	v16 =	vsub.f32 v63, v16;
	_ =	sdelay $0x1  }
0x170: {  	[tilespmem:$0x1D5C0] =	vst v16  }
.LBB2_14:
0x171: {  	_ =	swait.ge [sflag:s25], $0xFA0  }
0x172: {  	[sflag:s25] =	ssyncset.done $0x0  }
0x173: {  	[sflag:s25] =	ssyncadd.s32 $0xFFFFF060  }
0x174: {  	s0 =	sadd.s32 s31, s11;
	_ =	swait.ge [sflag:s25], $0xFA0  }
0x175: {  	s0 =	sshrl.u32 s0, $0x3;
	[sflag:s25] =	ssyncset.done $0x0  }
0x176: {  	s1 =	sadd.s32 s3, s0;
	[sflag:s25] =	ssyncadd.s32 $0xFFFFF060  }
0x177: {  	[tilespmem:s18], [sflag:$0x1] =	stream.linear.gather [hbm4b:s1+s6], $0xFA0, $0x38;
	[tilespmem:$0x1D5D0] =	vst v63  }
0x178: {  	s16 =	simm.s32 $0x1B5D0;
	s0 =	sadd.s32 s5, s0  }
0x179: {  	[tilespmem:s19], [sflag:$0x1] =	stream.linear.gather [hbm4b:s0+s6], $0xFA0, $0x38;
	[tilespmem:$0x1D5D0] =	vst v63  }
0x17a: {  	s17 =	simm.s32 $0x1C570;
	v16 =	vld [tilespmem:s16+$0xFFFFFFC0]  }
0x17b: {  	v17 =	vld [tilespmem:s17+$0xFFFFFFC0]  }
0x17c: {  	v18 =	vld [tilespmem:s16+$0xFFFFFFD0]  }
0x17d: {  	v19 =	vld [tilespmem:s17+$0xFFFFFFD0]  }
0x17e: {  	v20 =	vld [tilespmem:s16+$0xFFFFFFE0]  }
0x17f: {  	v21 =	vld [tilespmem:s17+$0xFFFFFFE0]  }
0x180: {  	v22 =	vld [tilespmem:s16+$0xFFFFFFF0]  }
0x181: {  	v23 =	vld [tilespmem:s17+$0xFFFFFFF0]  }
0x182: {  	v24 =	vld [tilespmem:s16+$0x10]  }
0x183: {  	v25 =	vld [tilespmem:s17+$0x10]  }
0x184: {  	v26 =	vld [tilespmem:s16+$0x20]  }
0x185: {  	v27 =	vld [tilespmem:s17+$0x20]  }
0x186: {  	v28 =	vld [tilespmem:s16+$0x30]  }
0x187: {  	v29 =	vld [tilespmem:s17+$0x30]  }
0x188: {  	v30 =	vld [tilespmem:s16+$0x40]  }
0x189: {  	v31 =	vld [tilespmem:s17+$0x40]  }
0x18a: {  	v32 =	vld [tilespmem:s16+$0xFFFFFFB0]  }
0x18b: {  	v33 =	vld [tilespmem:s17+$0xFFFFFFB0]  }
0x18c: {  	v34 =	vld [tilespmem:s16+$0x0]  }
0x18d: {  	s2 =	simm.s32 $0x1B670;
	v35 =	vld [tilespmem:s17+$0x0]  }
0x18e: {  	s4 =	simm.s32 $0x1C610;
	v36 =	vld [tilespmem:s2+$0xFFFFFFC0]  }
0x18f: {  	v37 =	vld [tilespmem:s4+$0xFFFFFFC0]  }
0x190: {  	v38 =	vld [tilespmem:s2+$0xFFFFFFD0]  }
0x191: {  	v39 =	vld [tilespmem:s4+$0xFFFFFFD0]  }
0x192: {  	v40 =	vld [tilespmem:s2+$0xFFFFFFE0]  }
0x193: {  	v41 =	vld [tilespmem:s4+$0xFFFFFFE0]  }
0x194: {  	v42 =	vld [tilespmem:s2+$0xFFFFFFF0]  }
0x195: {  	v43 =	vld [tilespmem:s4+$0xFFFFFFF0]  }
0x196: {  	v44 =	vld [tilespmem:s2+$0x10]  }
0x197: {  	v45 =	vld [tilespmem:s4+$0x10]  }
0x198: {  	v46 =	vld [tilespmem:s2+$0x20]  }
0x199: {  	v47 =	vld [tilespmem:s4+$0x20]  }
0x19a: {  	v48 =	vld [tilespmem:s2+$0x30]  }
0x19b: {  	v49 =	vld [tilespmem:s4+$0x30]  }
0x19c: {  	v50 =	vld [tilespmem:s2+$0x40]  }
0x19d: {  	v51 =	vld [tilespmem:s4+$0x40]  }
0x19e: {  	v52 =	vld [tilespmem:s2+$0xFFFFFFB0]  }
0x19f: {  	v53 =	vld [tilespmem:s4+$0xFFFFFFB0]  }
0x1a0: {  	v54 =	vld [tilespmem:s2+$0x0]  }
0x1a1: {  	s0 =	simm.s32 $0x1C6B0;
	v55 =	vld [tilespmem:s4+$0x0]  }
0x1a2: {  	v56 =	vld [tilespmem:s0+$0xFFFFFFE0]  }
0x1a3: {  	v59 =	vld [tilespmem:s0+$0xFFFFFFF0]  }
0x1a4: {  	s16 =	simm.s32 $0x1B710;
	v11 =	vld [tilespmem:s0+$0x40]  }
0x1a5: {  	s31 =	simm.s32 $0x0;
	v10 =	vld [tilespmem:s16+$0xFFFFFFB0]  }
0x1a6: {  	v16 =	vld.idx.msk [tilespmem:v16+s31+$0x0], $0xffff  }
0x1a7: {  	v17 =	vld.idx.msk [tilespmem:v17+s31+$0x0], $0xffff  }
0x1a8: {  	v18 =	vld.idx.msk [tilespmem:v18+s31+$0x0], $0xffff  }
0x1a9: {  	v19 =	vld.idx.msk [tilespmem:v19+s31+$0x0], $0xffff  }
0x1aa: {  	v20 =	vld.idx.msk [tilespmem:v20+s31+$0x0], $0xffff  }
0x1ab: {  	v21 =	vld.idx.msk [tilespmem:v21+s31+$0x0], $0xffff  }
0x1ac: {  	v22 =	vld.idx.msk [tilespmem:v22+s31+$0x0], $0xffff  }
0x1ad: {  	v23 =	vld.idx.msk [tilespmem:v23+s31+$0x0], $0xffff  }
0x1ae: {  	v24 =	vld.idx.msk [tilespmem:v24+s31+$0x0], $0xffff  }
0x1af: {  	v25 =	vld.idx.msk [tilespmem:v25+s31+$0x0], $0xffff  }
0x1b0: {  	v26 =	vld.idx.msk [tilespmem:v26+s31+$0x0], $0xffff  }
0x1b1: {  	v27 =	vld.idx.msk [tilespmem:v27+s31+$0x0], $0xffff  }
0x1b2: {  	v28 =	vld.idx.msk [tilespmem:v28+s31+$0x0], $0xffff  }
0x1b3: {  	v29 =	vld.idx.msk [tilespmem:v29+s31+$0x0], $0xffff  }
0x1b4: {  	v30 =	vld.idx.msk [tilespmem:v30+s31+$0x0], $0xffff  }
0x1b5: {  	v31 =	vld.idx.msk [tilespmem:v31+s31+$0x0], $0xffff  }
0x1b6: {  	v32 =	vld.idx.msk [tilespmem:v32+s31+$0x0], $0xffff  }
0x1b7: {  	v33 =	vld.idx.msk [tilespmem:v33+s31+$0x0], $0xffff  }
0x1b8: {  	v34 =	vld.idx.msk [tilespmem:v34+s31+$0x0], $0xffff  }
0x1b9: {  	v35 =	vld.idx.msk [tilespmem:v35+s31+$0x0], $0xffff  }
0x1ba: {  	v36 =	vld.idx.msk [tilespmem:v36+s31+$0x0], $0xffff  }
0x1bb: {  	v37 =	vld.idx.msk [tilespmem:v37+s31+$0x0], $0xffff  }
0x1bc: {  	v38 =	vld.idx.msk [tilespmem:v38+s31+$0x0], $0xffff  }
0x1bd: {  	v39 =	vld.idx.msk [tilespmem:v39+s31+$0x0], $0xffff  }
0x1be: {  	v40 =	vld.idx.msk [tilespmem:v40+s31+$0x0], $0xffff  }
0x1bf: {  	v41 =	vld.idx.msk [tilespmem:v41+s31+$0x0], $0xffff  }
0x1c0: {  	v42 =	vld.idx.msk [tilespmem:v42+s31+$0x0], $0xffff  }
0x1c1: {  	v43 =	vld.idx.msk [tilespmem:v43+s31+$0x0], $0xffff  }
0x1c2: {  	v46 =	vld.idx.msk [tilespmem:v46+s31+$0x0], $0xffff  }
0x1c3: {  	v47 =	vld.idx.msk [tilespmem:v47+s31+$0x0], $0xffff;
	v16 =	vadd.f32 v17, v16;
	v17 =	vadd.f32 v19, v18  }
0x1c4: {  	v50 =	vld.idx.msk [tilespmem:v50+s31+$0x0], $0xffff;
	v20 =	vadd.f32 v21, v20;
	v21 =	vadd.f32 v23, v22  }
0x1c5: {  	v51 =	vld.idx.msk [tilespmem:v51+s31+$0x0], $0xffff;
	v24 =	vadd.f32 v25, v24;
	v25 =	vadd.f32 v27, v26  }
0x1c6: {  	v44 =	vld.idx.msk [tilespmem:v44+s31+$0x0], $0xffff;
	v28 =	vadd.f32 v29, v28;
	v29 =	vadd.f32 v33, v32  }
0x1c7: {  	v45 =	vld.idx.msk [tilespmem:v45+s31+$0x0], $0xffff;
	v30 =	vadd.f32 v31, v30;
	v31 =	vadd.f32 v35, v34  }
0x1c8: {  	v48 =	vld.idx.msk [tilespmem:v48+s31+$0x0], $0xffff;
	v36 =	vadd.f32 v37, v36;
	v37 =	vadd.f32 v39, v38  }
0x1c9: {  	v49 =	vld.idx.msk [tilespmem:v49+s31+$0x0], $0xffff;
	v19 =	vimm.f32 $0.0e+00;
	v38 =	vadd.f32 v41, v40;
	v39 =	vadd.f32 v47, v46  }
0x1ca: {  	v52 =	vld.idx.msk [tilespmem:v52+s31+$0x0], $0xffff;
	v46 =	vadd.f32 v51, v50;
	v23 =	vmax.f32 v16, $-4.000000060e+30;
	v27 =	vmax.f32 v17, $-4.000000060e+30  }
0x1cb: {  	v53 =	vld.idx.msk [tilespmem:v53+s31+$0x0], $0xffff;
	vm1 =	vgt.f32 v24, $-1.000000020e+30;
	vm2 =	vgt.f32 v29, $-1.000000020e+30;
	vm3 =	vgt.f32 v16, $-1.000000020e+30  }
0x1cc: {  	v54 =	vld.idx.msk [tilespmem:v54+s31+$0x0], $0xffff;
	v60 =	vmax.f32 v29, $-4.000000060e+30;
	v61 =	vmax.f32 v20, $-4.000000060e+30;
	v57 =	vmax.f32 v31, $-4.000000060e+30  }
0x1cd: {  	v18 =	vld.idx.msk [tilespmem:v55+s31+$0x0], $0xffff;
	v63 =	vmax.f32 v24, $-4.000000060e+30;
	v58 =	vmax.f32 v25, $-4.000000060e+30;
	v29 =	vnsel vm2, $0x0, v29  }
0x1ce: {  	v22 =	vld [tilespmem:s16+$0xFFFFFFC0];
	v34 =	vmax.f32 v60, v21;
	v27 =	vmax.f32 v27, v61;
	v62 =	vmax.f32 v57, v30  }
0x1cf: {  	v26 =	vld [tilespmem:s0+$0xFFFFFFC0];
	v24 =	vnsel vm1, $0x0, v24;
	vm1 =	vgt.f32 v17, $-1.000000020e+30;
	v16 =	vnsel vm3, $0x0, v16  }
0x1d0: {  	v32 =	vld [tilespmem:s16+$0xFFFFFFD0];
	vm2 =	vgt.f32 v21, $-1.000000020e+30;
	v23 =	vmax.f32 v34, v23;
	v55 =	vmax.f32 v62, v63  }
0x1d1: {  	v33 =	vld [tilespmem:s0+$0xFFFFFFD0];
	v21 =	vnsel vm2, $0x0, v21;
	vm2 =	vgt.f32 v20, $-1.000000020e+30;
	v29 =	vadd.f32 v29, v19  }
0x1d2: {  	v35 =	vld [tilespmem:s16+$0xFFFFFFE0];
	v17 =	vnsel vm1, $0x0, v17;
	v23 =	vmax.f32 v23, v27;
	v27 =	vmax.f32 v28, $-4.000000060e+30  }
0x1d3: {  	v57 =	vld [tilespmem:s16+$0x10];
	vm1 =	vgt.f32 v31, $-1.000000020e+30;
	v16 =	vadd.f32 v16, v19;
	v27 =	vmax.f32 v58, v27  }
0x1d4: {  	v60 =	vld [tilespmem:s0+$0x20];
	v20 =	vnsel vm2, $0x0, v20;
	v17 =	vadd.f32 v17, v19;
	(xrf0) =	vmax.scan.msk.f32 $0xffff, v23;
	v27 =	vmax.f32 v55, v27  }
0x1d5: {  	v61 =	vld [tilespmem:s16+$0x30];
	v21 =	vadd.f32 v21, v29;
	v23 =	vnsel vm1, $0x0, v31;
	vm1 =	vgt.f32 v25, $-1.000000020e+30;
	(xrf0) =	vmax.scan.msk.f32 $0xffff, v27  }
0x1d6: {  	v34 =	vld [tilespmem:s16+$0xFFFFFFF0];
	v19 =	vadd.f32 v20, v19;
	v20 =	vnsel vm1, $0x0, v25;
	vm1 =	vgt.f32 v28, $-1.000000020e+30  }
0x1d7: {  	v62 =	vld [tilespmem:s0+$0x30];
	v21 =	vadd.f32 v23, v21;
	v23 =	vnsel vm1, $0x0, v28;
	vm1 =	vgt.f32 v30, $-1.000000020e+30  }
0x1d8: {  	v63 =	vld [tilespmem:s16+$0x40];
	v18 =	vadd.f32 v18, v54;
	v17 =	vadd.f32 v20, v17;
	v20 =	vnsel vm1, $0x0, v30  }
0x1d9: {  	v58 =	vld [tilespmem:s0+$0x10];
	v16 =	vadd.f32 v24, v16;
	v27 =	vadd.f32 v53, v52  }
0x1da: {  	v29 =	vadd.f32 v43, v42;
	v24 =	vld.idx.msk [tilespmem:v35+s31+$0x0], $0xffff;
	v19 =	vadd.f32 v23, v19;
	v23, _, _ =	vpop (xrf0)  }
0x1db: {  	v35 =	vld.idx.msk [tilespmem:v11+s31+$0x0], $0xffff;
	v25 =	vadd.f32 v20, v21;
	vm1 =	vgt.f32 v27, $-1.000000020e+30;
	(v2sf) =	vpush v23, $0xF;
	v20, _, _ =	vpop (xrf0)  }
0x1dc: {  	v31 =	vadd.f32 v45, v44;
	v21 =	vld.idx.msk [tilespmem:v26+s31+$0x0], $0xffff;
	v26 =	vnsel vm1, $0x0, v27;
	(v2sf) =	vpush v20, $0xF  }
0x1dd: {  	v45 =	vadd.f32 v49, v48;
	v49 =	vmax.f32 v18, $-4.000000060e+30;
	v47 =	vadd.f32 v26, v25;
	v25 =	vld.idx.msk [tilespmem:v56+s31+$0x0], $0xffff  }
0x1de: {  	v28 =	vmax.f32 v36, $-4.000000060e+30;
	v30 =	vmax.f32 v37, $-4.000000060e+30;
	v26 =	vmax.f32 v27, $-4.000000060e+30;
	v23 =	vld.idx.msk [tilespmem:v33+s31+$0x0], $0xffff  }
0x1df: {  	vm1 =	vgt.f32 v29, $-1.000000020e+30;
	v27 =	vmax.f32 v38, $-4.000000060e+30;
	v48 =	vmax.f32 v26, v29;
	v26 =	vld.idx.msk [tilespmem:v34+s31+$0x0], $0xffff  }
0x1e0: {  	v56 =	vnsel vm1, $0x0, v29;
	vm1 =	vgt.f32 v31, $-1.000000020e+30;
	v30 =	vmax.f32 v30, v27;
	v27 =	vld.idx.msk [tilespmem:v59+s31+$0x0], $0xffff  }
0x1e1: {  	v50 =	vmax.f32 v49, v46;
	v51 =	vmax.f32 v31, $-4.000000060e+30;
	v59 =	vnsel vm1, $0x0, v31;
	v31 =	vld.idx.msk [tilespmem:v61+s31+$0x0], $0xffff  }
0x1e2: {  	v52 =	vmax.f32 v39, $-4.000000060e+30;
	v53 =	vmax.f32 v45, $-4.000000060e+30;
	v33 =	vmax.f32 v48, v28;
	v28 =	vld.idx.msk [tilespmem:v57+s31+$0x0], $0xffff  }
0x1e3: {  	v54 =	vmax.f32 v52, v53;
	v34 =	vmax.f32 v50, v51;
	v29 =	vld.idx.msk [tilespmem:v58+s31+$0x0], $0xffff;
	v57 =	vmax.f32 v33, v30  }
0x1e4: {  	vm4 =	vgt.f32 v36, $-1.000000020e+30;
	v58 =	vmax.f32 v34, v54;
	v20 =	vld.idx.msk [tilespmem:v22+s31+$0x0], $0xffff;
	(xrf0) =	vmax.scan.msk.f32 $0xffff, v57  }
0x1e5: {  	vm14 =	vgt.f32 v38, $-1.000000020e+30;
	vm2 =	vgt.f32 v39, $-1.000000020e+30;
	vm15 =	vgt.f32 v18, $-1.000000020e+30;
	v22 =	vld.idx.msk [tilespmem:v32+s31+$0x0], $0xffff;
	(xrf0) =	vmax.scan.msk.f32 $0xffff, v58  }
0x1e6: {  	vm3 =	vgt.f32 v45, $-1.000000020e+30;
	v11 =	vnsel vm2, $0x0, v39;
	vm1 =	vgt.f32 v37, $-1.000000020e+30;
	v32 =	vld.idx.msk [tilespmem:v60+s31+$0x0], $0xffff  }
0x1e7: {  	v42 =	vadd.f32 v56, v47;
	v61 =	vnsel vm1, $0x0, v37;
	v60 =	vnsel vm4, $0x0, v36;
	v33 =	vld.idx.msk [tilespmem:v62+s31+$0x0], $0xffff  }
0x1e8: {  	v62 =	vnsel vm14, $0x0, v38;
	v17 =	vadd.f32 v61, v17;
	v36 =	vld.idx.msk [tilespmem:v10+s31+$0x0], $0xffff;
	v10 =	vnsel vm3, $0x0, v45  }
0x1e9: {  	v18 =	vnsel vm15, $0x0, v18;
	v19 =	vadd.f32 v62, v19  }
0x1ea: {  	v34 =	vld.idx.msk [tilespmem:v63+s31+$0x0], $0xffff;
	v63 =	vadd.f32 v18, v42;
	v17 =	vadd.f32 v11, v17;
	v11, _, _ =	vpop (xrf0);
	s4 =	spop (v2sf)  }
0x1eb: {  	v18 =	vadd.f32 v10, v19;
	v10, _, _ =	vpop (xrf0);
	s17 =	spop (v2sf);
	(v2sf) =	vpush v11, $0xF  }
0x1ec: {  	v14 =	vld [tilespmem:s0+$0x0];
	(v2sf) =	vpush v10, $0xF  }
0x1ed: {  	v12 =	vld [tilespmem:s0+$0xFFFFFFB0]  }
0x1ee: {  	v55 =	vld [tilespmem:s16+$0x20]  }
0x1ef: {  	v13 =	vld [tilespmem:s16+$0x0];
	_ =	sdelay $0x4  }
0x1f0: {  	v39 =	vld.idx.msk [tilespmem:v14+s31+$0x0], $0xffff  }
0x1f1: {  	s2 =	simm.s32 $0x0;
	vm1 =	vgt.f32 v46, $-1.000000020e+30;
	v37 =	vld.idx.msk [tilespmem:v12+s31+$0x0], $0xffff;
	v16 =	vadd.f32 v60, v16  }
0x1f2: {  	s1 =	simm.s32 $0x1;
	v30 =	vld.idx.msk [tilespmem:v55+s31+$0x0], $0xffff;
	v12 =	vnsel vm1, $0x0, v46;
	[smem:s2] =	sst s4  }
0x1f3: {  	v38 =	vld.idx.msk [tilespmem:v13+s31+$0x0], $0xffff;
	v16 =	vadd.f32 v59, v16;
	v19 =	vadd.f32 v12, v63;
	s2 =	simm.s32 $0x4;
	s4 =	simm.s32 $0x1B7B0;
	[smem:s1] =	sst s17  }
.LBB2_15:
0x1f4: {  	v10 =	vld [tilespmem:s4+$0xFFFFFFC0];
	s0 =	sadd.s32 $0xA0, s0  }
0x1f5: {  	v12 =	vadd.f32 v21, v20;
	v13 =	vadd.f32 v23, v22;
	s1 =	sadd.s32 $0x2, s1;
	v11 =	vld [tilespmem:s0+$0xFFFFFFC0]  }
0x1f6: {  	v20 =	vadd.f32 v25, v24;
	v21 =	vadd.f32 v27, v26;
	s16 =	sadd.s32 $0xFFFFFFFF, s1;
	v14 =	vld [tilespmem:s4+$0xFFFFFFD0];
	s17 =	spop (v2sf)  }
0x1f7: {  	v24 =	vadd.f32 v29, v28;
	v25 =	vadd.f32 v32, v30;
	v22 =	vmax.f32 v12, $-4.000000060e+30;
	v23 =	vld [tilespmem:s0+$0xFFFFFFD0];
	[smem:s16] =	sst s17;
	s16 =	spop (v2sf)  }
0x1f8: {  	v28 =	vadd.f32 v33, v31;
	v29 =	vadd.f32 v35, v34;
	v27 =	vmax.f32 v13, $-4.000000060e+30;
	v26 =	vld [tilespmem:s4+$0xFFFFFFE0];
	[smem:s1] =	sst s16  }
0x1f9: {  	v31 =	vadd.f32 v37, v36;
	vm3 =	vgt.f32 v24, $-1.000000020e+30;
	v32 =	vadd.f32 v39, v38;
	v30 =	vld [tilespmem:s0+$0xFFFFFFE0]  }
0x1fa: {  	vm4 =	vgt.f32 v25, $-1.000000020e+30;
	vm2 =	vgt.f32 v28, $-1.000000020e+30;
	vm1 =	vgt.f32 v29, $-1.000000020e+30;
	v33 =	vld [tilespmem:s4+$0xFFFFFFF0]  }
0x1fb: {  	vm6 =	vgt.f32 v12, $-1.000000020e+30;
	vm7 =	vgt.f32 v13, $-1.000000020e+30;
	vm5 =	vgt.f32 v31, $-1.000000020e+30;
	v34 =	vld [tilespmem:s0+$0xFFFFFFF0]  }
0x1fc: {  	v36 =	vnsel vm5, $0x0, v31;
	vm5 =	vgt.f32 v20, $-1.000000020e+30;
	vm8 =	vgt.f32 v32, $-1.000000020e+30;
	v35 =	vld [tilespmem:s4+$0x10]  }
0x1fd: {  	vm9 =	vgt.f32 v21, $-1.000000020e+30;
	v19 =	vadd.f32 v36, v19;
	v36 =	vnsel vm3, $0x0, v24;
	v37 =	vld [tilespmem:s0+$0x10]  }
0x1fe: {  	v12 =	vnsel vm6, $0x0, v12;
	v40 =	vnsel vm4, $0x0, v25;
	v39 =	vnsel vm9, $0x0, v21;
	v38 =	vld [tilespmem:s4+$0x20]  }
0x1ff: {  	v13 =	vnsel vm7, $0x0, v13;
	v42 =	vnsel vm5, $0x0, v20;
	v19 =	vadd.f32 v39, v19;
	v41 =	vld [tilespmem:s0+$0x20]  }
0x200: {  	s2 =	sadd.s32 $0x2, s2;
	v12 =	vadd.f32 v12, v16;
	v13 =	vadd.f32 v13, v17;
	v16 =	vnsel vm8, $0x0, v32;
	v39 =	vld [tilespmem:s4+$0x30]  }
0x201: {  	p0 =	slt.u32 s2, $0x30;
	v18 =	vadd.f32 v42, v18;
	v42 =	vnsel vm2, $0x0, v28;
	v19 =	vadd.f32 v16, v19;
	v43 =	vld [tilespmem:s0+$0x30]  }
0x202: {  	v17 =	vadd.f32 v40, v13;
	v16 =	vadd.f32 v36, v12;
	v12 =	vnsel vm1, $0x0, v29;
	v44 =	vld [tilespmem:s4+$0x40]  }
0x203: {  	v31 =	vmax.f32 v31, $-4.000000060e+30;
	v18 =	vadd.f32 v42, v18;
	v19 =	vadd.f32 v12, v19;
	v13 =	vld [tilespmem:s0+$0x40]  }
0x204: {  	v20 =	vmax.f32 v20, $-4.000000060e+30;
	v21 =	vmax.f32 v31, v21;
	v31 =	vmax.f32 v32, $-4.000000060e+30;
	v12 =	vld [tilespmem:s4+$0xFFFFFFB0]  }
0x205: {  	v21 =	vmax.f32 v21, v22;
	v20 =	vmax.f32 v27, v20;
	v22 =	vmax.f32 v31, v29;
	v40 =	vld [tilespmem:s0+$0xFFFFFFB0]  }
0x206: {  	v25 =	vmax.f32 v25, $-4.000000060e+30;
	v24 =	vmax.f32 v24, $-4.000000060e+30;
	v27 =	vmax.f32 v28, $-4.000000060e+30;
	v42 =	vld [tilespmem:s4+$0x0]  }
0x207: {  	v21 =	vmax.f32 v21, v20;
	v22 =	vmax.f32 v22, v24;
	v24 =	vmax.f32 v25, v27;
	v45 =	vld [tilespmem:s0+$0x0]  }
0x208: {  	v20 =	vld.idx.msk [tilespmem:v10+s31+$0x0], $0xffff;
	v10 =	vmax.f32 v22, v24;
	(xrf0) =	vmax.scan.msk.f32 $0xffff, v21  }
0x209: {  	v21 =	vld.idx.msk [tilespmem:v11+s31+$0x0], $0xffff;
	(xrf0) =	vmax.scan.msk.f32 $0xffff, v10  }
0x20a: {  	v22 =	vld.idx.msk [tilespmem:v14+s31+$0x0], $0xffff  }
0x20b: {  	v23 =	vld.idx.msk [tilespmem:v23+s31+$0x0], $0xffff  }
0x20c: {  	v24 =	vld.idx.msk [tilespmem:v26+s31+$0x0], $0xffff  }
0x20d: {  	v25 =	vld.idx.msk [tilespmem:v30+s31+$0x0], $0xffff  }
0x20e: {  	v26 =	vld.idx.msk [tilespmem:v33+s31+$0x0], $0xffff;
	v10, _, _ =	vpop (xrf0)  }
0x20f: {  	v27 =	vld.idx.msk [tilespmem:v34+s31+$0x0], $0xffff;
	(v2sf) =	vpush v10, $0xF;
	v10, _, _ =	vpop (xrf0)  }
0x210: {  	v28 =	vld.idx.msk [tilespmem:v35+s31+$0x0], $0xffff;
	(v2sf) =	vpush v10, $0xF  }
0x211: {  	v29 =	vld.idx.msk [tilespmem:v37+s31+$0x0], $0xffff  }
0x212: {  	v30 =	vld.idx.msk [tilespmem:v38+s31+$0x0], $0xffff  }
0x213: {  	v32 =	vld.idx.msk [tilespmem:v41+s31+$0x0], $0xffff  }
0x214: {  	v31 =	vld.idx.msk [tilespmem:v39+s31+$0x0], $0xffff  }
0x215: {  	v33 =	vld.idx.msk [tilespmem:v43+s31+$0x0], $0xffff  }
0x216: {  	v34 =	vld.idx.msk [tilespmem:v44+s31+$0x0], $0xffff  }
.Ltmp14:
0x217: {  	v35 =	vld.idx.msk [tilespmem:v13+s31+$0x0], $0xffff;
	(pc) =	sbr.rel @p0 .LBB2_15-.Ltmp14, $4  }
0x218: {  	v36 =	vld.idx.msk [tilespmem:v12+s31+$0x0], $0xffff  }
0x219: {  	v37 =	vld.idx.msk [tilespmem:v40+s31+$0x0], $0xffff  }
0x21a: {  	v38 =	vld.idx.msk [tilespmem:v42+s31+$0x0], $0xffff  }
0x21b: {  	s4 =	sadd.s32 $0xA0, s4;
	v39 =	vld.idx.msk [tilespmem:v45+s31+$0x0], $0xffff  }
0x21c: {  	v10 =	vadd.f32 v21, v20  }
0x21d: {  	v11 =	vadd.f32 v23, v22;
	v12 =	vadd.f32 v25, v24  }
0x21e: {  	v13 =	vadd.f32 v27, v26;
	v20 =	vadd.f32 v29, v28  }
0x21f: {  	v57 =	vadd.f32 v32, v30;
	v25 =	vadd.f32 v33, v31  }
0x220: {  	v26 =	vadd.f32 v35, v34;
	v14 =	vmax.f32 v10, $-4.000000060e+30;
	v56 =	vadd.f32 v37, v36  }
0x221: {  	v23 =	vmax.f32 v11, $-4.000000060e+30;
	v58 =	vmax.f32 v12, $-4.000000060e+30;
	v24 =	vadd.f32 v39, v38  }
0x222: {  	v60 =	vmax.f32 v20, $-4.000000060e+30;
	v61 =	vmax.f32 v57, $-4.000000060e+30;
	v27 =	vmax.f32 v56, $-4.000000060e+30  }
0x223: {  	v62 =	vmax.f32 v25, $-4.000000060e+30;
	v27 =	vmax.f32 v27, v13;
	v59 =	vmax.f32 v24, $-4.000000060e+30  }
0x224: {  	v23 =	vmax.f32 v23, v58;
	v14 =	vmax.f32 v27, v14;
	v27 =	vmax.f32 v59, v26  }
0x225: {  	v14 =	vmax.f32 v14, v23;
	v63 =	vmax.f32 v27, v60;
	v27 =	vmax.f32 v61, v62  }
0x226: {  	(xrf0) =	vmax.scan.msk.f32 $0xffff, v14;
	v23 =	vmax.f32 v63, v27  }
0x227: {  	(xrf0) =	vmax.scan.msk.f32 $0xffff, v23;
	_ =	sdelay $0x4  }
0x228: {  	v14, _, _ =	vpop (xrf0)  }
0x229: {  	(v2sf) =	vpush v14, $0xF;
	v14, _, _ =	vpop (xrf0)  }
0x22a: {  	(v2sf) =	vpush v14, $0xF;
	_ =	sdelay $0x6  }
0x22b: {  	vm2 =	vgt.f32 v20, $-1.000000020e+30  }
0x22c: {  	vm3 =	vgt.f32 v57, $-1.000000020e+30;
	vm4 =	vgt.f32 v25, $-1.000000020e+30;
	vm1 =	vgt.f32 v26, $-1.000000020e+30  }
0x22d: {  	vm6 =	vgt.f32 v10, $-1.000000020e+30;
	vm7 =	vgt.f32 v11, $-1.000000020e+30;
	vm5 =	vgt.f32 v56, $-1.000000020e+30  }
0x22e: {  	vm15 =	vgt.f32 v12, $-1.000000020e+30;
	vm9 =	vgt.f32 v13, $-1.000000020e+30;
	v14 =	vnsel vm5, $0x0, v56  }
0x22f: {  	s0 =	sadd.s32 $0x2, s1;
	s17 =	spop (v2sf);
	v10 =	vnsel vm6, $0x0, v10;
	v11 =	vnsel vm7, $0x0, v11;
	v14 =	vadd.f32 v14, v19  }
0x230: {  	s2 =	sadd.s32 $0xFFFFFFFF, s0;
	v12 =	vnsel vm15, $0x0, v12;
	s4 =	spop (v2sf);
	v10 =	vadd.f32 v10, v16;
	v13 =	vnsel vm9, $0x0, v13  }
.Ltmp15:
0x231: {  	[smem:s2] =	sst s17;
	s2 =	sadd.s32 $0x2, s0;
	v11 =	vadd.f32 v11, v17;
	vm8 =	vgt.f32 v24, $-1.000000020e+30;
	v13 =	vadd.f32 v13, v14;
	(pc) =	sbr.rel .LBB2_17-.Ltmp15, $4  }
0x232: {  	[smem:s0] =	sst s4;
	v12 =	vadd.f32 v12, v18;
	s4 =	sadd.s32 $0xFFFFFFFF, s2;
	v19 =	vnsel vm2, $0x0, v20;
	v14 =	vnsel vm8, $0x0, v24;
	s16 =	spop (v2sf)  }
0x233: {  	v20 =	vnsel vm3, $0x0, v57;
	v16 =	vadd.f32 v19, v10;
	v13 =	vadd.f32 v14, v13;
	[smem:s4] =	sst s16;
	s17 =	spop (v2sf)  }
0x234: {  	v17 =	vadd.f32 v20, v11;
	v10 =	vnsel vm1, $0x0, v26;
	v14 =	vnsel vm4, $0x0, v25;
	[smem:s2] =	sst s17  }
0x235: {  	s1 =	simm.s32 $0x1C520;
	s0 =	simm.s32 $0x1B580;
	v18 =	vadd.f32 v14, v12;
	v19 =	vadd.f32 v10, v13;
	v24 =	vld [tilespmem:$0x1FFF0]  }
.LBB2_21:
0x236: {  	s31 =	sadd.s32 $0x1, s31  }
0x237: {  	p0 =	sne.s32 s31, $0x32  }
.Ltmp16:
0x238: {  	_ = 	snop;
	(pc) =	sbr.rel @!p0 .LBB2_22-.Ltmp16, $2  }
0x239: {  	_ =	sdelay $0x2  }
0x23a: {  	s0 =	sadd.s32 $0x50, s0;
	s1 =	sadd.s32 $0x50, s1  }
.LBB2_17:
0x23b: {  	s2 =	sld [smem:s31+$0x0];
	_ =	sdelay $0x2  }
0x23c: {  	p0 =	sgt.f32 s2, $-1.000000020e+30  }
.Ltmp17:
0x23d: {  	_ = 	snop;
	(pc) =	sbr.rel @!p0 .LBB2_21-.Ltmp17, $4  }
.Ltmp18:
0x23e: {  	_ = 	snop;
	(pc) =	sbr.rel @p0 .LBB2_18-.Ltmp18, $4  }
0x23f: {  	_ = 	snop  }
0x240: {  	_ = 	snop  }
0x241: {  	s2 =	simm.s32 $0x0  }
0x242: {  	_ = 	snop  }
.LBB2_20:
0x243: {  	s2 =	sadd.s32 $0x40, s2  }
0x244: {  	p0 =	sne.s32 s2, $0x140  }
.Ltmp19:
0x245: {  	_ = 	snop;
	(pc) =	sbr.rel @!p0 .LBB2_21-.Ltmp19, $1  }
0x246: {  	_ =	sdelay $0x3  }
.LBB2_18:
0x247: {  	s4 =	sshra.s32 s2, $0x2  }
0x248: {  	s16 =	sadd.s32 s4, s0  }
0x249: {  	s4 =	sadd.s32 s4, s1;
	v20 =	vld [tilespmem:s16+$0x0]  }
0x24a: {  	v21 =	vld [tilespmem:s4+$0x0];
	_ =	sdelay $0x6  }
0x24b: {  	v10 =	vld.idx.msk [tilespmem:v20+s6+$0x0], $0xffff  }
0x24c: {  	v11 =	vld.idx.msk [tilespmem:v21+s6+$0x0], $0xffff;
	_ =	sdelay $0x4  }
0x24d: {  	v10 =	vadd.f32 v11, v10;
	_ =	sdelay $0x1  }
0x24e: {  	vm1 =	vgt.f32 v10, $-1.000000020e+30  }
0x24f: {  	v10 =	vsel vm1, $0x3F800000, v2  }
0x250: {  	(xrf0) =	vmax.scan.msk.f32 $0xffff, v10;
	_ =	sdelay $0x5  }
0x251: {  	v10, _, _ =	vpop (xrf0)  }
0x252: {  	(v2sf) =	vpush v10, $0xF;
	_ =	sdelay $0xe  }
0x253: {  	s17 =	spop (v2sf)  }
0x254: {  	p0 =	sgt.f32 s17, $0.0e+00  }
.Ltmp20:
0x255: {  	_ = 	snop;
	(pc) =	sbr.rel @!p0 .LBB2_20-.Ltmp20, $1  }
0x256: {  	_ =	sdelay $0x3  }
0x257: {  	_ =	sdelay $0x3  }
0x258: {  	[tilespmem:s23], [sflag:$0x3] =	stream.indirect_vreg.gather [hbm4b:s7+s6], $0x8, v20, vm0, $0xb8;
	[tilespmem:$0x1D5D0] =	vst v63  }
0x259: {  	_ = 	snop  }
0x25a: {  	[tilespmem:s24], [sflag:$0x3] =	stream.indirect_vreg.gather [hbm4b:s7+s6], $0x8, v21, vm0, $0xb8;
	[tilespmem:$0x1D5D0] =	vst v63  }
0x25b: {  	_ =	swait.ge [sflag:s20], $0x80  }
0x25c: {  	[sflag:s20] =	ssyncset.done $0x0  }
0x25d: {  	[sflag:s20] =	ssyncadd.s32 $0xFFFFFF80  }
0x25e: {  	_ =	swait.ge [sflag:s20], $0x80  }
0x25f: {  	[sflag:s20] =	ssyncset.done $0x0  }
0x260: {  	[sflag:s20] =	ssyncadd.s32 $0xFFFFFF80  }
0x261: {  	v10 =	vld.idx.msk [tilespmem:v0+s23+$0x0], $0xffff  }
0x262: {  	v11 =	vld.idx.msk [tilespmem:v0+s24+$0x0], $0xffff  }
0x263: {  	v12 =	vld.idx.msk [tilespmem:v3+s23+$0x0], $0xffff  }
0x264: {  	v13 =	vld.idx.msk [tilespmem:v3+s24+$0x0], $0xffff  }
0x265: {  	v14 =	vld.idx.msk [tilespmem:v4+s23+$0x0], $0xffff  }
0x266: {  	v20 =	vld.idx.msk [tilespmem:v4+s24+$0x0], $0xffff  }
0x267: {  	v61 =	vld.idx.msk [tilespmem:v5+s23+$0x0], $0xffff  }
0x268: {  	v22 =	vld.idx.msk [tilespmem:v6+s24+$0x0], $0xffff  }
0x269: {  	v10 =	vsub.f32 v10, v11;
	v11 =	vsub.f32 v12, v13;
	v12 =	vld.idx.msk [tilespmem:v5+s24+$0x0], $0xffff  }
0x26a: {  	v13 =	vld.idx.msk [tilespmem:v6+s23+$0x0], $0xffff  }
0x26b: {  	v14 =	vsub.f32 v14, v20  }
0x26c: {  	v10 =	vadd.f32 $9.999999970e-07, v10;
	v11 =	vadd.f32 $9.999999970e-07, v11  }
0x26d: {  	v62 =	vld.idx.msk [tilespmem:v7+s24+$0x0], $0xffff;
	v14 =	vadd.f32 $9.999999970e-07, v14  }
0x26e: {  	v20 =	vld.idx.msk [tilespmem:v7+s23+$0x0], $0xffff;
	v10 =	vmul.f32 v10, v10;
	v11 =	vmul.f32 v11, v11;
	v12 =	vsub.f32 v61, v12  }
0x26f: {  	v63 =	vld.idx.msk [tilespmem:v8+s24+$0x0], $0xffff;
	v13 =	vsub.f32 v13, v22  }
0x270: {  	v14 =	vmul.f32 v14, v14;
	v10 =	vadd.f32 v11, v10;
	v11 =	vld.idx.msk [tilespmem:v8+s23+$0x0], $0xffff;
	v12 =	vadd.f32 $9.999999970e-07, v12  }
0x271: {  	v23 =	vld.idx.msk [tilespmem:v9+s23+$0x0], $0xffff  }
0x272: {  	v13 =	vadd.f32 $9.999999970e-07, v13;
	v10 =	vadd.f32 v14, v10;
	v14 =	vld.idx.msk [tilespmem:v9+s24+$0x0], $0xffff;
	v12 =	vmul.f32 v12, v12  }
0x273: {  	v20 =	vsub.f32 v20, v62  }
0x274: {  	v10 =	vadd.f32 v12, v10;
	v12 =	vmul.f32 v13, v13  }
0x275: {  	v11 =	vsub.f32 v11, v63;
	v13 =	vadd.f32 $9.999999970e-07, v20  }
0x276: {  	v10 =	vadd.f32 v12, v10  }
0x277: {  	v12 =	vsub.f32 v23, v14;
	v13 =	vmul.f32 v13, v13;
	v11 =	vadd.f32 $9.999999970e-07, v11;
	_ =	sdelay $0x1  }
0x278: {  	v10 =	vadd.f32 v13, v10;
	v11 =	vmul.f32 v11, v11;
	v12 =	vadd.f32 $9.999999970e-07, v12;
	_ =	sdelay $0x1  }
0x279: {  	v10 =	vadd.f32 v11, v10;
	v11 =	vmul.f32 v12, v12;
	_ =	sdelay $0x1  }
0x27a: {  	v10 =	vadd.f32 v11, v10;
	_ =	sdelay $0x1  }
0x27b: {  	v10 =	vmax.f32 v10, $1.000000020e-35  }
0x27c: {  	v11 =	vshra.s32 v10, $0x1;
	v12 =	vmul.f32 $5.000000000e-01, v10  }
0x27d: {  	v11 =	vsub.s32 $0x5F3759DF, v11  }
0x27e: {  	v13 =	vmul.f32 v11, v12;
	_ =	sdelay $0x1  }
0x27f: {  	v13 =	vmul.f32 v11, v13;
	_ =	sdelay $0x1  }
0x280: {  	v13 =	vsub.f32 $1.500000000e+00, v13;
	_ =	sdelay $0x1  }
0x281: {  	v11 =	vmul.f32 v11, v13;
	_ =	sdelay $0x1  }
0x282: {  	v13 =	vmul.f32 v11, v12;
	_ =	sdelay $0x1  }
0x283: {  	v13 =	vmul.f32 v13, v11;
	_ =	sdelay $0x1  }
0x284: {  	v13 =	vsub.f32 $1.500000000e+00, v13;
	_ =	sdelay $0x1  }
0x285: {  	v11 =	vmul.f32 v13, v11;
	_ =	sdelay $0x1  }
0x286: {  	v12 =	vmul.f32 v11, v12;
	_ =	sdelay $0x1  }
0x287: {  	v12 =	vmul.f32 v12, v11;
	_ =	sdelay $0x1  }
0x288: {  	v12 =	vsub.f32 $1.500000000e+00, v12;
	_ =	sdelay $0x1  }
0x289: {  	v11 =	vmul.f32 v12, v11;
	v12 =	vld [tilespmem:$0x1D5C0];
	_ =	sdelay $0x1  }
0x28a: {  	v10 =	vmul.f32 v11, v10  }
.Ltmp21:
0x28b: {  	_ = 	snop;
	(pc) =	sbr.rel .LBB2_20-.Ltmp21, $3  }
0x28c: {  	v10 =	vnsel vm1, $0x0, v10  }
0x28d: {  	v10 =	vsub.f32 v12, v10;
	_ =	sdelay $0x1  }
0x28e: {  	[tilespmem:$0x1D5C0] =	vst v10  }
.LBB2_23:
0x28f: {  	s0 =	simm.s32 $0x1  }
0x290: {  	_ =	swait.ge [sflag:s0], $0xFA0  }
0x291: {  	[sflag:s0] =	ssyncset.done $0x0  }
0x292: {  	[sflag:s0] =	ssyncadd.s32 $0xFFFFF060  }
0x293: {  	_ =	swait.ge [sflag:s0], $0xFA0  }
0x294: {  	[sflag:s0] =	ssyncset.done $0x0  }
0x295: {  	s1 =	simm.s32 $0x19690;
	[sflag:s0] =	ssyncadd.s32 $0xFFFFF060  }
0x296: {  	s2 =	simm.s32 $0x1A630;
	v10 =	vld [tilespmem:s1+$0xFFFFFFC0]  }
0x297: {  	v11 =	vld [tilespmem:s2+$0xFFFFFFC0]  }
0x298: {  	v12 =	vld [tilespmem:s1+$0xFFFFFFD0]  }
0x299: {  	v13 =	vld [tilespmem:s2+$0xFFFFFFD0]  }
0x29a: {  	v14 =	vld [tilespmem:s1+$0xFFFFFFE0]  }
0x29b: {  	v15 =	vld [tilespmem:s2+$0xFFFFFFE0]  }
0x29c: {  	v16 =	vld [tilespmem:s1+$0xFFFFFFF0]  }
0x29d: {  	v17 =	vld [tilespmem:s2+$0xFFFFFFF0]  }
0x29e: {  	v18 =	vld [tilespmem:s1+$0x10]  }
0x29f: {  	v19 =	vld [tilespmem:s2+$0x10]  }
0x2a0: {  	v20 =	vld [tilespmem:s1+$0x20]  }
0x2a1: {  	v21 =	vld [tilespmem:s2+$0x20]  }
0x2a2: {  	v22 =	vld [tilespmem:s1+$0x30]  }
0x2a3: {  	v23 =	vld [tilespmem:s2+$0x30]  }
0x2a4: {  	v24 =	vld [tilespmem:s1+$0x40]  }
0x2a5: {  	v25 =	vld [tilespmem:s2+$0x40]  }
0x2a6: {  	v26 =	vld [tilespmem:s1+$0xFFFFFFB0]  }
0x2a7: {  	v27 =	vld [tilespmem:s2+$0xFFFFFFB0]  }
0x2a8: {  	v28 =	vld [tilespmem:s1+$0x0]  }
0x2a9: {  	s4 =	simm.s32 $0x1A6D0;
	v29 =	vld [tilespmem:s2+$0x0]  }
0x2aa: {  	v31 =	vld [tilespmem:s4+$0xFFFFFFC0]  }
0x2ab: {  	v33 =	vld [tilespmem:s4+$0xFFFFFFD0]  }
0x2ac: {  	v35 =	vld [tilespmem:s4+$0xFFFFFFE0]  }
0x2ad: {  	v37 =	vld [tilespmem:s4+$0xFFFFFFF0]  }
0x2ae: {  	v39 =	vld [tilespmem:s4+$0x10]  }
0x2af: {  	v41 =	vld [tilespmem:s4+$0x20]  }
0x2b0: {  	v43 =	vld [tilespmem:s4+$0x30]  }
0x2b1: {  	v45 =	vld [tilespmem:s4+$0x40]  }
0x2b2: {  	v47 =	vld [tilespmem:s4+$0xFFFFFFB0]  }
0x2b3: {  	s16 =	simm.s32 $0x197D0;
	v49 =	vld [tilespmem:s4+$0x0]  }
0x2b4: {  	v55 =	vld [tilespmem:s16+$0x30]  }
0x2b5: {  	s2 =	simm.s32 $0x19730;
	v58 =	vld [tilespmem:s16+$0xFFFFFFB0]  }
0x2b6: {  	v30 =	vld [tilespmem:s2+$0xFFFFFFC0]  }
0x2b7: {  	v32 =	vld [tilespmem:s2+$0xFFFFFFD0]  }
0x2b8: {  	v34 =	vld [tilespmem:s2+$0xFFFFFFE0]  }
0x2b9: {  	v36 =	vld [tilespmem:s2+$0xFFFFFFF0]  }
0x2ba: {  	v38 =	vld [tilespmem:s2+$0x10]  }
0x2bb: {  	v40 =	vld [tilespmem:s2+$0x20]  }
0x2bc: {  	v42 =	vld [tilespmem:s2+$0x30]  }
0x2bd: {  	s29 =	simm.s32 $0x0;
	v44 =	vld [tilespmem:s2+$0x40]  }
0x2be: {  	v10 =	vld.idx.msk [tilespmem:v10+s29+$0x0], $0xffff  }
0x2bf: {  	v11 =	vld.idx.msk [tilespmem:v11+s29+$0x0], $0xffff  }
0x2c0: {  	v12 =	vld.idx.msk [tilespmem:v12+s29+$0x0], $0xffff  }
0x2c1: {  	v13 =	vld.idx.msk [tilespmem:v13+s29+$0x0], $0xffff  }
0x2c2: {  	v14 =	vld.idx.msk [tilespmem:v14+s29+$0x0], $0xffff  }
0x2c3: {  	v15 =	vld.idx.msk [tilespmem:v15+s29+$0x0], $0xffff  }
0x2c4: {  	v16 =	vld.idx.msk [tilespmem:v16+s29+$0x0], $0xffff  }
0x2c5: {  	v17 =	vld.idx.msk [tilespmem:v17+s29+$0x0], $0xffff  }
0x2c6: {  	v18 =	vld.idx.msk [tilespmem:v18+s29+$0x0], $0xffff  }
0x2c7: {  	v19 =	vld.idx.msk [tilespmem:v19+s29+$0x0], $0xffff  }
0x2c8: {  	v20 =	vld.idx.msk [tilespmem:v20+s29+$0x0], $0xffff  }
0x2c9: {  	v21 =	vld.idx.msk [tilespmem:v21+s29+$0x0], $0xffff  }
0x2ca: {  	v22 =	vld.idx.msk [tilespmem:v22+s29+$0x0], $0xffff  }
0x2cb: {  	v23 =	vld.idx.msk [tilespmem:v23+s29+$0x0], $0xffff  }
0x2cc: {  	v24 =	vld.idx.msk [tilespmem:v24+s29+$0x0], $0xffff  }
0x2cd: {  	v25 =	vld.idx.msk [tilespmem:v25+s29+$0x0], $0xffff  }
0x2ce: {  	v26 =	vld.idx.msk [tilespmem:v26+s29+$0x0], $0xffff  }
0x2cf: {  	v27 =	vld.idx.msk [tilespmem:v27+s29+$0x0], $0xffff  }
0x2d0: {  	v28 =	vld.idx.msk [tilespmem:v28+s29+$0x0], $0xffff  }
0x2d1: {  	v29 =	vld.idx.msk [tilespmem:v29+s29+$0x0], $0xffff  }
0x2d2: {  	v31 =	vld.idx.msk [tilespmem:v31+s29+$0x0], $0xffff  }
0x2d3: {  	v33 =	vld.idx.msk [tilespmem:v33+s29+$0x0], $0xffff  }
0x2d4: {  	v35 =	vld.idx.msk [tilespmem:v35+s29+$0x0], $0xffff  }
0x2d5: {  	v39 =	vld.idx.msk [tilespmem:v39+s29+$0x0], $0xffff  }
0x2d6: {  	v41 =	vld.idx.msk [tilespmem:v41+s29+$0x0], $0xffff  }
0x2d7: {  	v30 =	vld.idx.msk [tilespmem:v30+s29+$0x0], $0xffff  }
0x2d8: {  	v32 =	vld.idx.msk [tilespmem:v32+s29+$0x0], $0xffff  }
0x2d9: {  	v34 =	vld.idx.msk [tilespmem:v34+s29+$0x0], $0xffff;
	v10 =	vadd.f32 v11, v10  }
0x2da: {  	v38 =	vld.idx.msk [tilespmem:v38+s29+$0x0], $0xffff;
	v11 =	vadd.f32 v13, v12;
	v14 =	vadd.f32 v15, v14  }
0x2db: {  	v40 =	vld.idx.msk [tilespmem:v40+s29+$0x0], $0xffff;
	v15 =	vadd.f32 v17, v16;
	v18 =	vadd.f32 v19, v18  }
0x2dc: {  	v46 =	vld [tilespmem:s2+$0xFFFFFFB0];
	v19 =	vadd.f32 v21, v20;
	v22 =	vadd.f32 v23, v22  }
0x2dd: {  	s4 =	simm.s32 $0x1A770;
	v48 =	vld [tilespmem:s2+$0x0];
	v23 =	vadd.f32 v27, v26;
	v24 =	vadd.f32 v25, v24  }
0x2de: {  	v50 =	vld [tilespmem:s4+$0xFFFFFFE0];
	v25 =	vadd.f32 v29, v28;
	v30 =	vadd.f32 v31, v30  }
0x2df: {  	v53 =	vld [tilespmem:s4+$0xFFFFFFF0];
	v31 =	vadd.f32 v33, v32;
	v32 =	vadd.f32 v35, v34  }
0x2e0: {  	v37 =	vld.idx.msk [tilespmem:v37+s29+$0x0], $0xffff;
	v13 =	vimm.f32 $0.0e+00;
	v63 =	vadd.f32 v39, v38;
	v41 =	vadd.f32 v41, v40  }
0x2e1: {  	v43 =	vld.idx.msk [tilespmem:v43+s29+$0x0], $0xffff;
	v17 =	vmax.f32 v10, $-4.000000060e+30;
	v21 =	vmax.f32 v11, $-4.000000060e+30;
	vm1 =	vgt.f32 v18, $-1.000000020e+30  }
0x2e2: {  	v45 =	vld.idx.msk [tilespmem:v45+s29+$0x0], $0xffff;
	vm2 =	vgt.f32 v23, $-1.000000020e+30;
	vm3 =	vgt.f32 v10, $-1.000000020e+30;
	v28 =	vmax.f32 v23, $-4.000000060e+30  }
0x2e3: {  	v47 =	vld.idx.msk [tilespmem:v47+s29+$0x0], $0xffff;
	v59 =	vmax.f32 v14, $-4.000000060e+30;
	v51 =	vmax.f32 v25, $-4.000000060e+30;
	v61 =	vmax.f32 v18, $-4.000000060e+30  }
0x2e4: {  	v36 =	vld.idx.msk [tilespmem:v36+s29+$0x0], $0xffff;
	v52 =	vmax.f32 v19, $-4.000000060e+30;
	v23 =	vnsel vm2, $0x0, v23;
	v28 =	vmax.f32 v28, v15  }
0x2e5: {  	v42 =	vld.idx.msk [tilespmem:v42+s29+$0x0], $0xffff;
	v21 =	vmax.f32 v21, v59;
	v60 =	vmax.f32 v51, v24;
	v18 =	vnsel vm1, $0x0, v18  }
0x2e6: {  	v46 =	vld.idx.msk [tilespmem:v46+s29+$0x0], $0xffff;
	vm1 =	vgt.f32 v11, $-1.000000020e+30;
	v10 =	vnsel vm3, $0x0, v10;
	vm2 =	vgt.f32 v15, $-1.000000020e+30  }
0x2e7: {  	v12 =	vld.idx.msk [tilespmem:v49+s29+$0x0], $0xffff;
	v17 =	vmax.f32 v28, v17;
	v49 =	vmax.f32 v60, v61;
	v15 =	vnsel vm2, $0x0, v15  }
0x2e8: {  	v48 =	vld.idx.msk [tilespmem:v48+s29+$0x0], $0xffff;
	vm2 =	vgt.f32 v14, $-1.000000020e+30;
	v17 =	vmax.f32 v17, v21;
	v21 =	vmax.f32 v22, $-4.000000060e+30  }
0x2e9: {  	v29 =	vld [tilespmem:s16+$0xFFFFFFE0];
	v23 =	vadd.f32 v23, v13;
	v11 =	vnsel vm1, $0x0, v11;
	v21 =	vmax.f32 v52, v21  }
0x2ea: {  	v27 =	vld [tilespmem:s4+$0xFFFFFFD0];
	vm1 =	vgt.f32 v25, $-1.000000020e+30;
	v10 =	vadd.f32 v10, v13;
	(xrf0) =	vmax.scan.msk.f32 $0xffff, v17;
	v21 =	vmax.f32 v49, v21  }
0x2eb: {  	v16 =	vld [tilespmem:s16+$0xFFFFFFC0];
	v15 =	vadd.f32 v15, v23;
	v17 =	vnsel vm1, $0x0, v25;
	vm1 =	vgt.f32 v19, $-1.000000020e+30;
	(xrf0) =	vmax.scan.msk.f32 $0xffff, v21  }
0x2ec: {  	v20 =	vld [tilespmem:s4+$0xFFFFFFC0];
	v14 =	vnsel vm2, $0x0, v14;
	v19 =	vnsel vm1, $0x0, v19;
	vm1 =	vgt.f32 v22, $-1.000000020e+30  }
0x2ed: {  	v26 =	vld [tilespmem:s16+$0xFFFFFFD0];
	v11 =	vadd.f32 v11, v13;
	v15 =	vadd.f32 v17, v15;
	v17 =	vnsel vm1, $0x0, v22  }
0x2ee: {  	v44 =	vld.idx.msk [tilespmem:v44+s29+$0x0], $0xffff;
	v12 =	vadd.f32 v12, v48;
	v13 =	vadd.f32 v14, v13  }
0x2ef: {  	v28 =	vld [tilespmem:s16+$0xFFFFFFF0];
	v10 =	vadd.f32 v18, v10;
	vm1 =	vgt.f32 v24, $-1.000000020e+30;
	v11 =	vadd.f32 v19, v11  }
0x2f0: {  	v14 =	vld [tilespmem:s16+$0x40];
	v22 =	vadd.f32 v47, v46;
	v18 =	vnsel vm1, $0x0, v24;
	v13 =	vadd.f32 v17, v13;
	v17, _, _ =	vpop (xrf0)  }
0x2f1: {  	v48 =	vmax.f32 v41, $-4.000000060e+30;
	v19 =	vld.idx.msk [tilespmem:v29+s29+$0x0], $0xffff;
	v21 =	vadd.f32 v18, v15;
	(v2sf) =	vpush v17, $0xF;
	v15, _, _ =	vpop (xrf0)  }
0x2f2: {  	v23 =	vmax.f32 v30, $-4.000000060e+30;
	v25 =	vmax.f32 v31, $-4.000000060e+30;
	v18 =	vld.idx.msk [tilespmem:v27+s29+$0x0], $0xffff;
	(v2sf) =	vpush v15, $0xF  }
0x2f3: {  	v46 =	vadd.f32 v43, v42;
	v24 =	vadd.f32 v37, v36;
	vm1 =	vgt.f32 v22, $-1.000000020e+30;
	v15 =	vld.idx.msk [tilespmem:v16+s29+$0x0], $0xffff  }
0x2f4: {  	v47 =	vadd.f32 v45, v44;
	v29 =	vmax.f32 v12, $-4.000000060e+30;
	v16 =	vld.idx.msk [tilespmem:v20+s29+$0x0], $0xffff;
	v20 =	vnsel vm1, $0x0, v22  }
0x2f5: {  	v17 =	vld.idx.msk [tilespmem:v26+s29+$0x0], $0xffff;
	vm1 =	vgt.f32 v24, $-1.000000020e+30;
	v26 =	vadd.f32 v20, v21;
	v21 =	vmax.f32 v22, $-4.000000060e+30  }
0x2f6: {  	v20 =	vld.idx.msk [tilespmem:v50+s29+$0x0], $0xffff;
	v22 =	vmax.f32 v32, $-4.000000060e+30;
	v50 =	vmax.f32 v46, $-4.000000060e+30;
	v27 =	vmax.f32 v21, v24  }
0x2f7: {  	v21 =	vld.idx.msk [tilespmem:v28+s29+$0x0], $0xffff;
	v25 =	vmax.f32 v25, v22;
	v28 =	vmax.f32 v29, v47;
	v29 =	vmax.f32 v63, $-4.000000060e+30  }
0x2f8: {  	v22 =	vld.idx.msk [tilespmem:v53+s29+$0x0], $0xffff;
	v53 =	vnsel vm1, $0x0, v24;
	v27 =	vmax.f32 v27, v23;
	v28 =	vmax.f32 v28, v29  }
0x2f9: {  	v54 =	vld [tilespmem:s4+$0x20];
	v29 =	vmax.f32 v48, v50;
	v37 =	vadd.f32 v53, v26;
	v26 =	vmax.f32 v27, v25  }
0x2fa: {  	v57 =	vld [tilespmem:s4+$0x40];
	vm4 =	vgt.f32 v30, $-1.000000020e+30;
	v28 =	vmax.f32 v28, v29;
	(xrf0) =	vmax.scan.msk.f32 $0xffff, v26  }
0x2fb: {  	v51 =	vld [tilespmem:s16+$0x10];
	v30 =	vnsel vm4, $0x0, v30;
	(xrf0) =	vmax.scan.msk.f32 $0xffff, v28  }
0x2fc: {  	v61 =	vld [tilespmem:s4+$0x0];
	v10 =	vadd.f32 v30, v10;
	vm1 =	vgt.f32 v63, $-1.000000020e+30  }
0x2fd: {  	v52 =	vld [tilespmem:s4+$0x10];
	v33 =	vnsel vm1, $0x0, v63;
	vm1 =	vgt.f32 v31, $-1.000000020e+30  }
0x2fe: {  	v59 =	vld [tilespmem:s4+$0xFFFFFFB0];
	vm15 =	vgt.f32 v12, $-1.000000020e+30;
	v31 =	vnsel vm1, $0x0, v31  }
0x2ff: {  	v29 =	vld.idx.msk [tilespmem:v14+s29+$0x0], $0xffff;
	v14 =	vadd.f32 v31, v11;
	v11 =	vnsel vm15, $0x0, v12  }
0x300: {  	v49 =	vld [tilespmem:s16+$0x20];
	v63 =	vadd.f32 v11, v37;
	v11 =	vadd.f32 v33, v10;
	v10, _, _ =	vpop (xrf0);
	s30 =	spop (v2sf)  }
0x301: {  	v56 =	vld [tilespmem:s4+$0x30];
	s31 =	spop (v2sf);
	(v2sf) =	vpush v10, $0xF;
	v10, _, _ =	vpop (xrf0)  }
0x302: {  	v60 =	vld [tilespmem:s16+$0x0];
	(v2sf) =	vpush v10, $0xF  }
0x303: {  	v30 =	vld.idx.msk [tilespmem:v57+s29+$0x0], $0xffff  }
0x304: {  	vm14 =	vgt.f32 v32, $-1.000000020e+30;
	v34 =	vld.idx.msk [tilespmem:v61+s29+$0x0], $0xffff  }
0x305: {  	v32 =	vnsel vm14, $0x0, v32;
	v24 =	vld.idx.msk [tilespmem:v52+s29+$0x0], $0xffff  }
0x306: {  	v13 =	vadd.f32 v32, v13;
	v32 =	vld.idx.msk [tilespmem:v59+s29+$0x0], $0xffff  }
0x307: {  	v23 =	vld.idx.msk [tilespmem:v51+s29+$0x0], $0xffff  }
0x308: {  	v25 =	vld.idx.msk [tilespmem:v49+s29+$0x0], $0xffff  }
0x309: {  	v27 =	vld.idx.msk [tilespmem:v54+s29+$0x0], $0xffff  }
0x30a: {  	vm2 =	vgt.f32 v41, $-1.000000020e+30;
	v26 =	vld.idx.msk [tilespmem:v55+s29+$0x0], $0xffff  }
0x30b: {  	s17 =	simm.s32 $0x0;
	vm3 =	vgt.f32 v46, $-1.000000020e+30;
	vm1 =	vgt.f32 v47, $-1.000000020e+30;
	v12 =	vnsel vm2, $0x0, v41;
	v31 =	vld.idx.msk [tilespmem:v58+s29+$0x0], $0xffff  }
0x30c: {  	v35 =	vnsel vm3, $0x0, v46;
	v28 =	vld.idx.msk [tilespmem:v56+s29+$0x0], $0xffff;
	v12 =	vadd.f32 v12, v14;
	v14 =	vnsel vm1, $0x0, v47;
	[smem:s17] =	sst s30  }
0x30d: {  	s1 =	simm.s32 $0x4;
	s2 =	simm.s32 $0x19870;
	v13 =	vadd.f32 v35, v13;
	v33 =	vld.idx.msk [tilespmem:v60+s29+$0x0], $0xffff;
	v14 =	vadd.f32 v14, v63;
	[smem:s0] =	sst s31  }
.LBB2_24:
0x30e: {  	v10 =	vld [tilespmem:s2+$0xFFFFFFC0];
	s4 =	sadd.s32 $0xA0, s4  }
0x30f: {  	v15 =	vadd.f32 v16, v15;
	v16 =	vadd.f32 v18, v17;
	s0 =	sadd.s32 $0x2, s0;
	v35 =	vld [tilespmem:s4+$0xFFFFFFC0]  }
0x310: {  	v18 =	vadd.f32 v20, v19;
	v19 =	vadd.f32 v22, v21;
	s16 =	sadd.s32 $0xFFFFFFFF, s0;
	v17 =	vld [tilespmem:s2+$0xFFFFFFD0];
	s17 =	spop (v2sf)  }
0x311: {  	v22 =	vadd.f32 v24, v23;
	v23 =	vadd.f32 v27, v25;
	v21 =	vmax.f32 v15, $-4.000000060e+30;
	v20 =	vld [tilespmem:s4+$0xFFFFFFD0];
	[smem:s16] =	sst s17;
	s16 =	spop (v2sf)  }
0x312: {  	v26 =	vadd.f32 v28, v26;
	v27 =	vadd.f32 v30, v29;
	v25 =	vmax.f32 v16, $-4.000000060e+30;
	v24 =	vld [tilespmem:s2+$0xFFFFFFE0];
	[smem:s0] =	sst s16  }
0x313: {  	v29 =	vadd.f32 v32, v31;
	vm3 =	vgt.f32 v22, $-1.000000020e+30;
	v30 =	vadd.f32 v34, v33;
	v28 =	vld [tilespmem:s4+$0xFFFFFFE0]  }
0x314: {  	vm4 =	vgt.f32 v23, $-1.000000020e+30;
	vm2 =	vgt.f32 v26, $-1.000000020e+30;
	vm1 =	vgt.f32 v27, $-1.000000020e+30;
	v31 =	vld [tilespmem:s2+$0xFFFFFFF0]  }
0x315: {  	vm6 =	vgt.f32 v15, $-1.000000020e+30;
	vm7 =	vgt.f32 v16, $-1.000000020e+30;
	vm5 =	vgt.f32 v29, $-1.000000020e+30;
	v32 =	vld [tilespmem:s4+$0xFFFFFFF0]  }
0x316: {  	v34 =	vnsel vm5, $0x0, v29;
	vm5 =	vgt.f32 v18, $-1.000000020e+30;
	vm8 =	vgt.f32 v30, $-1.000000020e+30;
	v33 =	vld [tilespmem:s2+$0x10]  }
0x317: {  	vm9 =	vgt.f32 v19, $-1.000000020e+30;
	v14 =	vadd.f32 v34, v14;
	v34 =	vnsel vm3, $0x0, v22;
	v36 =	vld [tilespmem:s4+$0x10]  }
0x318: {  	v15 =	vnsel vm6, $0x0, v15;
	v38 =	vnsel vm9, $0x0, v19;
	v39 =	vnsel vm4, $0x0, v23;
	v37 =	vld [tilespmem:s2+$0x20]  }
0x319: {  	v16 =	vnsel vm7, $0x0, v16;
	v41 =	vnsel vm5, $0x0, v18;
	v14 =	vadd.f32 v38, v14;
	v40 =	vld [tilespmem:s4+$0x20]  }
0x31a: {  	s1 =	sadd.s32 $0x2, s1;
	v11 =	vadd.f32 v15, v11;
	v12 =	vadd.f32 v16, v12;
	v15 =	vnsel vm8, $0x0, v30;
	v38 =	vld [tilespmem:s2+$0x30]  }
0x31b: {  	p0 =	slt.u32 s1, $0x30;
	v13 =	vadd.f32 v41, v13;
	v14 =	vadd.f32 v15, v14;
	v15 =	vnsel vm2, $0x0, v26;
	v42 =	vld [tilespmem:s4+$0x30]  }
0x31c: {  	v16 =	vnsel vm1, $0x0, v27;
	v12 =	vadd.f32 v39, v12;
	v11 =	vadd.f32 v34, v11;
	v41 =	vld [tilespmem:s2+$0x40]  }
0x31d: {  	v29 =	vmax.f32 v29, $-4.000000060e+30;
	v13 =	vadd.f32 v15, v13;
	v14 =	vadd.f32 v16, v14;
	v34 =	vld [tilespmem:s4+$0x40]  }
0x31e: {  	v15 =	vmax.f32 v18, $-4.000000060e+30;
	v18 =	vmax.f32 v30, $-4.000000060e+30;
	v16 =	vmax.f32 v29, v19;
	v39 =	vld [tilespmem:s2+$0xFFFFFFB0]  }
0x31f: {  	v15 =	vmax.f32 v25, v15;
	v18 =	vmax.f32 v18, v27;
	v16 =	vmax.f32 v16, v21;
	v43 =	vld [tilespmem:s4+$0xFFFFFFB0]  }
0x320: {  	v19 =	vmax.f32 v22, $-4.000000060e+30;
	v22 =	vmax.f32 v26, $-4.000000060e+30;
	v21 =	vmax.f32 v23, $-4.000000060e+30;
	v44 =	vld [tilespmem:s2+$0x0]  }
0x321: {  	v18 =	vmax.f32 v18, v19;
	v16 =	vmax.f32 v16, v15;
	v19 =	vmax.f32 v21, v22;
	v45 =	vld [tilespmem:s4+$0x0]  }
0x322: {  	v15 =	vld.idx.msk [tilespmem:v10+s29+$0x0], $0xffff;
	v10 =	vmax.f32 v18, v19;
	(xrf0) =	vmax.scan.msk.f32 $0xffff, v16  }
0x323: {  	v16 =	vld.idx.msk [tilespmem:v35+s29+$0x0], $0xffff;
	(xrf0) =	vmax.scan.msk.f32 $0xffff, v10  }
0x324: {  	v17 =	vld.idx.msk [tilespmem:v17+s29+$0x0], $0xffff  }
0x325: {  	v18 =	vld.idx.msk [tilespmem:v20+s29+$0x0], $0xffff  }
0x326: {  	v19 =	vld.idx.msk [tilespmem:v24+s29+$0x0], $0xffff  }
0x327: {  	v20 =	vld.idx.msk [tilespmem:v28+s29+$0x0], $0xffff  }
0x328: {  	v21 =	vld.idx.msk [tilespmem:v31+s29+$0x0], $0xffff;
	v10, _, _ =	vpop (xrf0)  }
0x329: {  	v22 =	vld.idx.msk [tilespmem:v32+s29+$0x0], $0xffff;
	(v2sf) =	vpush v10, $0xF;
	v10, _, _ =	vpop (xrf0)  }
0x32a: {  	v23 =	vld.idx.msk [tilespmem:v33+s29+$0x0], $0xffff;
	(v2sf) =	vpush v10, $0xF  }
0x32b: {  	v24 =	vld.idx.msk [tilespmem:v36+s29+$0x0], $0xffff  }
0x32c: {  	v25 =	vld.idx.msk [tilespmem:v37+s29+$0x0], $0xffff  }
0x32d: {  	v27 =	vld.idx.msk [tilespmem:v40+s29+$0x0], $0xffff  }
0x32e: {  	v26 =	vld.idx.msk [tilespmem:v38+s29+$0x0], $0xffff  }
0x32f: {  	v28 =	vld.idx.msk [tilespmem:v42+s29+$0x0], $0xffff  }
0x330: {  	v29 =	vld.idx.msk [tilespmem:v41+s29+$0x0], $0xffff  }
.Ltmp22:
0x331: {  	v30 =	vld.idx.msk [tilespmem:v34+s29+$0x0], $0xffff;
	(pc) =	sbr.rel @p0 .LBB2_24-.Ltmp22, $4  }
0x332: {  	v31 =	vld.idx.msk [tilespmem:v39+s29+$0x0], $0xffff  }
0x333: {  	v32 =	vld.idx.msk [tilespmem:v43+s29+$0x0], $0xffff  }
0x334: {  	v33 =	vld.idx.msk [tilespmem:v44+s29+$0x0], $0xffff  }
0x335: {  	s2 =	sadd.s32 $0xA0, s2;
	v34 =	vld.idx.msk [tilespmem:v45+s29+$0x0], $0xffff  }
0x336: {  	v10 =	vadd.f32 v16, v15  }
0x337: {  	v15 =	vadd.f32 v18, v17;
	v40 =	vadd.f32 v20, v19  }
0x338: {  	v41 =	vadd.f32 v22, v21;
	v43 =	vadd.f32 v24, v23  }
0x339: {  	v45 =	vadd.f32 v27, v25;
	v48 =	vadd.f32 v28, v26  }
0x33a: {  	v49 =	vadd.f32 v30, v29;
	v42 =	vmax.f32 v10, $-4.000000060e+30;
	v44 =	vadd.f32 v32, v31  }
0x33b: {  	v46 =	vmax.f32 v15, $-4.000000060e+30;
	v51 =	vmax.f32 v40, $-4.000000060e+30;
	v47 =	vadd.f32 v34, v33  }
0x33c: {  	v54 =	vmax.f32 v43, $-4.000000060e+30;
	v55 =	vmax.f32 v45, $-4.000000060e+30;
	v50 =	vmax.f32 v44, $-4.000000060e+30  }
0x33d: {  	v56 =	vmax.f32 v48, $-4.000000060e+30;
	v26 =	vmax.f32 v50, v41;
	v52 =	vmax.f32 v47, $-4.000000060e+30  }
0x33e: {  	v22 =	vmax.f32 v46, v51;
	v18 =	vmax.f32 v26, v42;
	v53 =	vmax.f32 v52, v49  }
0x33f: {  	v58 =	vmax.f32 v55, v56;
	v18 =	vmax.f32 v18, v22;
	v57 =	vmax.f32 v53, v54  }
0x340: {  	(xrf0) =	vmax.scan.msk.f32 $0xffff, v18;
	v22 =	vmax.f32 v57, v58  }
0x341: {  	(xrf0) =	vmax.scan.msk.f32 $0xffff, v22;
	_ =	sdelay $0x4  }
0x342: {  	v18, _, _ =	vpop (xrf0)  }
0x343: {  	(v2sf) =	vpush v18, $0xF;
	v59, _, _ =	vpop (xrf0)  }
0x344: {  	(v2sf) =	vpush v59, $0xF;
	_ =	sdelay $0x4  }
0x345: {  	vm2 =	vgt.f32 v43, $-1.000000020e+30  }
0x346: {  	vm3 =	vgt.f32 v45, $-1.000000020e+30;
	vm4 =	vgt.f32 v48, $-1.000000020e+30;
	vm1 =	vgt.f32 v49, $-1.000000020e+30  }
0x347: {  	vm6 =	vgt.f32 v10, $-1.000000020e+30;
	vm7 =	vgt.f32 v15, $-1.000000020e+30;
	vm5 =	vgt.f32 v44, $-1.000000020e+30  }
0x348: {  	vm15 =	vgt.f32 v40, $-1.000000020e+30;
	vm9 =	vgt.f32 v41, $-1.000000020e+30;
	v60 =	vnsel vm5, $0x0, v44  }
0x349: {  	v61 =	vnsel vm2, $0x0, v43;
	v10 =	vnsel vm6, $0x0, v10;
	v14 =	vadd.f32 v60, v14  }
0x34a: {  	v17 =	vnsel vm9, $0x0, v41;
	v63 =	vnsel vm3, $0x0, v45;
	v15 =	vnsel vm7, $0x0, v15  }
0x34b: {  	s0 =	sadd.s32 $0x2, s0;
	v16 =	vnsel vm15, $0x0, v40;
	vm8 =	vgt.f32 v47, $-1.000000020e+30;
	v14 =	vadd.f32 v17, v14  }
.Ltmp23:
0x34c: {  	s2 =	sadd.s32 $0xFFFFFFFF, s0;
	s1 =	spop (v2sf);
	v10 =	vadd.f32 v10, v11;
	v12 =	vadd.f32 v15, v12;
	v11 =	vnsel vm8, $0x0, v47;
	(pc) =	sbr.rel .LBB2_26-.Ltmp23, $4  }
0x34d: {  	s16 =	sadd.s32 $0x2, s0;
	s4 =	spop (v2sf);
	[smem:s2] =	sst s1;
	v13 =	vadd.f32 v16, v13;
	v15 =	vnsel vm4, $0x0, v48;
	v14 =	vadd.f32 v11, v14  }
0x34e: {  	s17 =	sadd.s32 $0xFFFFFFFF, s16;
	[smem:s0] =	sst s4;
	v12 =	vadd.f32 v63, v12;
	v11 =	vadd.f32 v61, v10;
	v10 =	vnsel vm1, $0x0, v49;
	s30 =	spop (v2sf)  }
0x34f: {  	v13 =	vadd.f32 v15, v13;
	v14 =	vadd.f32 v10, v14;
	[smem:s17] =	sst s30;
	s31 =	spop (v2sf)  }
0x350: {  	s1 =	simm.s32 $0x1A5E0;
	s0 =	simm.s32 $0x19640;
	[smem:s16] =	sst s31  }
.LBB2_30:
0x351: {  	s29 =	sadd.s32 $0x1, s29  }
0x352: {  	p0 =	sne.s32 s29, $0x32  }
.Ltmp24:
0x353: {  	_ = 	snop;
	(pc) =	sbr.rel @!p0 .LBB2_31-.Ltmp24, $2  }
0x354: {  	_ =	sdelay $0x2  }
0x355: {  	s0 =	sadd.s32 $0x50, s0;
	s1 =	sadd.s32 $0x50, s1  }
.LBB2_26:
0x356: {  	s2 =	sld [smem:s29+$0x0];
	_ =	sdelay $0x2  }
0x357: {  	p0 =	sgt.f32 s2, $-1.000000020e+30  }
.Ltmp25:
0x358: {  	_ = 	snop;
	(pc) =	sbr.rel @!p0 .LBB2_30-.Ltmp25, $4  }
.Ltmp26:
0x359: {  	_ = 	snop;
	(pc) =	sbr.rel @p0 .LBB2_27-.Ltmp26, $4  }
0x35a: {  	_ = 	snop  }
0x35b: {  	_ = 	snop  }
0x35c: {  	s2 =	simm.s32 $0x0  }
0x35d: {  	_ = 	snop  }
.LBB2_29:
0x35e: {  	s2 =	sadd.s32 $0x40, s2  }
0x35f: {  	p0 =	sne.s32 s2, $0x140  }
.Ltmp27:
0x360: {  	_ = 	snop;
	(pc) =	sbr.rel @!p0 .LBB2_30-.Ltmp27, $1  }
0x361: {  	_ =	sdelay $0x3  }
.LBB2_27:
0x362: {  	s4 =	sshra.s32 s2, $0x2  }
0x363: {  	s16 =	sadd.s32 s4, s0  }
0x364: {  	s4 =	sadd.s32 s4, s1;
	v15 =	vld [tilespmem:s16+$0x0]  }
0x365: {  	v16 =	vld [tilespmem:s4+$0x0];
	_ =	sdelay $0x6  }
0x366: {  	v10 =	vld.idx.msk [tilespmem:v15+s6+$0x0], $0xffff  }
0x367: {  	v17 =	vld.idx.msk [tilespmem:v16+s6+$0x0], $0xffff;
	_ =	sdelay $0x4  }
0x368: {  	v10 =	vadd.f32 v17, v10;
	_ =	sdelay $0x1  }
0x369: {  	vm1 =	vgt.f32 v10, $-1.000000020e+30  }
0x36a: {  	v10 =	vsel vm1, $0x3F800000, v2  }
0x36b: {  	(xrf0) =	vmax.scan.msk.f32 $0xffff, v10;
	_ =	sdelay $0x5  }
0x36c: {  	v10, _, _ =	vpop (xrf0)  }
0x36d: {  	(v2sf) =	vpush v10, $0xF;
	_ =	sdelay $0xe  }
0x36e: {  	s31 =	spop (v2sf)  }
0x36f: {  	p0 =	sgt.f32 s31, $0.0e+00  }
.Ltmp28:
0x370: {  	_ = 	snop;
	(pc) =	sbr.rel @!p0 .LBB2_29-.Ltmp28, $1  }
0x371: {  	_ =	sdelay $0x3  }
0x372: {  	_ =	sdelay $0x3  }
0x373: {  	[tilespmem:s23], [sflag:$0x3] =	stream.indirect_vreg.gather [hbm4b:s7+s6], $0x8, v15, vm0, $0xb8;
	[tilespmem:$0x1D5D0] =	vst v63  }
0x374: {  	_ = 	snop  }
0x375: {  	[tilespmem:s24], [sflag:$0x3] =	stream.indirect_vreg.gather [hbm4b:s7+s6], $0x8, v16, vm0, $0xb8;
	[tilespmem:$0x1D5D0] =	vst v63  }
0x376: {  	_ =	swait.ge [sflag:s20], $0x80  }
0x377: {  	[sflag:s20] =	ssyncset.done $0x0  }
0x378: {  	[sflag:s20] =	ssyncadd.s32 $0xFFFFFF80  }
0x379: {  	_ =	swait.ge [sflag:s20], $0x80  }
0x37a: {  	[sflag:s20] =	ssyncset.done $0x0  }
0x37b: {  	[sflag:s20] =	ssyncadd.s32 $0xFFFFFF80  }
0x37c: {  	v10 =	vld.idx.msk [tilespmem:v0+s23+$0x0], $0xffff  }
0x37d: {  	v15 =	vld.idx.msk [tilespmem:v0+s24+$0x0], $0xffff  }
0x37e: {  	v50 =	vld.idx.msk [tilespmem:v3+s23+$0x0], $0xffff  }
0x37f: {  	v17 =	vld.idx.msk [tilespmem:v3+s24+$0x0], $0xffff  }
0x380: {  	v18 =	vld.idx.msk [tilespmem:v4+s23+$0x0], $0xffff  }
0x381: {  	v19 =	vld.idx.msk [tilespmem:v4+s24+$0x0], $0xffff  }
0x382: {  	v20 =	vld.idx.msk [tilespmem:v5+s23+$0x0], $0xffff  }
0x383: {  	v51 =	vld.idx.msk [tilespmem:v5+s24+$0x0], $0xffff  }
0x384: {  	v52 =	vld.idx.msk [tilespmem:v6+s23+$0x0], $0xffff;
	v10 =	vsub.f32 v10, v15;
	v15 =	vsub.f32 v50, v17  }
0x385: {  	v21 =	vld.idx.msk [tilespmem:v6+s24+$0x0], $0xffff  }
0x386: {  	v53 =	vld.idx.msk [tilespmem:v7+s23+$0x0], $0xffff;
	v10 =	vadd.f32 $9.999999970e-07, v10;
	v15 =	vadd.f32 $9.999999970e-07, v15  }
0x387: {  	v54 =	vld.idx.msk [tilespmem:v7+s24+$0x0], $0xffff;
	v18 =	vsub.f32 v18, v19  }
0x388: {  	v55 =	vld.idx.msk [tilespmem:v8+s24+$0x0], $0xffff;
	v10 =	vmul.f32 v10, v10;
	v15 =	vmul.f32 v15, v15  }
0x389: {  	v22 =	vld.idx.msk [tilespmem:v9+s23+$0x0], $0xffff;
	v16 =	vsub.f32 v20, v51;
	v18 =	vadd.f32 $9.999999970e-07, v18  }
0x38a: {  	v10 =	vadd.f32 v15, v10;
	v15 =	vld.idx.msk [tilespmem:v8+s23+$0x0], $0xffff  }
0x38b: {  	v56 =	vld.idx.msk [tilespmem:v9+s24+$0x0], $0xffff;
	v17 =	vsub.f32 v52, v21;
	v16 =	vadd.f32 $9.999999970e-07, v16;
	v18 =	vmul.f32 v18, v18  }
0x38c: {  	v19 =	vsub.f32 v53, v54  }
0x38d: {  	v17 =	vadd.f32 $9.999999970e-07, v17;
	v16 =	vmul.f32 v16, v16;
	v10 =	vadd.f32 v18, v10  }
0x38e: {  	v58 =	vadd.f32 $9.999999970e-07, v19  }
0x38f: {  	v57 =	vmul.f32 v17, v17;
	v10 =	vadd.f32 v16, v10;
	v15 =	vsub.f32 v15, v55  }
0x390: {  	v59 =	vsub.f32 v22, v56  }
0x391: {  	v17 =	vmul.f32 v58, v58;
	v10 =	vadd.f32 v57, v10;
	v15 =	vadd.f32 $9.999999970e-07, v15;
	_ =	sdelay $0x1  }
0x392: {  	v16 =	vadd.f32 $9.999999970e-07, v59;
	v10 =	vadd.f32 v17, v10;
	v15 =	vmul.f32 v15, v15;
	_ =	sdelay $0x1  }
0x393: {  	v10 =	vadd.f32 v15, v10;
	v15 =	vmul.f32 v16, v16;
	_ =	sdelay $0x1  }
0x394: {  	v10 =	vadd.f32 v15, v10;
	_ =	sdelay $0x1  }
0x395: {  	v10 =	vmax.f32 v10, $1.000000020e-35  }
0x396: {  	v15 =	vshra.s32 v10, $0x1;
	v60 =	vmul.f32 $5.000000000e-01, v10  }
0x397: {  	v15 =	vsub.s32 $0x5F3759DF, v15  }
0x398: {  	v61 =	vmul.f32 v15, v60;
	_ =	sdelay $0x1  }
0x399: {  	v17 =	vmul.f32 v15, v61;
	_ =	sdelay $0x1  }
0x39a: {  	v17 =	vsub.f32 $1.500000000e+00, v17;
	_ =	sdelay $0x1  }
0x39b: {  	v15 =	vmul.f32 v15, v17;
	_ =	sdelay $0x1  }
0x39c: {  	v17 =	vmul.f32 v15, v60;
	_ =	sdelay $0x1  }
0x39d: {  	v17 =	vmul.f32 v17, v15;
	_ =	sdelay $0x1  }
0x39e: {  	v17 =	vsub.f32 $1.500000000e+00, v17;
	_ =	sdelay $0x1  }
0x39f: {  	v15 =	vmul.f32 v17, v15;
	_ =	sdelay $0x1  }
0x3a0: {  	v16 =	vmul.f32 v15, v60;
	_ =	sdelay $0x1  }
0x3a1: {  	v16 =	vmul.f32 v16, v15;
	_ =	sdelay $0x1  }
0x3a2: {  	v16 =	vsub.f32 $1.500000000e+00, v16;
	_ =	sdelay $0x1  }
0x3a3: {  	v63 =	vld [tilespmem:$0x1D5C0];
	v15 =	vmul.f32 v16, v15;
	_ =	sdelay $0x1  }
0x3a4: {  	v10 =	vmul.f32 v15, v10  }
.Ltmp29:
0x3a5: {  	_ = 	snop;
	(pc) =	sbr.rel .LBB2_29-.Ltmp29, $3  }
0x3a6: {  	v10 =	vnsel vm1, $0x0, v10  }
0x3a7: {  	v10 =	vsub.f32 v63, v10;
	_ =	sdelay $0x1  }
0x3a8: {  	[tilespmem:$0x1D5C0] =	vst v10  }
.LBB2_32:
0x3a9: {  	_ =	sfence.sel $0x180000  }
0x3aa: {  	[bflag:$0x0] =	sbarrier.arrive $0xFFFF  }
0x3ab: {  	_ =	strace $0x9000004D  }
0x3ac: {  	s0 =	stileid.u32;
	[bflag:$0x2] =	sbarrier.arrive $0xFFFF  }
0x3ad: {  	p0 =	sne.s32 s0, $0x0;
	s0 =	rddreg [dreg:$0x5]  }
0x3ae: {  	s0 =	sadd.s32 @!p0 $0x100000, s0  }
0x3af: {  	[sflag:s0] =	ssyncadd.tile.s32 @!p0 $0x1;
	_ =	shalt  }
.Lfunc_end2:
_tile_overlayer_lowered:
.L_overlay_start_2:
0x3b0: {  	(tag) =	ssettag $0x2  }
0x3b1: {  	s0 =	rddreg [dreg:$0x0];
	s2 =	stileid.u32  }
0x3b2: {  	s1 =	rddreg [dreg:$0x1];
	p0 =	sne.s32 s2, $0x0  }
0x3b3: {  	s3 =	rddreg [dreg:$0x2];
	[bflag:$0x3] =	sbarrier.arrive $0xFFFF;
	s2 =	simm.s32 @!p0 $0x1C04  }
0x3b4: {  	[timem:s3], [sflag:s2] =	dma.local @!p0 [hbm:s0], s1  }
0x3b5: {  	s0 =	simm.s32 @!p0 $0x4  }
0x3b6: {  	_ =	swait.ge @!p0 [sflag:s0], s1  }
0x3b7: {  	s1 =	ssub.s32 @!p0 $0x0, s1;
	[sflag:s0] =	ssyncset.done @!p0 $0x0  }
0x3b8: {  	[sflag:s0] =	ssyncadd.s32 @!p0 s1  }
0x3b9: {  	[bflag:$0x3] =	sbarrier.arrive $0xFFFF  }
0x3ba: {  	_ =	shalt  }

</sc_bundles>
